<compile_context>
chip_gen: v7x
topology: tpu7x:2x2x1
jax: 0.10.2.dev20260603
libtpu: 0.0.44.dev20260713+nightly
codegen_flags: <defaults>
</compile_context>

<pallas_src>
import functools

import jax
import jax.numpy as jnp
from jax import lax
from jax.experimental import pallas as pl
from jax.experimental.pallas import tpu as pltpu
from jax.experimental.pallas import tpu_sc as plsc

N1 = 10240
NCORES = 2
NSUB = 16
NTILES = NCORES * NSUB
BLK = 128


def _elu(x):
    return jnp.where(x > 0, x, jnp.exp(x) - 1.0)



RB = 1280


def _row_spec(cols):
    return pl.BlockSpec((RB, cols), lambda i: (i, 0))


def _full_spec(shape):
    nd = len(shape)
    return pl.BlockSpec(shape, lambda i: (0,) * nd)


def _tc_prologue(high_p, low_p, W_emb, b_emb, W1a, W1b, S2, D2):
    def body(h_ref, l_ref, we_ref, be_ref, w1a_ref, w1b_ref, s2_ref, d2_ref,
             tsrc_ref, tdst_ref):
        le = _elu(jnp.dot(l_ref[...], we_ref[...],
                          preferred_element_type=jnp.float32) + be_ref[...])
        h1 = (jnp.dot(h_ref[...], w1a_ref[...],
                      preferred_element_type=jnp.float32)
              + jnp.dot(le, w1b_ref[...], preferred_element_type=jnp.float32))
        tsrc_ref[:, 0:64] = h1
        tsrc_ref[:, 64:80] = jnp.dot(h1, s2_ref[...],
                                     preferred_element_type=jnp.float32)
        tdst_ref[...] = jnp.dot(h1, d2_ref[...],
                                preferred_element_type=jnp.float32)

    args = (high_p, low_p, W_emb, b_emb, W1a, W1b, S2, D2)
    return pl.pallas_call(
        body,
        grid=(N1 // RB,),
        in_specs=[_row_spec(high_p.shape[1]), _row_spec(low_p.shape[1])]
                 + [_full_spec(a.shape) for a in args[2:]],
        out_specs=(_row_spec(80), _row_spec(16)),
        out_shape=(jax.ShapeDtypeStruct((N1, 80), jnp.float32),
                   jax.ShapeDtypeStruct((N1, 16), jnp.float32)),
    )(*args)


def _tc_mid(acc_a, acc_b, R, bias1, W2, a2s, a2d):
    def body(a_ref, b_ref, r_ref, b1_ref, w2_ref, s_ref, d_ref,
             tsrc_ref, tdst_ref):
        s = a_ref[...] + b_ref[...]
        den = jnp.dot(s[:, 0:16], r_ref[...],
                      preferred_element_type=jnp.float32)
        x1 = _elu(s[:, 16:80] / (den + 1e-16) + b1_ref[...])
        h2 = jnp.dot(x1, w2_ref[...], preferred_element_type=jnp.float32)
        tsrc_ref[:, 0:16] = h2
        tsrc_ref[:, 16:32] = jnp.dot(h2, s_ref[...],
                                     preferred_element_type=jnp.float32)
        tdst_ref[...] = jnp.dot(h2, d_ref[...],
                                preferred_element_type=jnp.float32)

    args = (acc_a, acc_b, R, bias1, W2, a2s, a2d)
    return pl.pallas_call(
        body,
        grid=(N1 // RB,),
        in_specs=[_row_spec(80), _row_spec(80)]
                 + [_full_spec(a.shape) for a in args[2:]],
        out_specs=(_row_spec(32), _row_spec(16)),
        out_shape=(jax.ShapeDtypeStruct((N1, 32), jnp.float32),
                   jax.ShapeDtypeStruct((N1, 16), jnp.float32)),
    )(*args)


def _tc_epilogue(acc_a, acc_b, bias2):
    def body(a_ref, b_ref, b2_ref, out_ref):
        s = a_ref[...] + b_ref[...]
        o = s[:, 16:32] / (s[:, 0:1] + 1e-16) + b2_ref[...]
        m = jnp.max(o, axis=1, keepdims=True)
        z = o - m
        lse = jnp.log(jnp.sum(jnp.exp(z), axis=1, keepdims=True))
        out_ref[...] = z - lse

    return pl.pallas_call(
        body,
        grid=(N1 // RB,),
        in_specs=[_row_spec(32), _row_spec(32), _full_spec(bias2.shape)],
        out_specs=_row_spec(16),
        out_shape=jax.ShapeDtypeStruct((N1, 16), jnp.float32),
    )(acc_a, acc_b, bias2)



_GATHER_DNUMS = lax.GatherDimensionNumbers(
    offset_dims=(), collapsed_slice_dims=(0,), start_index_map=(0,))


def _vperm(x, idx):
    return lax.gather(x, idx[:, None], _GATHER_DNUMS, (1,),
                      mode=lax.GatherScatterMode.PROMISE_IN_BOUNDS)


def _edge_compute_l1(srows, drows, orows, e):
    sa = srows[e, pl.ds(0, 16)]
    da = drows[e, pl.ds(0, 16)]
    al = sa + da
    w = jnp.exp(jnp.maximum(al, 0.2 * al))
    orows[e, pl.ds(0, 16)] = w
    lane_half = lax.shift_right_logical(lax.iota(jnp.int32, 16), 3)
    for half in range(2):
        pk = lax.bitcast_convert_type(srows[e, pl.ds(16 + 16 * half, 16)],
                                      jnp.int32)
        ha = lax.bitcast_convert_type(lax.shift_left(pk, 16), jnp.float32)
        hc = lax.bitcast_convert_type(
            jnp.bitwise_and(pk, jnp.int32(-65536)), jnp.float32)
        k0 = 2 * half
        orows[e, pl.ds(16 + 16 * k0, 16)] = ha * _vperm(w, lane_half + 2 * k0)
        orows[e, pl.ds(32 + 16 * k0, 16)] = hc * _vperm(w, lane_half + 2 * k0 + 2)


def _edge_compute_l2(srows, drows, orows, e):
    row = srows[e, pl.ds(0, 16)]
    da = drows[e, pl.ds(0, 16)]
    lane = lax.iota(jnp.int32, 16)
    a16 = _vperm(row, jnp.bitwise_and(lane, 7))
    al = a16 + da
    w = jnp.exp(jnp.maximum(al, 0.2 * al))
    orows[e, pl.ds(0, 16)] = w
    rowi = lax.bitcast_convert_type(row, jnp.int32)
    pkd = _vperm(rowi, 8 + lax.shift_right_logical(lane, 1))
    amt = lax.shift_left(1 - jnp.bitwise_and(lane, 1), 4)
    hbits = jnp.bitwise_and(lax.shift_left(pkd, amt), jnp.int32(-65536))
    h2 = lax.bitcast_convert_type(hbits, jnp.float32)
    orows[e, pl.ds(16, 16)] = h2 * w


NBUF = 3
NOBUF = 2


def _sc_edge_pass(tsrc, tdst, src_idx, dst_idx, nb, row_s, row_o, edge_fn):
    rows_per_sub = N1 // NSUB
    zchunk = 128
    mesh = plsc.VectorSubcoreMesh(core_axis_name="c", subcore_axis_name="s")

    @functools.partial(
        pl.kernel,
        mesh=mesh,
        compiler_params=pltpu.CompilerParams(use_tc_tiling_on_sc=False),
        out_type=jax.ShapeDtypeStruct((NCORES, N1, row_o), jnp.float32),
        scratch_types=[
            pltpu.VMEM((nb + NBUF, BLK), jnp.int32),
            pltpu.VMEM((nb + NBUF, BLK), jnp.int32),
        ]
        + [pltpu.VMEM((BLK, row_s), jnp.float32)] * NBUF
        + [pltpu.VMEM((BLK, 16), jnp.float32)] * NBUF
        + [pltpu.VMEM((BLK, row_o), jnp.float32)] * NOBUF
        + [pltpu.VMEM_SHARED((N1, row_o), jnp.float32)]
        + [pltpu.SemaphoreType.DMA] * (NBUF + NOBUF),
    )
    def k(tsrc_hbm, tdst_hbm, sidx_hbm, didx_hbm, out_hbm, sidx_v, didx_v,
          *bufs):
        srows = bufs[0:NBUF]
        drows = bufs[NBUF:2 * NBUF]
        orows = bufs[2 * NBUF:2 * NBUF + NOBUF]
        acc = bufs[2 * NBUF + NOBUF]
        gsem = bufs[2 * NBUF + NOBUF + 1:2 * NBUF + NOBUF + 1 + NBUF]
        ssem = bufs[2 * NBUF + NOBUF + 1 + NBUF:]
        c = lax.axis_index("c")
        s = lax.axis_index("s")
        wid = c * NSUB + s

        pltpu.sync_copy(sidx_hbm.at[wid], sidx_v)
        pltpu.sync_copy(didx_hbm.at[wid], didx_v)
        base = s * rows_per_sub

        def start_gather(j, b):
            pltpu.async_copy(tsrc_hbm.at[sidx_v.at[j]], srows[b], gsem[b])
            pltpu.async_copy(tdst_hbm.at[didx_v.at[j]], drows[b], gsem[b])

        def wait_gather(j, b):
            pltpu.make_async_copy(tsrc_hbm.at[sidx_v.at[j]], srows[b],
                                  gsem[b]).wait()
            pltpu.make_async_copy(tdst_hbm.at[didx_v.at[j]], drows[b],
                                  gsem[b]).wait()

        def start_scatter(j, b):
            pltpu.async_copy(orows[b], acc.at[didx_v.at[j]], ssem[b],
                             add=True)

        def wait_scatter(j, b):
            pltpu.make_async_copy(orows[b], acc.at[didx_v.at[j]],
                                  ssem[b]).wait()

        zero = jnp.zeros((16,), jnp.float32)

        def zrow(e, _):
            for col in range(row_o // 16):
                orows[0][e, pl.ds(16 * col, 16)] = zero
            return 0

        lax.fori_loop(0, zchunk, zrow, 0)

        def zcopy(i, _):
            pltpu.sync_copy(orows[0],
                            acc.at[pl.ds(base + i * zchunk, zchunk)])
            return 0

        lax.fori_loop(0, rows_per_sub // zchunk, zcopy, 0)
        plsc.subcore_barrier()
        for p in range(NBUF - 1):
            start_gather(p, p)

        def blockn(i, _):
            j0 = NBUF * i
            for p in range(NBUF):
                jp = j0 + p
                start_gather(jp + NBUF - 1, (p + NBUF - 1) % NBUF)
                wait_gather(jp, p)
                ob = p % NOBUF
                if p < NOBUF:
                    @pl.when(i > 0)
                    def _():
                        wait_scatter(jp - NOBUF, ob)
                else:
                    wait_scatter(jp - NOBUF, ob)

                @plsc.parallel_loop(0, BLK, step=1, unroll=4)
                def _(e):
                    edge_fn(srows[p], drows[p], orows[ob], e)

                start_scatter(jp, ob)
            return 0

        lax.fori_loop(0, nb // NBUF, blockn, 0)
        for p in range(NBUF - 1):
            wait_gather(nb + p, (nb + p) % NBUF)
        wait_scatter(nb - 2, 0)
        wait_scatter(nb - 1, 1)
        plsc.subcore_barrier()

        pltpu.sync_copy(acc.at[pl.ds(base, rows_per_sub)],
                        out_hbm.at[c, pl.ds(base, rows_per_sub)])

    return k(tsrc, tdst, src_idx, dst_idx)



def kernel(high_dim_features, low_dim_features, edge_index, W_emb, b_emb, W1,
           att_src1, att_dst1, bias1, W2, att_src2, att_dst2, bias2):
    n, high = high_dim_features.shape
    e = edge_index.shape[1]
    et = e + n
    nb = -(-et // (NTILES * BLK))
    et_pad = NTILES * BLK * nb

    nb = -(-nb // NBUF) * NBUF
    et_pad = NTILES * BLK * nb

    loop = jnp.arange(n, dtype=jnp.int32)
    src = jnp.concatenate([edge_index[0].astype(jnp.int32), loop])
    dst = jnp.concatenate([edge_index[1].astype(jnp.int32), loop])
    pad = jnp.full((et_pad - et,), n, jnp.int32)
    dummy = jnp.full((NTILES, NBUF, BLK), n, jnp.int32)
    src = jnp.concatenate([src, pad]).reshape(nb, NTILES, BLK).swapaxes(0, 1)
    dst = jnp.concatenate([dst, pad]).reshape(nb, NTILES, BLK).swapaxes(0, 1)
    src = jnp.concatenate([src, dummy], axis=1)
    dst = jnp.concatenate([dst, dummy], axis=1)

    high_p = jnp.pad(high_dim_features, ((0, N1 - n), (0, 0)))
    low_p = jnp.pad(low_dim_features, ((0, N1 - n), (0, 0)))

    heads, hid = att_src1.shape[1], att_src1.shape[2]
    eye = jnp.eye(heads, dtype=jnp.float32)
    s8 = (att_src1[0][:, :, None] * eye[:, None, :]).reshape(heads * hid, heads)
    d8 = (att_dst1[0][:, :, None] * eye[:, None, :]).reshape(heads * hid, heads)
    S2 = jnp.concatenate([s8, s8], axis=1)
    D2 = jnp.concatenate([d8, d8], axis=1)

    r8 = jnp.kron(jnp.eye(heads, dtype=jnp.float32),
                  jnp.ones((1, hid), jnp.float32))
    R = jnp.concatenate([r8, jnp.zeros_like(r8)], axis=0)
    a2s = jnp.tile(att_src2[0].reshape(-1, 1), (1, 16))
    a2d = jnp.tile(att_dst2[0].reshape(-1, 1), (1, 16))

    tsrc1, tdst1 = _tc_prologue(high_p, low_p, W_emb, b_emb.reshape(1, -1),
                                W1[:high], W1[high:], S2, D2)
    h1b = lax.bitcast_convert_type(
        tsrc1[:, 0:64].astype(jnp.bfloat16)
        .reshape(N1, 2, 2, 16).transpose(0, 1, 3, 2), jnp.float32)
    h1b = h1b.reshape(N1, 32)
    tsrc1p = jnp.concatenate([tsrc1[:, 64:80], h1b], axis=1)
    acc1 = _sc_edge_pass(tsrc1p, tdst1, src, dst, nb, 48, 80,
                         _edge_compute_l1)
    tsrc2, tdst2 = _tc_mid(acc1[0], acc1[1], R, bias1.reshape(1, -1), W2,
                           a2s, a2d)
    h2b = lax.bitcast_convert_type(
        tsrc2[:, 0:16].astype(jnp.bfloat16).reshape(N1, 8, 2), jnp.float32)
    tsrc2p = jnp.concatenate([tsrc2[:, 16:24], h2b], axis=1)
    acc2 = _sc_edge_pass(tsrc2p, tdst2, src, dst, nb, 16, 32,
                         _edge_compute_l2)
    out = _tc_epilogue(acc2[0], acc2[1], bias2.reshape(1, -1))
    return out[:n]

# --- scband reference (transcript-rebuilt; emitter-appended) ---
"""Pipeline reference for scband-combined-gat-83459804495956 (READ-ONLY COPY).

The authoritative reference and input builder live on the scoring server;
editing this copy changes nothing except your own understanding.
"""

import jax, jax.numpy as jnp
import numpy as np

N = 10000
E = 320000
HIGH = 128
LOW = 16
EMB = 32
HID = 8
HEADS = 8
OUT = 16


def setup_inputs(seed: int = 0) -> dict:
    key = jax.random.key(seed)
    ks = jax.random.split(key, 14)
    in1 = HIGH + EMB
    inp = {}
    inp['high_dim_features'] = jax.random.normal(ks[0], (N, HIGH), dtype=jnp.float32)
    inp['low_dim_features'] = jax.random.normal(ks[1], (N, LOW), dtype=jnp.float32)
    inp['edge_index'] = jax.random.randint(ks[2], (2, E), 0, N)
    inp['W_emb'] = jax.random.normal(ks[3], (LOW, EMB), dtype=jnp.float32) * (1.0 / np.sqrt(LOW))
    inp['b_emb'] = jnp.zeros((EMB,), dtype=jnp.float32)
    inp['W1'] = jax.random.normal(ks[4], (in1, HEADS * HID), dtype=jnp.float32) * (1.0 / np.sqrt(in1))
    inp['att_src1'] = jax.random.normal(ks[5], (1, HEADS, HID), dtype=jnp.float32) * 0.1
    inp['att_dst1'] = jax.random.normal(ks[6], (1, HEADS, HID), dtype=jnp.float32) * 0.1
    inp['bias1'] = jnp.zeros((HEADS * HID,), dtype=jnp.float32)
    inp['W2'] = jax.random.normal(ks[7], (HEADS * HID, OUT), dtype=jnp.float32) * (1.0 / np.sqrt(HEADS * HID))
    inp['att_src2'] = jax.random.normal(ks[8], (1, 1, OUT), dtype=jnp.float32) * 0.1
    inp['att_dst2'] = jax.random.normal(ks[9], (1, 1, OUT), dtype=jnp.float32) * 0.1
    inp['bias2'] = jnp.zeros((OUT,), dtype=jnp.float32)
    return inp


def _gat_conv(x, src, dst, W, att_src, att_dst, bias, heads, out_ch, concat):
    n = x.shape[0]
    h = (x @ W).reshape(n, heads, out_ch)
    a_src = jnp.sum(h * att_src, axis=-1)  # [n, heads]
    a_dst = jnp.sum(h * att_dst, axis=-1)  # [n, heads]
    alpha = a_src[src] + a_dst[dst]        # [e, heads]
    alpha = jax.nn.leaky_relu(alpha, negative_slope=0.2)
    amax = jax.ops.segment_max(alpha, dst, num_segments=n)
    alpha = jnp.exp(alpha - amax[dst])
    denom = jax.ops.segment_sum(alpha, dst, num_segments=n)
    alpha = alpha / (denom[dst] + 1e-16)
    # dropout p=0.6 on alpha is identity in eval mode
    msg = h[src] * alpha[:, :, None]
    out = jax.ops.segment_sum(msg, dst, num_segments=n)
    if concat:
        out = out.reshape(n, heads * out_ch)
    else:
        out = out.mean(axis=1)
    return out + bias


def reference(high_dim_features, low_dim_features, edge_index, W_emb, b_emb, W1,
              att_src1, att_dst1, bias1, W2, att_src2, att_dst2, bias2):
    n = high_dim_features.shape[0]
    # PyG GATConv default add_self_loops=True
    loop = jnp.arange(n, dtype=edge_index.dtype)
    src = jnp.concatenate([edge_index[0], loop])
    dst = jnp.concatenate([edge_index[1], loop])
    low_emb = jax.nn.elu(low_dim_features @ W_emb + b_emb)
    combined = jnp.concatenate([high_dim_features, low_emb], axis=1)
    x = _gat_conv(combined, src, dst, W1, att_src1, att_dst1, bias1, HEADS, HID, True)
    x = jax.nn.elu(x)
    # dropout p=0.6 is identity in eval mode
    x = _gat_conv(x, src, dst, W2, att_src2, att_dst2, bias2, 1, OUT, False)
    return jax.nn.log_softmax(x, axis=1)

if __name__ == "__main__":
    import jax
    _d = setup_inputs()
    print(jax.jit(kernel)(*tuple(_d.values())))

</pallas_src>

<mosaic_0001>
#map = affine_map<(d0, d1) -> (0, 0)>
#map1 = affine_map<(d0, d1) -> (0, 0, 0)>
module attributes {stable_mosaic.version = 14 : i64} {
  func.func @k(%arg0: i32, %arg1: i32, %arg2: memref<10240x16xf32, #tpu.memory_space<hbm>>, %arg3: memref<10240x16xf32, #tpu.memory_space<hbm>>, %arg4: memref<32x84x128xi32, #tpu.memory_space<hbm>>, %arg5: memref<32x84x128xi32, #tpu.memory_space<hbm>>, %arg6: memref<2x10240x32xf32, #tpu.memory_space<hbm>>, %arg7: memref<84x128xi32, #tpu.memory_space<vmem>>, %arg8: memref<84x128xi32, #tpu.memory_space<vmem>>, %arg9: memref<128x16xf32, #tpu.memory_space<vmem>>, %arg10: memref<128x16xf32, #tpu.memory_space<vmem>>, %arg11: memref<128x16xf32, #tpu.memory_space<vmem>>, %arg12: memref<128x16xf32, #tpu.memory_space<vmem>>, %arg13: memref<128x16xf32, #tpu.memory_space<vmem>>, %arg14: memref<128x16xf32, #tpu.memory_space<vmem>>, %arg15: memref<128x32xf32, #tpu.memory_space<vmem>>, %arg16: memref<128x32xf32, #tpu.memory_space<vmem>>, %arg17: memref<10240x32xf32, #tpu.memory_space<vmem_shared>>, %arg18: memref<!tpu.dma_semaphore, #tpu.memory_space<semaphore_mem>>, %arg19: memref<!tpu.dma_semaphore, #tpu.memory_space<semaphore_mem>>, %arg20: memref<!tpu.dma_semaphore, #tpu.memory_space<semaphore_mem>>, %arg21: memref<!tpu.dma_semaphore, #tpu.memory_space<semaphore_mem>>, %arg22: memref<!tpu.dma_semaphore, #tpu.memory_space<semaphore_mem>>) attributes {dimension_semantics = [#tpu.dimension_semantics<core_parallel>, #tpu.dimension_semantics<subcore_parallel>], iteration_bounds = array<i64: 2, 16>, scalar_prefetch = 0 : i64, scratch_operands = 16 : i64, tpu.core_type = #tpu.core_type<sc_vector_subcore>, window_params = [{transform_indices = #map}, {transform_indices = #map}, {transform_indices = #map1}, {transform_indices = #map1}, {transform_indices = #map1}]} {
    %mul3A = arith.constant 16 : i32
    %mul3A_0 = arith.muli %arg0, %mul3A : i32
    %add3A = arith.addi %mul3A_0, %arg1 : i32
    "tpu.region"() ({
      %run_scoped3A = tpu.sem_alloc : memref<!tpu.dma_semaphore, #tpu.memory_space<semaphore_mem>>
      %dma_start3A_93 = arith.constant 0 : i32
      %dma_start3A_94 = arith.constant 0 : i32
      %dma_start3A_95 = tpu.memref_slice %arg4[%add3A, %dma_start3A_93, %dma_start3A_94] : memref<32x84x128xi32, #tpu.memory_space<hbm>> -> memref<1x84x128xi32, #tpu.memory_space<hbm>>
      %dma_start3A_96 = tpu.memref_squeeze %dma_start3A_95 : memref<1x84x128xi32, #tpu.memory_space<hbm>> -> memref<84x128xi32, #tpu.memory_space<hbm>>
      %dma_start3A_97 = arith.constant 0 : i32
      %dma_start3A_98 = arith.constant 0 : i32
      %dma_start3A_99 = tpu.memref_slice %arg4[%add3A, %dma_start3A_97, %dma_start3A_98] : memref<32x84x128xi32, #tpu.memory_space<hbm>> -> memref<1x84x128xi32, #tpu.memory_space<hbm>>
      %dma_start3A_100 = tpu.memref_squeeze %dma_start3A_99 : memref<1x84x128xi32, #tpu.memory_space<hbm>> -> memref<84x128xi32, #tpu.memory_space<hbm>>
      tpu.enqueue_dma source(%dma_start3A_100 : memref<84x128xi32, #tpu.memory_space<hbm>>) target(%arg7 : memref<84x128xi32, #tpu.memory_space<vmem>>) target_semaphore(%run_scoped3A : memref<!tpu.dma_semaphore, #tpu.memory_space<semaphore_mem>>)
      %dma_wait3A_101 = arith.constant 0 : i32
      %dma_wait3A_102 = arith.constant 0 : i32
      %dma_wait3A_103 = tpu.memref_slice %arg4[%add3A, %dma_wait3A_101, %dma_wait3A_102] : memref<32x84x128xi32, #tpu.memory_space<hbm>> -> memref<1x84x128xi32, #tpu.memory_space<hbm>>
      %dma_wait3A_104 = tpu.memref_squeeze %dma_wait3A_103 : memref<1x84x128xi32, #tpu.memory_space<hbm>> -> memref<84x128xi32, #tpu.memory_space<hbm>>
      %dma_wait3A_105 = arith.constant 0 : i32
      %dma_wait3A_106 = arith.constant 0 : i32
      %dma_wait3A_107 = tpu.memref_slice %arg4[%add3A, %dma_wait3A_105, %dma_wait3A_106] : memref<32x84x128xi32, #tpu.memory_space<hbm>> -> memref<1x84x128xi32, #tpu.memory_space<hbm>>
      %dma_wait3A_108 = tpu.memref_squeeze %dma_wait3A_107 : memref<1x84x128xi32, #tpu.memory_space<hbm>> -> memref<84x128xi32, #tpu.memory_space<hbm>>
      tpu.wait_dma2 semaphore(%run_scoped3A : memref<!tpu.dma_semaphore, #tpu.memory_space<semaphore_mem>>) src(%dma_wait3A_108 : memref<84x128xi32, #tpu.memory_space<hbm>>) dst(%arg7 : memref<84x128xi32, #tpu.memory_space<vmem>>)
      tpu.yield
    }) : () -> ()
    "tpu.region"() ({
      %run_scoped3A = tpu.sem_alloc : memref<!tpu.dma_semaphore, #tpu.memory_space<semaphore_mem>>
      %dma_start3A_93 = arith.constant 0 : i32
      %dma_start3A_94 = arith.constant 0 : i32
      %dma_start3A_95 = tpu.memref_slice %arg5[%add3A, %dma_start3A_93, %dma_start3A_94] : memref<32x84x128xi32, #tpu.memory_space<hbm>> -> memref<1x84x128xi32, #tpu.memory_space<hbm>>
      %dma_start3A_96 = tpu.memref_squeeze %dma_start3A_95 : memref<1x84x128xi32, #tpu.memory_space<hbm>> -> memref<84x128xi32, #tpu.memory_space<hbm>>
      %dma_start3A_97 = arith.constant 0 : i32
      %dma_start3A_98 = arith.constant 0 : i32
      %dma_start3A_99 = tpu.memref_slice %arg5[%add3A, %dma_start3A_97, %dma_start3A_98] : memref<32x84x128xi32, #tpu.memory_space<hbm>> -> memref<1x84x128xi32, #tpu.memory_space<hbm>>
      %dma_start3A_100 = tpu.memref_squeeze %dma_start3A_99 : memref<1x84x128xi32, #tpu.memory_space<hbm>> -> memref<84x128xi32, #tpu.memory_space<hbm>>
      tpu.enqueue_dma source(%dma_start3A_100 : memref<84x128xi32, #tpu.memory_space<hbm>>) target(%arg8 : memref<84x128xi32, #tpu.memory_space<vmem>>) target_semaphore(%run_scoped3A : memref<!tpu.dma_semaphore, #tpu.memory_space<semaphore_mem>>)
      %dma_wait3A_101 = arith.constant 0 : i32
      %dma_wait3A_102 = arith.constant 0 : i32
      %dma_wait3A_103 = tpu.memref_slice %arg5[%add3A, %dma_wait3A_101, %dma_wait3A_102] : memref<32x84x128xi32, #tpu.memory_space<hbm>> -> memref<1x84x128xi32, #tpu.memory_space<hbm>>
      %dma_wait3A_104 = tpu.memref_squeeze %dma_wait3A_103 : memref<1x84x128xi32, #tpu.memory_space<hbm>> -> memref<84x128xi32, #tpu.memory_space<hbm>>
      %dma_wait3A_105 = arith.constant 0 : i32
      %dma_wait3A_106 = arith.constant 0 : i32
      %dma_wait3A_107 = tpu.memref_slice %arg5[%add3A, %dma_wait3A_105, %dma_wait3A_106] : memref<32x84x128xi32, #tpu.memory_space<hbm>> -> memref<1x84x128xi32, #tpu.memory_space<hbm>>
      %dma_wait3A_108 = tpu.memref_squeeze %dma_wait3A_107 : memref<1x84x128xi32, #tpu.memory_space<hbm>> -> memref<84x128xi32, #tpu.memory_space<hbm>>
      tpu.wait_dma2 semaphore(%run_scoped3A : memref<!tpu.dma_semaphore, #tpu.memory_space<semaphore_mem>>) src(%dma_wait3A_108 : memref<84x128xi32, #tpu.memory_space<hbm>>) dst(%arg8 : memref<84x128xi32, #tpu.memory_space<vmem>>)
      tpu.yield
    }) : () -> ()
    %mul3A_1 = arith.constant 640 : i32
    %mul3A_2 = arith.muli %arg1, %mul3A_1 : i32
    %broadcast_in_dim3A = arith.constant 0.000000e+00 : f32
    %broadcast_in_dim3A_3 = vector.broadcast %broadcast_in_dim3A : f32 to vector<16xf32>
    %scan3A = arith.constant 0 : i32
    %scan3A_4 = arith.constant 0 : i32
    %scan3A_5 = arith.constant 128 : i32
    %scan3A_6 = arith.addi %scan3A_4, %scan3A_5 : i32
    %scan3A_7 = arith.constant 1 : i32
    %scan3A_8 = scf.for %scan3A_93 = %scan3A_4 to %scan3A_6 step %scan3A_7 iter_args(%scan3A_94 = %scan3A) -> (i32)  : i32 {
      %swap3A = arith.index_cast %scan3A_93 : i32 to index
      %swap3A_95 = arith.constant 0 : index
      %swap3A_96 = tpu.vector_load %arg15[%swap3A, %swap3A_95] {strides = array<i32>} : memref<128x32xf32, #tpu.memory_space<vmem>>, vector<1x16xf32>,
      %swap3A_97 = vector.shape_cast %swap3A_96 : vector<1x16xf32> to vector<16xf32>
      %swap3A_98 = vector.shape_cast %broadcast_in_dim3A_3 : vector<16xf32> to vector<1x16xf32>
      tpu.vector_store %arg15[%swap3A, %swap3A_95], %swap3A_98 {strides = array<i32>} : memref<128x32xf32, #tpu.memory_space<vmem>>, vector<1x16xf32>,
      %swap3A_99 = arith.index_cast %scan3A_93 : i32 to index
      %swap3A_100 = arith.constant 16 : index
      %swap3A_101 = tpu.vector_load %arg15[%swap3A_99, %swap3A_100] {strides = array<i32>} : memref<128x32xf32, #tpu.memory_space<vmem>>, vector<1x16xf32>,
      %swap3A_102 = vector.shape_cast %swap3A_101 : vector<1x16xf32> to vector<16xf32>
      %swap3A_103 = vector.shape_cast %broadcast_in_dim3A_3 : vector<16xf32> to vector<1x16xf32>
      tpu.vector_store %arg15[%swap3A_99, %swap3A_100], %swap3A_103 {strides = array<i32>} : memref<128x32xf32, #tpu.memory_space<vmem>>, vector<1x16xf32>,
      %scan3A_104 = arith.constant 0 : i32
      scf.yield %scan3A_104 : i32
    }
    %scan3A_9 = arith.constant 128 : i32
    %scan3A_10 = arith.constant 0 : i32
    %scan3A_11 = arith.constant 0 : i32
    %scan3A_12 = arith.constant 5 : i32
    %scan3A_13 = arith.addi %scan3A_11, %scan3A_12 : i32
    %scan3A_14 = arith.constant 1 : i32
    %scan3A_15 = scf.for %scan3A_93 = %scan3A_11 to %scan3A_13 step %scan3A_14 iter_args(%scan3A_94 = %scan3A_10) -> (i32)  : i32 {
      %mul3A_95 = arith.constant 128 : i32
      %mul3A_96 = arith.muli %scan3A_93, %mul3A_95 : i32
      %add3A_97 = arith.addi %mul3A_2, %mul3A_96 : i32
      "tpu.region"() ({
        %run_scoped3A = tpu.sem_alloc : memref<!tpu.dma_semaphore, #tpu.memory_space<semaphore_mem>>
        %dma_start3A_99 = arith.constant 0 : i32
        %dma_start3A_100 = tpu.memref_slice %arg17[%add3A_97, %dma_start3A_99] : memref<10240x32xf32, #tpu.memory_space<vmem_shared>> -> memref<128x32xf32, #tpu.memory_space<vmem_shared>>
        %dma_start3A_101 = arith.constant 0 : i32
        %dma_start3A_102 = tpu.memref_slice %arg17[%add3A_97, %dma_start3A_101] : memref<10240x32xf32, #tpu.memory_space<vmem_shared>> -> memref<128x32xf32, #tpu.memory_space<vmem_shared>>
        tpu.enqueue_dma source(%arg15 : memref<128x32xf32, #tpu.memory_space<vmem>>) target(%dma_start3A_102 : memref<128x32xf32, #tpu.memory_space<vmem_shared>>) target_semaphore(%run_scoped3A : memref<!tpu.dma_semaphore, #tpu.memory_space<semaphore_mem>>)
        %dma_wait3A_103 = arith.constant 0 : i32
        %dma_wait3A_104 = tpu.memref_slice %arg17[%add3A_97, %dma_wait3A_103] : memref<10240x32xf32, #tpu.memory_space<vmem_shared>> -> memref<128x32xf32, #tpu.memory_space<vmem_shared>>
        %dma_wait3A_105 = arith.constant 0 : i32
        %dma_wait3A_106 = tpu.memref_slice %arg17[%add3A_97, %dma_wait3A_105] : memref<10240x32xf32, #tpu.memory_space<vmem_shared>> -> memref<128x32xf32, #tpu.memory_space<vmem_shared>>
        tpu.wait_dma2 semaphore(%run_scoped3A : memref<!tpu.dma_semaphore, #tpu.memory_space<semaphore_mem>>) src(%arg15 : memref<128x32xf32, #tpu.memory_space<vmem>>) dst(%dma_wait3A_106 : memref<128x32xf32, #tpu.memory_space<vmem_shared>>)
        tpu.yield
      }) : () -> ()
      %scan3A_98 = arith.constant 0 : i32
      scf.yield %scan3A_98 : i32
    }
    %scan3A_16 = arith.constant 5 : i32
    %barrier3A = arith.constant 0 : index
    tpu.barrier barrier_id(%barrier3A)
    %dma_start3A = arith.constant 0 : i32
    %dma_start3A_17 = arith.constant 0 : i32
    %dma_start3A_18 = tpu.memref_slice %arg7[%dma_start3A, %dma_start3A_17] : memref<84x128xi32, #tpu.memory_space<vmem>> -> memref<1x128xi32, #tpu.memory_space<vmem>>
    %dma_start3A_19 = tpu.memref_squeeze %dma_start3A_18 : memref<1x128xi32, #tpu.memory_space<vmem>> -> memref<128xi32, #tpu.memory_space<vmem>>
    %dma_start3A_20 = arith.constant 0 : i32
    %dma_start3A_21 = arith.constant 0 : i32
    %dma_start3A_22 = tpu.memref_slice %arg2[%dma_start3A_20, %dma_start3A_21] : memref<10240x16xf32, #tpu.memory_space<hbm>> -> memref<10240x16xf32, #tpu.memory_space<hbm>>
    tpu.enqueue_indirect_dma source(%dma_start3A_22 : memref<10240x16xf32, #tpu.memory_space<hbm>>) target(%arg9 : memref<128x16xf32, #tpu.memory_space<vmem>>) offsets(%dma_start3A_19 : memref<128xi32, #tpu.memory_space<vmem>>) semaphore(%arg18 : memref<!tpu.dma_semaphore, #tpu.memory_space<semaphore_mem>>)
    %dma_start3A_23 = arith.constant 0 : i32
    %dma_start3A_24 = arith.constant 0 : i32
    %dma_start3A_25 = tpu.memref_slice %arg8[%dma_start3A_23, %dma_start3A_24] : memref<84x128xi32, #tpu.memory_space<vmem>> -> memref<1x128xi32, #tpu.memory_space<vmem>>
    %dma_start3A_26 = tpu.memref_squeeze %dma_start3A_25 : memref<1x128xi32, #tpu.memory_space<vmem>> -> memref<128xi32, #tpu.memory_space<vmem>>
    %dma_start3A_27 = arith.constant 0 : i32
    %dma_start3A_28 = arith.constant 0 : i32
    %dma_start3A_29 = tpu.memref_slice %arg3[%dma_start3A_27, %dma_start3A_28] : memref<10240x16xf32, #tpu.memory_space<hbm>> -> memref<10240x16xf32, #tpu.memory_space<hbm>>
    tpu.enqueue_indirect_dma source(%dma_start3A_29 : memref<10240x16xf32, #tpu.memory_space<hbm>>) target(%arg12 : memref<128x16xf32, #tpu.memory_space<vmem>>) offsets(%dma_start3A_26 : memref<128xi32, #tpu.memory_space<vmem>>) semaphore(%arg18 : memref<!tpu.dma_semaphore, #tpu.memory_space<semaphore_mem>>)
    %dma_start3A_30 = arith.constant 1 : i32
    %dma_start3A_31 = arith.constant 0 : i32
    %dma_start3A_32 = tpu.memref_slice %arg7[%dma_start3A_30, %dma_start3A_31] : memref<84x128xi32, #tpu.memory_space<vmem>> -> memref<1x128xi32, #tpu.memory_space<vmem>>
    %dma_start3A_33 = tpu.memref_squeeze %dma_start3A_32 : memref<1x128xi32, #tpu.memory_space<vmem>> -> memref<128xi32, #tpu.memory_space<vmem>>
    %dma_start3A_34 = arith.constant 0 : i32
    %dma_start3A_35 = arith.constant 0 : i32
    %dma_start3A_36 = tpu.memref_slice %arg2[%dma_start3A_34, %dma_start3A_35] : memref<10240x16xf32, #tpu.memory_space<hbm>> -> memref<10240x16xf32, #tpu.memory_space<hbm>>
    tpu.enqueue_indirect_dma source(%dma_start3A_36 : memref<10240x16xf32, #tpu.memory_space<hbm>>) target(%arg10 : memref<128x16xf32, #tpu.memory_space<vmem>>) offsets(%dma_start3A_33 : memref<128xi32, #tpu.memory_space<vmem>>) semaphore(%arg19 : memref<!tpu.dma_semaphore, #tpu.memory_space<semaphore_mem>>)
    %dma_start3A_37 = arith.constant 1 : i32
    %dma_start3A_38 = arith.constant 0 : i32
    %dma_start3A_39 = tpu.memref_slice %arg8[%dma_start3A_37, %dma_start3A_38] : memref<84x128xi32, #tpu.memory_space<vmem>> -> memref<1x128xi32, #tpu.memory_space<vmem>>
    %dma_start3A_40 = tpu.memref_squeeze %dma_start3A_39 : memref<1x128xi32, #tpu.memory_space<vmem>> -> memref<128xi32, #tpu.memory_space<vmem>>
    %dma_start3A_41 = arith.constant 0 : i32
    %dma_start3A_42 = arith.constant 0 : i32
    %dma_start3A_43 = tpu.memref_slice %arg3[%dma_start3A_41, %dma_start3A_42] : memref<10240x16xf32, #tpu.memory_space<hbm>> -> memref<10240x16xf32, #tpu.memory_space<hbm>>
    tpu.enqueue_indirect_dma source(%dma_start3A_43 : memref<10240x16xf32, #tpu.memory_space<hbm>>) target(%arg13 : memref<128x16xf32, #tpu.memory_space<vmem>>) offsets(%dma_start3A_40 : memref<128xi32, #tpu.memory_space<vmem>>) semaphore(%arg19 : memref<!tpu.dma_semaphore, #tpu.memory_space<semaphore_mem>>)
    %scan3A_44 = arith.constant 0 : i32
    %scan3A_45 = arith.constant 0 : i32
    %scan3A_46 = arith.constant 27 : i32
    %scan3A_47 = arith.addi %scan3A_45, %scan3A_46 : i32
    %scan3A_48 = arith.constant 1 : i32
    %scan3A_49 = scf.for %scan3A_93 = %scan3A_45 to %scan3A_47 step %scan3A_48 iter_args(%scan3A_94 = %scan3A_44) -> (i32)  : i32 {
      %mul3A_95 = arith.constant 3 : i32
      %mul3A_96 = arith.muli %mul3A_95, %scan3A_93 : i32
      %add3A_97 = arith.constant 0 : i32
      %add3A_98 = arith.addi %mul3A_96, %add3A_97 : i32
      %add3A_99 = arith.constant 3 : i32
      %add3A_100 = arith.addi %add3A_98, %add3A_99 : i32
      %sub3A = arith.constant 1 : i32
      %sub3A_101 = arith.subi %add3A_100, %sub3A : i32
      %dma_start3A_102 = arith.constant 0 : i32
      %dma_start3A_103 = tpu.memref_slice %arg7[%sub3A_101, %dma_start3A_102] : memref<84x128xi32, #tpu.memory_space<vmem>> -> memref<1x128xi32, #tpu.memory_space<vmem>>
      %dma_start3A_104 = tpu.memref_squeeze %dma_start3A_103 : memref<1x128xi32, #tpu.memory_space<vmem>> -> memref<128xi32, #tpu.memory_space<vmem>>
      %dma_start3A_105 = arith.constant 0 : i32
      %dma_start3A_106 = arith.constant 0 : i32
      %dma_start3A_107 = tpu.memref_slice %arg2[%dma_start3A_105, %dma_start3A_106] : memref<10240x16xf32, #tpu.memory_space<hbm>> -> memref<10240x16xf32, #tpu.memory_space<hbm>>
      tpu.enqueue_indirect_dma source(%dma_start3A_107 : memref<10240x16xf32, #tpu.memory_space<hbm>>) target(%arg11 : memref<128x16xf32, #tpu.memory_space<vmem>>) offsets(%dma_start3A_104 : memref<128xi32, #tpu.memory_space<vmem>>) semaphore(%arg20 : memref<!tpu.dma_semaphore, #tpu.memory_space<semaphore_mem>>)
      %dma_start3A_108 = arith.constant 0 : i32
      %dma_start3A_109 = tpu.memref_slice %arg8[%sub3A_101, %dma_start3A_108] : memref<84x128xi32, #tpu.memory_space<vmem>> -> memref<1x128xi32, #tpu.memory_space<vmem>>
      %dma_start3A_110 = tpu.memref_squeeze %dma_start3A_109 : memref<1x128xi32, #tpu.memory_space<vmem>> -> memref<128xi32, #tpu.memory_space<vmem>>
      %dma_start3A_111 = arith.constant 0 : i32
      %dma_start3A_112 = arith.constant 0 : i32
      %dma_start3A_113 = tpu.memref_slice %arg3[%dma_start3A_111, %dma_start3A_112] : memref<10240x16xf32, #tpu.memory_space<hbm>> -> memref<10240x16xf32, #tpu.memory_space<hbm>>
      tpu.enqueue_indirect_dma source(%dma_start3A_113 : memref<10240x16xf32, #tpu.memory_space<hbm>>) target(%arg14 : memref<128x16xf32, #tpu.memory_space<vmem>>) offsets(%dma_start3A_110 : memref<128xi32, #tpu.memory_space<vmem>>) semaphore(%arg20 : memref<!tpu.dma_semaphore, #tpu.memory_space<semaphore_mem>>)
      %dma_wait3A_114 = arith.constant 0 : i32
      %dma_wait3A_115 = tpu.memref_slice %arg7[%add3A_98, %dma_wait3A_114] : memref<84x128xi32, #tpu.memory_space<vmem>> -> memref<1x128xi32, #tpu.memory_space<vmem>>
      %dma_wait3A_116 = tpu.memref_squeeze %dma_wait3A_115 : memref<1x128xi32, #tpu.memory_space<vmem>> -> memref<128xi32, #tpu.memory_space<vmem>>
      %dma_wait3A_117 = arith.constant 0 : i32
      %dma_wait3A_118 = arith.constant 0 : i32
      %dma_wait3A_119 = tpu.memref_slice %arg2[%dma_wait3A_117, %dma_wait3A_118] : memref<10240x16xf32, #tpu.memory_space<hbm>> -> memref<10240x16xf32, #tpu.memory_space<hbm>>
      tpu.wait_indirect_dma semaphore(%arg18 : memref<!tpu.dma_semaphore, #tpu.memory_space<semaphore_mem>>) src(%dma_wait3A_119 : memref<10240x16xf32, #tpu.memory_space<hbm>>) dst(%arg9 : memref<128x16xf32, #tpu.memory_space<vmem>>)
      %dma_wait3A_120 = arith.constant 0 : i32
      %dma_wait3A_121 = tpu.memref_slice %arg8[%add3A_98, %dma_wait3A_120] : memref<84x128xi32, #tpu.memory_space<vmem>> -> memref<1x128xi32, #tpu.memory_space<vmem>>
      %dma_wait3A_122 = tpu.memref_squeeze %dma_wait3A_121 : memref<1x128xi32, #tpu.memory_space<vmem>> -> memref<128xi32, #tpu.memory_space<vmem>>
      %dma_wait3A_123 = arith.constant 0 : i32
      %dma_wait3A_124 = arith.constant 0 : i32
      %dma_wait3A_125 = tpu.memref_slice %arg3[%dma_wait3A_123, %dma_wait3A_124] : memref<10240x16xf32, #tpu.memory_space<hbm>> -> memref<10240x16xf32, #tpu.memory_space<hbm>>
      tpu.wait_indirect_dma semaphore(%arg18 : memref<!tpu.dma_semaphore, #tpu.memory_space<semaphore_mem>>) src(%dma_wait3A_125 : memref<10240x16xf32, #tpu.memory_space<hbm>>) dst(%arg12 : memref<128x16xf32, #tpu.memory_space<vmem>>)
      %gt3A = arith.constant 0 : i32
      %gt3A_126 = arith.cmpi sgt, %scan3A_93, %gt3A : i32
      %convert_element_type3A = arith.extui %gt3A_126 : i1 to i32
      %cond3A = arith.constant 0 : i32
      %cond3A_127 = arith.cmpi ne, %convert_element_type3A, %cond3A : i32
      scf.if %cond3A_127 {
        %sub3A_228 = arith.constant 2 : i32
        %sub3A_229 = arith.subi %add3A_98, %sub3A_228 : i32
        %dma_wait3A_230 = arith.constant 0 : i32
        %dma_wait3A_231 = tpu.memref_slice %arg8[%sub3A_229, %dma_wait3A_230] : memref<84x128xi32, #tpu.memory_space<vmem>> -> memref<1x128xi32, #tpu.memory_space<vmem>>
        %dma_wait3A_232 = tpu.memref_squeeze %dma_wait3A_231 : memref<1x128xi32, #tpu.memory_space<vmem>> -> memref<128xi32, #tpu.memory_space<vmem>>
        %dma_wait3A_233 = arith.constant 0 : i32
        %dma_wait3A_234 = arith.constant 0 : i32
        %dma_wait3A_235 = tpu.memref_slice %arg17[%dma_wait3A_233, %dma_wait3A_234] : memref<10240x32xf32, #tpu.memory_space<vmem_shared>> -> memref<10240x32xf32, #tpu.memory_space<vmem_shared>>
        tpu.wait_indirect_dma semaphore(%arg21 : memref<!tpu.dma_semaphore, #tpu.memory_space<semaphore_mem>>) src(%arg15 : memref<128x32xf32, #tpu.memory_space<vmem>>) dst(%dma_wait3A_235 : memref<10240x32xf32, #tpu.memory_space<vmem_shared>>)
      } else {
      }
      %parallel_loop3A = arith.constant 0 : i32
      %parallel_loop3A_128 = arith.constant 128 : i32
      %parallel_loop3A_129 = arith.constant 1 : i32
      scf.for %parallel_loop3A_228 = %parallel_loop3A to %parallel_loop3A_128 step %parallel_loop3A_129  : i32 {
        %parallel_loop3A_229 = arith.index_cast %parallel_loop3A_228 : i32 to index
        %parallel_loop3A_230 = arith.constant 0 : index
        %parallel_loop3A_231 = tpu.vector_load %arg9[%parallel_loop3A_229, %parallel_loop3A_230] {strides = array<i32>} : memref<128x16xf32, #tpu.memory_space<vmem>>, vector<1x16xf32>,
        %parallel_loop3A_232 = vector.shape_cast %parallel_loop3A_231 : vector<1x16xf32> to vector<16xf32>
        %parallel_loop3A_233 = arith.index_cast %parallel_loop3A_228 : i32 to index
        %parallel_loop3A_234 = arith.constant 0 : index
        %parallel_loop3A_235 = tpu.vector_load %arg12[%parallel_loop3A_233, %parallel_loop3A_234] {strides = array<i32>} : memref<128x16xf32, #tpu.memory_space<vmem>>, vector<1x16xf32>,
        %parallel_loop3A_236 = vector.shape_cast %parallel_loop3A_235 : vector<1x16xf32> to vector<16xf32>
        %parallel_loop3A_237 = tpu.iota {dimensions = array<i32: 0>} : vector<16xi32>
        %parallel_loop3A_238 = arith.constant 7 : i32
        %parallel_loop3A_239 = vector.broadcast %parallel_loop3A_238 : i32 to vector<16xi32>
        %parallel_loop3A_240 = arith.andi %parallel_loop3A_237, %parallel_loop3A_239 : vector<16xi32>
        %parallel_loop3A_241 = vector.shape_cast %parallel_loop3A_240 : vector<16xi32> to vector<16x1xi32>
        %parallel_loop3A_242 = vector.shape_cast %parallel_loop3A_241 : vector<16x1xi32> to vector<16xi32>
        %parallel_loop3A_243 = tpu.dynamic_gather %parallel_loop3A_232[%parallel_loop3A_242] in [0] : vector<16xf32>, vector<16xi32> -> vector<16xf32>
        %parallel_loop3A_244 = arith.addf %parallel_loop3A_243, %parallel_loop3A_236 : vector<16xf32>
        %parallel_loop3A_245 = arith.constant 2.000000e-01 : f32
        %parallel_loop3A_246 = vector.broadcast %parallel_loop3A_245 : f32 to vector<16xf32>
        %parallel_loop3A_247 = arith.mulf %parallel_loop3A_246, %parallel_loop3A_244 : vector<16xf32>
        %parallel_loop3A_248 = arith.maximumf %parallel_loop3A_244, %parallel_loop3A_247 : vector<16xf32>
        %parallel_loop3A_249 = math.exp %parallel_loop3A_248 : vector<16xf32>
        %parallel_loop3A_250 = arith.index_cast %parallel_loop3A_228 : i32 to index
        %parallel_loop3A_251 = arith.constant 0 : index
        %parallel_loop3A_252 = tpu.vector_load %arg15[%parallel_loop3A_250, %parallel_loop3A_251] {strides = array<i32>} : memref<128x32xf32, #tpu.memory_space<vmem>>, vector<1x16xf32>,
        %parallel_loop3A_253 = vector.shape_cast %parallel_loop3A_252 : vector<1x16xf32> to vector<16xf32>
        %parallel_loop3A_254 = vector.shape_cast %parallel_loop3A_249 : vector<16xf32> to vector<1x16xf32>
        tpu.vector_store %arg15[%parallel_loop3A_250, %parallel_loop3A_251], %parallel_loop3A_254 {strides = array<i32>} : memref<128x32xf32, #tpu.memory_space<vmem>>, vector<1x16xf32>,
        %parallel_loop3A_255 = tpu.bitcast %parallel_loop3A_232 : vector<16xf32> -> vector<16xi32>
        %parallel_loop3A_256 = arith.constant 1 : i32
        %parallel_loop3A_257 = vector.broadcast %parallel_loop3A_256 : i32 to vector<16xi32>
        %parallel_loop3A_258 = arith.shrui %parallel_loop3A_237, %parallel_loop3A_257 : vector<16xi32>
        %parallel_loop3A_259 = arith.constant 8 : i32
        %parallel_loop3A_260 = vector.broadcast %parallel_loop3A_259 : i32 to vector<16xi32>
        %parallel_loop3A_261 = arith.addi %parallel_loop3A_260, %parallel_loop3A_258 : vector<16xi32>
        %parallel_loop3A_262 = vector.shape_cast %parallel_loop3A_261 : vector<16xi32> to vector<16x1xi32>
        %parallel_loop3A_263 = vector.shape_cast %parallel_loop3A_262 : vector<16x1xi32> to vector<16xi32>
        %parallel_loop3A_264 = tpu.dynamic_gather %parallel_loop3A_255[%parallel_loop3A_263] in [0] : vector<16xi32>, vector<16xi32> -> vector<16xi32>
        %parallel_loop3A_265 = arith.constant 1 : i32
        %parallel_loop3A_266 = vector.broadcast %parallel_loop3A_265 : i32 to vector<16xi32>
        %parallel_loop3A_267 = arith.andi %parallel_loop3A_237, %parallel_loop3A_266 : vector<16xi32>
        %parallel_loop3A_268 = arith.constant 1 : i32
        %parallel_loop3A_269 = vector.broadcast %parallel_loop3A_268 : i32 to vector<16xi32>
        %parallel_loop3A_270 = arith.subi %parallel_loop3A_269, %parallel_loop3A_267 : vector<16xi32>
        %parallel_loop3A_271 = arith.constant 4 : i32
        %parallel_loop3A_272 = vector.broadcast %parallel_loop3A_271 : i32 to vector<16xi32>
        %parallel_loop3A_273 = arith.shli %parallel_loop3A_270, %parallel_loop3A_272 : vector<16xi32>
        %parallel_loop3A_274 = arith.shli %parallel_loop3A_264, %parallel_loop3A_273 : vector<16xi32>
        %parallel_loop3A_275 = arith.constant -65536 : i32
        %parallel_loop3A_276 = vector.broadcast %parallel_loop3A_275 : i32 to vector<16xi32>
        %parallel_loop3A_277 = arith.andi %parallel_loop3A_274, %parallel_loop3A_276 : vector<16xi32>
        %parallel_loop3A_278 = tpu.bitcast %parallel_loop3A_277 : vector<16xi32> -> vector<16xf32>
        %parallel_loop3A_279 = arith.mulf %parallel_loop3A_278, %parallel_loop3A_249 : vector<16xf32>
        %parallel_loop3A_280 = arith.index_cast %parallel_loop3A_228 : i32 to index
        %parallel_loop3A_281 = arith.constant 16 : index
        %parallel_loop3A_282 = tpu.vector_load %arg15[%parallel_loop3A_280, %parallel_loop3A_281] {strides = array<i32>} : memref<128x32xf32, #tpu.memory_space<vmem>>, vector<1x16xf32>,
        %parallel_loop3A_283 = vector.shape_cast %parallel_loop3A_282 : vector<1x16xf32> to vector<16xf32>
        %parallel_loop3A_284 = vector.shape_cast %parallel_loop3A_279 : vector<16xf32> to vector<1x16xf32>
        tpu.vector_store %arg15[%parallel_loop3A_280, %parallel_loop3A_281], %parallel_loop3A_284 {strides = array<i32>} : memref<128x32xf32, #tpu.memory_space<vmem>>, vector<1x16xf32>,
      } {sc.loop_unroll_factor = 4 : i64, sc.parallel_access}
      %dma_start3A_130 = arith.constant 0 : i32
      %dma_start3A_131 = tpu.memref_slice %arg8[%add3A_98, %dma_start3A_130] : memref<84x128xi32, #tpu.memory_space<vmem>> -> memref<1x128xi32, #tpu.memory_space<vmem>>
      %dma_start3A_132 = tpu.memref_squeeze %dma_start3A_131 : memref<1x128xi32, #tpu.memory_space<vmem>> -> memref<128xi32, #tpu.memory_space<vmem>>
      %dma_start3A_133 = arith.constant 0 : i32
      %dma_start3A_134 = arith.constant 0 : i32
      %dma_start3A_135 = tpu.memref_slice %arg17[%dma_start3A_133, %dma_start3A_134] : memref<10240x32xf32, #tpu.memory_space<vmem_shared>> -> memref<10240x32xf32, #tpu.memory_space<vmem_shared>>
      tpu.enqueue_indirect_dma source(%arg15 : memref<128x32xf32, #tpu.memory_space<vmem>>) target(%dma_start3A_135 : memref<10240x32xf32, #tpu.memory_space<vmem_shared>>) offsets(%dma_start3A_132 : memref<128xi32, #tpu.memory_space<vmem>>) semaphore(%arg21 : memref<!tpu.dma_semaphore, #tpu.memory_space<semaphore_mem>>) {add = true}
      %add3A_136 = arith.constant 1 : i32
      %add3A_137 = arith.addi %mul3A_96, %add3A_136 : i32
      %add3A_138 = arith.constant 3 : i32
      %add3A_139 = arith.addi %add3A_137, %add3A_138 : i32
      %sub3A_140 = arith.constant 1 : i32
      %sub3A_141 = arith.subi %add3A_139, %sub3A_140 : i32
      %dma_start3A_142 = arith.constant 0 : i32
      %dma_start3A_143 = tpu.memref_slice %arg7[%sub3A_141, %dma_start3A_142] : memref<84x128xi32, #tpu.memory_space<vmem>> -> memref<1x128xi32, #tpu.memory_space<vmem>>
      %dma_start3A_144 = tpu.memref_squeeze %dma_start3A_143 : memref<1x128xi32, #tpu.memory_space<vmem>> -> memref<128xi32, #tpu.memory_space<vmem>>
      %dma_start3A_145 = arith.constant 0 : i32
      %dma_start3A_146 = arith.constant 0 : i32
      %dma_start3A_147 = tpu.memref_slice %arg2[%dma_start3A_145, %dma_start3A_146] : memref<10240x16xf32, #tpu.memory_space<hbm>> -> memref<10240x16xf32, #tpu.memory_space<hbm>>
      tpu.enqueue_indirect_dma source(%dma_start3A_147 : memref<10240x16xf32, #tpu.memory_space<hbm>>) target(%arg9 : memref<128x16xf32, #tpu.memory_space<vmem>>) offsets(%dma_start3A_144 : memref<128xi32, #tpu.memory_space<vmem>>) semaphore(%arg18 : memref<!tpu.dma_semaphore, #tpu.memory_space<semaphore_mem>>)
      %dma_start3A_148 = arith.constant 0 : i32
      %dma_start3A_149 = tpu.memref_slice %arg8[%sub3A_141, %dma_start3A_148] : memref<84x128xi32, #tpu.memory_space<vmem>> -> memref<1x128xi32, #tpu.memory_space<vmem>>
      %dma_start3A_150 = tpu.memref_squeeze %dma_start3A_149 : memref<1x128xi32, #tpu.memory_space<vmem>> -> memref<128xi32, #tpu.memory_space<vmem>>
      %dma_start3A_151 = arith.constant 0 : i32
      %dma_start3A_152 = arith.constant 0 : i32
      %dma_start3A_153 = tpu.memref_slice %arg3[%dma_start3A_151, %dma_start3A_152] : memref<10240x16xf32, #tpu.memory_space<hbm>> -> memref<10240x16xf32, #tpu.memory_space<hbm>>
      tpu.enqueue_indirect_dma source(%dma_start3A_153 : memref<10240x16xf32, #tpu.memory_space<hbm>>) target(%arg12 : memref<128x16xf32, #tpu.memory_space<vmem>>) offsets(%dma_start3A_150 : memref<128xi32, #tpu.memory_space<vmem>>) semaphore(%arg18 : memref<!tpu.dma_semaphore, #tpu.memory_space<semaphore_mem>>)
      %dma_wait3A_154 = arith.constant 0 : i32
      %dma_wait3A_155 = tpu.memref_slice %arg7[%add3A_137, %dma_wait3A_154] : memref<84x128xi32, #tpu.memory_space<vmem>> -> memref<1x128xi32, #tpu.memory_space<vmem>>
      %dma_wait3A_156 = tpu.memref_squeeze %dma_wait3A_155 : memref<1x128xi32, #tpu.memory_space<vmem>> -> memref<128xi32, #tpu.memory_space<vmem>>
      %dma_wait3A_157 = arith.constant 0 : i32
      %dma_wait3A_158 = arith.constant 0 : i32
      %dma_wait3A_159 = tpu.memref_slice %arg2[%dma_wait3A_157, %dma_wait3A_158] : memref<10240x16xf32, #tpu.memory_space<hbm>> -> memref<10240x16xf32, #tpu.memory_space<hbm>>
      tpu.wait_indirect_dma semaphore(%arg19 : memref<!tpu.dma_semaphore, #tpu.memory_space<semaphore_mem>>) src(%dma_wait3A_159 : memref<10240x16xf32, #tpu.memory_space<hbm>>) dst(%arg10 : memref<128x16xf32, #tpu.memory_space<vmem>>)
      %dma_wait3A_160 = arith.constant 0 : i32
      %dma_wait3A_161 = tpu.memref_slice %arg8[%add3A_137, %dma_wait3A_160] : memref<84x128xi32, #tpu.memory_space<vmem>> -> memref<1x128xi32, #tpu.memory_space<vmem>>
      %dma_wait3A_162 = tpu.memref_squeeze %dma_wait3A_161 : memref<1x128xi32, #tpu.memory_space<vmem>> -> memref<128xi32, #tpu.memory_space<vmem>>
      %dma_wait3A_163 = arith.constant 0 : i32
      %dma_wait3A_164 = arith.constant 0 : i32
      %dma_wait3A_165 = tpu.memref_slice %arg3[%dma_wait3A_163, %dma_wait3A_164] : memref<10240x16xf32, #tpu.memory_space<hbm>> -> memref<10240x16xf32, #tpu.memory_space<hbm>>
      tpu.wait_indirect_dma semaphore(%arg19 : memref<!tpu.dma_semaphore, #tpu.memory_space<semaphore_mem>>) src(%dma_wait3A_165 : memref<10240x16xf32, #tpu.memory_space<hbm>>) dst(%arg13 : memref<128x16xf32, #tpu.memory_space<vmem>>)
      %gt3A_166 = arith.constant 0 : i32
      %gt3A_167 = arith.cmpi sgt, %scan3A_93, %gt3A_166 : i32
      %convert_element_type3A_168 = arith.extui %gt3A_167 : i1 to i32
      %cond3A_169 = arith.constant 0 : i32
      %cond3A_170 = arith.cmpi ne, %convert_element_type3A_168, %cond3A_169 : i32
      scf.if %cond3A_170 {
        %sub3A_228 = arith.constant 2 : i32
        %sub3A_229 = arith.subi %add3A_137, %sub3A_228 : i32
        %dma_wait3A_230 = arith.constant 0 : i32
        %dma_wait3A_231 = tpu.memref_slice %arg8[%sub3A_229, %dma_wait3A_230] : memref<84x128xi32, #tpu.memory_space<vmem>> -> memref<1x128xi32, #tpu.memory_space<vmem>>
        %dma_wait3A_232 = tpu.memref_squeeze %dma_wait3A_231 : memref<1x128xi32, #tpu.memory_space<vmem>> -> memref<128xi32, #tpu.memory_space<vmem>>
        %dma_wait3A_233 = arith.constant 0 : i32
        %dma_wait3A_234 = arith.constant 0 : i32
        %dma_wait3A_235 = tpu.memref_slice %arg17[%dma_wait3A_233, %dma_wait3A_234] : memref<10240x32xf32, #tpu.memory_space<vmem_shared>> -> memref<10240x32xf32, #tpu.memory_space<vmem_shared>>
        tpu.wait_indirect_dma semaphore(%arg22 : memref<!tpu.dma_semaphore, #tpu.memory_space<semaphore_mem>>) src(%arg16 : memref<128x32xf32, #tpu.memory_space<vmem>>) dst(%dma_wait3A_235 : memref<10240x32xf32, #tpu.memory_space<vmem_shared>>)
      } else {
      }
      %parallel_loop3A_171 = arith.constant 0 : i32
      %parallel_loop3A_172 = arith.constant 128 : i32
      %parallel_loop3A_173 = arith.constant 1 : i32
      scf.for %parallel_loop3A_228 = %parallel_loop3A_171 to %parallel_loop3A_172 step %parallel_loop3A_173  : i32 {
        %parallel_loop3A_229 = arith.index_cast %parallel_loop3A_228 : i32 to index
        %parallel_loop3A_230 = arith.constant 0 : index
        %parallel_loop3A_231 = tpu.vector_load %arg10[%parallel_loop3A_229, %parallel_loop3A_230] {strides = array<i32>} : memref<128x16xf32, #tpu.memory_space<vmem>>, vector<1x16xf32>,
        %parallel_loop3A_232 = vector.shape_cast %parallel_loop3A_231 : vector<1x16xf32> to vector<16xf32>
        %parallel_loop3A_233 = arith.index_cast %parallel_loop3A_228 : i32 to index
        %parallel_loop3A_234 = arith.constant 0 : index
        %parallel_loop3A_235 = tpu.vector_load %arg13[%parallel_loop3A_233, %parallel_loop3A_234] {strides = array<i32>} : memref<128x16xf32, #tpu.memory_space<vmem>>, vector<1x16xf32>,
        %parallel_loop3A_236 = vector.shape_cast %parallel_loop3A_235 : vector<1x16xf32> to vector<16xf32>
        %parallel_loop3A_237 = tpu.iota {dimensions = array<i32: 0>} : vector<16xi32>
        %parallel_loop3A_238 = arith.constant 7 : i32
        %parallel_loop3A_239 = vector.broadcast %parallel_loop3A_238 : i32 to vector<16xi32>
        %parallel_loop3A_240 = arith.andi %parallel_loop3A_237, %parallel_loop3A_239 : vector<16xi32>
        %parallel_loop3A_241 = vector.shape_cast %parallel_loop3A_240 : vector<16xi32> to vector<16x1xi32>
        %parallel_loop3A_242 = vector.shape_cast %parallel_loop3A_241 : vector<16x1xi32> to vector<16xi32>
        %parallel_loop3A_243 = tpu.dynamic_gather %parallel_loop3A_232[%parallel_loop3A_242] in [0] : vector<16xf32>, vector<16xi32> -> vector<16xf32>
        %parallel_loop3A_244 = arith.addf %parallel_loop3A_243, %parallel_loop3A_236 : vector<16xf32>
        %parallel_loop3A_245 = arith.constant 2.000000e-01 : f32
        %parallel_loop3A_246 = vector.broadcast %parallel_loop3A_245 : f32 to vector<16xf32>
        %parallel_loop3A_247 = arith.mulf %parallel_loop3A_246, %parallel_loop3A_244 : vector<16xf32>
        %parallel_loop3A_248 = arith.maximumf %parallel_loop3A_244, %parallel_loop3A_247 : vector<16xf32>
        %parallel_loop3A_249 = math.exp %parallel_loop3A_248 : vector<16xf32>
        %parallel_loop3A_250 = arith.index_cast %parallel_loop3A_228 : i32 to index
        %parallel_loop3A_251 = arith.constant 0 : index
        %parallel_loop3A_252 = tpu.vector_load %arg16[%parallel_loop3A_250, %parallel_loop3A_251] {strides = array<i32>} : memref<128x32xf32, #tpu.memory_space<vmem>>, vector<1x16xf32>,
        %parallel_loop3A_253 = vector.shape_cast %parallel_loop3A_252 : vector<1x16xf32> to vector<16xf32>
        %parallel_loop3A_254 = vector.shape_cast %parallel_loop3A_249 : vector<16xf32> to vector<1x16xf32>
        tpu.vector_store %arg16[%parallel_loop3A_250, %parallel_loop3A_251], %parallel_loop3A_254 {strides = array<i32>} : memref<128x32xf32, #tpu.memory_space<vmem>>, vector<1x16xf32>,
        %parallel_loop3A_255 = tpu.bitcast %parallel_loop3A_232 : vector<16xf32> -> vector<16xi32>
        %parallel_loop3A_256 = arith.constant 1 : i32
        %parallel_loop3A_257 = vector.broadcast %parallel_loop3A_256 : i32 to vector<16xi32>
        %parallel_loop3A_258 = arith.shrui %parallel_loop3A_237, %parallel_loop3A_257 : vector<16xi32>
        %parallel_loop3A_259 = arith.constant 8 : i32
        %parallel_loop3A_260 = vector.broadcast %parallel_loop3A_259 : i32 to vector<16xi32>
        %parallel_loop3A_261 = arith.addi %parallel_loop3A_260, %parallel_loop3A_258 : vector<16xi32>
        %parallel_loop3A_262 = vector.shape_cast %parallel_loop3A_261 : vector<16xi32> to vector<16x1xi32>
        %parallel_loop3A_263 = vector.shape_cast %parallel_loop3A_262 : vector<16x1xi32> to vector<16xi32>
        %parallel_loop3A_264 = tpu.dynamic_gather %parallel_loop3A_255[%parallel_loop3A_263] in [0] : vector<16xi32>, vector<16xi32> -> vector<16xi32>
        %parallel_loop3A_265 = arith.constant 1 : i32
        %parallel_loop3A_266 = vector.broadcast %parallel_loop3A_265 : i32 to vector<16xi32>
        %parallel_loop3A_267 = arith.andi %parallel_loop3A_237, %parallel_loop3A_266 : vector<16xi32>
        %parallel_loop3A_268 = arith.constant 1 : i32
        %parallel_loop3A_269 = vector.broadcast %parallel_loop3A_268 : i32 to vector<16xi32>
        %parallel_loop3A_270 = arith.subi %parallel_loop3A_269, %parallel_loop3A_267 : vector<16xi32>
        %parallel_loop3A_271 = arith.constant 4 : i32
        %parallel_loop3A_272 = vector.broadcast %parallel_loop3A_271 : i32 to vector<16xi32>
        %parallel_loop3A_273 = arith.shli %parallel_loop3A_270, %parallel_loop3A_272 : vector<16xi32>
        %parallel_loop3A_274 = arith.shli %parallel_loop3A_264, %parallel_loop3A_273 : vector<16xi32>
        %parallel_loop3A_275 = arith.constant -65536 : i32
        %parallel_loop3A_276 = vector.broadcast %parallel_loop3A_275 : i32 to vector<16xi32>
        %parallel_loop3A_277 = arith.andi %parallel_loop3A_274, %parallel_loop3A_276 : vector<16xi32>
        %parallel_loop3A_278 = tpu.bitcast %parallel_loop3A_277 : vector<16xi32> -> vector<16xf32>
        %parallel_loop3A_279 = arith.mulf %parallel_loop3A_278, %parallel_loop3A_249 : vector<16xf32>
        %parallel_loop3A_280 = arith.index_cast %parallel_loop3A_228 : i32 to index
        %parallel_loop3A_281 = arith.constant 16 : index
        %parallel_loop3A_282 = tpu.vector_load %arg16[%parallel_loop3A_280, %parallel_loop3A_281] {strides = array<i32>} : memref<128x32xf32, #tpu.memory_space<vmem>>, vector<1x16xf32>,
        %parallel_loop3A_283 = vector.shape_cast %parallel_loop3A_282 : vector<1x16xf32> to vector<16xf32>
        %parallel_loop3A_284 = vector.shape_cast %parallel_loop3A_279 : vector<16xf32> to vector<1x16xf32>
        tpu.vector_store %arg16[%parallel_loop3A_280, %parallel_loop3A_281], %parallel_loop3A_284 {strides = array<i32>} : memref<128x32xf32, #tpu.memory_space<vmem>>, vector<1x16xf32>,
      } {sc.loop_unroll_factor = 4 : i64, sc.parallel_access}
      %dma_start3A_174 = arith.constant 0 : i32
      %dma_start3A_175 = tpu.memref_slice %arg8[%add3A_137, %dma_start3A_174] : memref<84x128xi32, #tpu.memory_space<vmem>> -> memref<1x128xi32, #tpu.memory_space<vmem>>
      %dma_start3A_176 = tpu.memref_squeeze %dma_start3A_175 : memref<1x128xi32, #tpu.memory_space<vmem>> -> memref<128xi32, #tpu.memory_space<vmem>>
      %dma_start3A_177 = arith.constant 0 : i32
      %dma_start3A_178 = arith.constant 0 : i32
      %dma_start3A_179 = tpu.memref_slice %arg17[%dma_start3A_177, %dma_start3A_178] : memref<10240x32xf32, #tpu.memory_space<vmem_shared>> -> memref<10240x32xf32, #tpu.memory_space<vmem_shared>>
      tpu.enqueue_indirect_dma source(%arg16 : memref<128x32xf32, #tpu.memory_space<vmem>>) target(%dma_start3A_179 : memref<10240x32xf32, #tpu.memory_space<vmem_shared>>) offsets(%dma_start3A_176 : memref<128xi32, #tpu.memory_space<vmem>>) semaphore(%arg22 : memref<!tpu.dma_semaphore, #tpu.memory_space<semaphore_mem>>) {add = true}
      %add3A_180 = arith.constant 2 : i32
      %add3A_181 = arith.addi %mul3A_96, %add3A_180 : i32
      %add3A_182 = arith.constant 3 : i32
      %add3A_183 = arith.addi %add3A_181, %add3A_182 : i32
      %sub3A_184 = arith.constant 1 : i32
      %sub3A_185 = arith.subi %add3A_183, %sub3A_184 : i32
      %dma_start3A_186 = arith.constant 0 : i32
      %dma_start3A_187 = tpu.memref_slice %arg7[%sub3A_185, %dma_start3A_186] : memref<84x128xi32, #tpu.memory_space<vmem>> -> memref<1x128xi32, #tpu.memory_space<vmem>>
      %dma_start3A_188 = tpu.memref_squeeze %dma_start3A_187 : memref<1x128xi32, #tpu.memory_space<vmem>> -> memref<128xi32, #tpu.memory_space<vmem>>
      %dma_start3A_189 = arith.constant 0 : i32
      %dma_start3A_190 = arith.constant 0 : i32
      %dma_start3A_191 = tpu.memref_slice %arg2[%dma_start3A_189, %dma_start3A_190] : memref<10240x16xf32, #tpu.memory_space<hbm>> -> memref<10240x16xf32, #tpu.memory_space<hbm>>
      tpu.enqueue_indirect_dma source(%dma_start3A_191 : memref<10240x16xf32, #tpu.memory_space<hbm>>) target(%arg10 : memref<128x16xf32, #tpu.memory_space<vmem>>) offsets(%dma_start3A_188 : memref<128xi32, #tpu.memory_space<vmem>>) semaphore(%arg19 : memref<!tpu.dma_semaphore, #tpu.memory_space<semaphore_mem>>)
      %dma_start3A_192 = arith.constant 0 : i32
      %dma_start3A_193 = tpu.memref_slice %arg8[%sub3A_185, %dma_start3A_192] : memref<84x128xi32, #tpu.memory_space<vmem>> -> memref<1x128xi32, #tpu.memory_space<vmem>>
      %dma_start3A_194 = tpu.memref_squeeze %dma_start3A_193 : memref<1x128xi32, #tpu.memory_space<vmem>> -> memref<128xi32, #tpu.memory_space<vmem>>
      %dma_start3A_195 = arith.constant 0 : i32
      %dma_start3A_196 = arith.constant 0 : i32
      %dma_start3A_197 = tpu.memref_slice %arg3[%dma_start3A_195, %dma_start3A_196] : memref<10240x16xf32, #tpu.memory_space<hbm>> -> memref<10240x16xf32, #tpu.memory_space<hbm>>
      tpu.enqueue_indirect_dma source(%dma_start3A_197 : memref<10240x16xf32, #tpu.memory_space<hbm>>) target(%arg13 : memref<128x16xf32, #tpu.memory_space<vmem>>) offsets(%dma_start3A_194 : memref<128xi32, #tpu.memory_space<vmem>>) semaphore(%arg19 : memref<!tpu.dma_semaphore, #tpu.memory_space<semaphore_mem>>)
      %dma_wait3A_198 = arith.constant 0 : i32
      %dma_wait3A_199 = tpu.memref_slice %arg7[%add3A_181, %dma_wait3A_198] : memref<84x128xi32, #tpu.memory_space<vmem>> -> memref<1x128xi32, #tpu.memory_space<vmem>>
      %dma_wait3A_200 = tpu.memref_squeeze %dma_wait3A_199 : memref<1x128xi32, #tpu.memory_space<vmem>> -> memref<128xi32, #tpu.memory_space<vmem>>
      %dma_wait3A_201 = arith.constant 0 : i32
      %dma_wait3A_202 = arith.constant 0 : i32
      %dma_wait3A_203 = tpu.memref_slice %arg2[%dma_wait3A_201, %dma_wait3A_202] : memref<10240x16xf32, #tpu.memory_space<hbm>> -> memref<10240x16xf32, #tpu.memory_space<hbm>>
      tpu.wait_indirect_dma semaphore(%arg20 : memref<!tpu.dma_semaphore, #tpu.memory_space<semaphore_mem>>) src(%dma_wait3A_203 : memref<10240x16xf32, #tpu.memory_space<hbm>>) dst(%arg11 : memref<128x16xf32, #tpu.memory_space<vmem>>)
      %dma_wait3A_204 = arith.constant 0 : i32
      %dma_wait3A_205 = tpu.memref_slice %arg8[%add3A_181, %dma_wait3A_204] : memref<84x128xi32, #tpu.memory_space<vmem>> -> memref<1x128xi32, #tpu.memory_space<vmem>>
      %dma_wait3A_206 = tpu.memref_squeeze %dma_wait3A_205 : memref<1x128xi32, #tpu.memory_space<vmem>> -> memref<128xi32, #tpu.memory_space<vmem>>
      %dma_wait3A_207 = arith.constant 0 : i32
      %dma_wait3A_208 = arith.constant 0 : i32
      %dma_wait3A_209 = tpu.memref_slice %arg3[%dma_wait3A_207, %dma_wait3A_208] : memref<10240x16xf32, #tpu.memory_space<hbm>> -> memref<10240x16xf32, #tpu.memory_space<hbm>>
      tpu.wait_indirect_dma semaphore(%arg20 : memref<!tpu.dma_semaphore, #tpu.memory_space<semaphore_mem>>) src(%dma_wait3A_209 : memref<10240x16xf32, #tpu.memory_space<hbm>>) dst(%arg14 : memref<128x16xf32, #tpu.memory_space<vmem>>)
      %sub3A_210 = arith.constant 2 : i32
      %sub3A_211 = arith.subi %add3A_181, %sub3A_210 : i32
      %dma_wait3A_212 = arith.constant 0 : i32
      %dma_wait3A_213 = tpu.memref_slice %arg8[%sub3A_211, %dma_wait3A_212] : memref<84x128xi32, #tpu.memory_space<vmem>> -> memref<1x128xi32, #tpu.memory_space<vmem>>
      %dma_wait3A_214 = tpu.memref_squeeze %dma_wait3A_213 : memref<1x128xi32, #tpu.memory_space<vmem>> -> memref<128xi32, #tpu.memory_space<vmem>>
      %dma_wait3A_215 = arith.constant 0 : i32
      %dma_wait3A_216 = arith.constant 0 : i32
      %dma_wait3A_217 = tpu.memref_slice %arg17[%dma_wait3A_215, %dma_wait3A_216] : memref<10240x32xf32, #tpu.memory_space<vmem_shared>> -> memref<10240x32xf32, #tpu.memory_space<vmem_shared>>
      tpu.wait_indirect_dma semaphore(%arg21 : memref<!tpu.dma_semaphore, #tpu.memory_space<semaphore_mem>>) src(%arg15 : memref<128x32xf32, #tpu.memory_space<vmem>>) dst(%dma_wait3A_217 : memref<10240x32xf32, #tpu.memory_space<vmem_shared>>)
      %parallel_loop3A_218 = arith.constant 0 : i32
      %parallel_loop3A_219 = arith.constant 128 : i32
      %parallel_loop3A_220 = arith.constant 1 : i32
      scf.for %parallel_loop3A_228 = %parallel_loop3A_218 to %parallel_loop3A_219 step %parallel_loop3A_220  : i32 {
        %parallel_loop3A_229 = arith.index_cast %parallel_loop3A_228 : i32 to index
        %parallel_loop3A_230 = arith.constant 0 : index
        %parallel_loop3A_231 = tpu.vector_load %arg11[%parallel_loop3A_229, %parallel_loop3A_230] {strides = array<i32>} : memref<128x16xf32, #tpu.memory_space<vmem>>, vector<1x16xf32>,
        %parallel_loop3A_232 = vector.shape_cast %parallel_loop3A_231 : vector<1x16xf32> to vector<16xf32>
        %parallel_loop3A_233 = arith.index_cast %parallel_loop3A_228 : i32 to index
        %parallel_loop3A_234 = arith.constant 0 : index
        %parallel_loop3A_235 = tpu.vector_load %arg14[%parallel_loop3A_233, %parallel_loop3A_234] {strides = array<i32>} : memref<128x16xf32, #tpu.memory_space<vmem>>, vector<1x16xf32>,
        %parallel_loop3A_236 = vector.shape_cast %parallel_loop3A_235 : vector<1x16xf32> to vector<16xf32>
        %parallel_loop3A_237 = tpu.iota {dimensions = array<i32: 0>} : vector<16xi32>
        %parallel_loop3A_238 = arith.constant 7 : i32
        %parallel_loop3A_239 = vector.broadcast %parallel_loop3A_238 : i32 to vector<16xi32>
        %parallel_loop3A_240 = arith.andi %parallel_loop3A_237, %parallel_loop3A_239 : vector<16xi32>
        %parallel_loop3A_241 = vector.shape_cast %parallel_loop3A_240 : vector<16xi32> to vector<16x1xi32>
        %parallel_loop3A_242 = vector.shape_cast %parallel_loop3A_241 : vector<16x1xi32> to vector<16xi32>
        %parallel_loop3A_243 = tpu.dynamic_gather %parallel_loop3A_232[%parallel_loop3A_242] in [0] : vector<16xf32>, vector<16xi32> -> vector<16xf32>
        %parallel_loop3A_244 = arith.addf %parallel_loop3A_243, %parallel_loop3A_236 : vector<16xf32>
        %parallel_loop3A_245 = arith.constant 2.000000e-01 : f32
        %parallel_loop3A_246 = vector.broadcast %parallel_loop3A_245 : f32 to vector<16xf32>
        %parallel_loop3A_247 = arith.mulf %parallel_loop3A_246, %parallel_loop3A_244 : vector<16xf32>
        %parallel_loop3A_248 = arith.maximumf %parallel_loop3A_244, %parallel_loop3A_247 : vector<16xf32>
        %parallel_loop3A_249 = math.exp %parallel_loop3A_248 : vector<16xf32>
        %parallel_loop3A_250 = arith.index_cast %parallel_loop3A_228 : i32 to index
        %parallel_loop3A_251 = arith.constant 0 : index
        %parallel_loop3A_252 = tpu.vector_load %arg15[%parallel_loop3A_250, %parallel_loop3A_251] {strides = array<i32>} : memref<128x32xf32, #tpu.memory_space<vmem>>, vector<1x16xf32>,
        %parallel_loop3A_253 = vector.shape_cast %parallel_loop3A_252 : vector<1x16xf32> to vector<16xf32>
        %parallel_loop3A_254 = vector.shape_cast %parallel_loop3A_249 : vector<16xf32> to vector<1x16xf32>
        tpu.vector_store %arg15[%parallel_loop3A_250, %parallel_loop3A_251], %parallel_loop3A_254 {strides = array<i32>} : memref<128x32xf32, #tpu.memory_space<vmem>>, vector<1x16xf32>,
        %parallel_loop3A_255 = tpu.bitcast %parallel_loop3A_232 : vector<16xf32> -> vector<16xi32>
        %parallel_loop3A_256 = arith.constant 1 : i32
        %parallel_loop3A_257 = vector.broadcast %parallel_loop3A_256 : i32 to vector<16xi32>
        %parallel_loop3A_258 = arith.shrui %parallel_loop3A_237, %parallel_loop3A_257 : vector<16xi32>
        %parallel_loop3A_259 = arith.constant 8 : i32
        %parallel_loop3A_260 = vector.broadcast %parallel_loop3A_259 : i32 to vector<16xi32>
        %parallel_loop3A_261 = arith.addi %parallel_loop3A_260, %parallel_loop3A_258 : vector<16xi32>
        %parallel_loop3A_262 = vector.shape_cast %parallel_loop3A_261 : vector<16xi32> to vector<16x1xi32>
        %parallel_loop3A_263 = vector.shape_cast %parallel_loop3A_262 : vector<16x1xi32> to vector<16xi32>
        %parallel_loop3A_264 = tpu.dynamic_gather %parallel_loop3A_255[%parallel_loop3A_263] in [0] : vector<16xi32>, vector<16xi32> -> vector<16xi32>
        %parallel_loop3A_265 = arith.constant 1 : i32
        %parallel_loop3A_266 = vector.broadcast %parallel_loop3A_265 : i32 to vector<16xi32>
        %parallel_loop3A_267 = arith.andi %parallel_loop3A_237, %parallel_loop3A_266 : vector<16xi32>
        %parallel_loop3A_268 = arith.constant 1 : i32
        %parallel_loop3A_269 = vector.broadcast %parallel_loop3A_268 : i32 to vector<16xi32>
        %parallel_loop3A_270 = arith.subi %parallel_loop3A_269, %parallel_loop3A_267 : vector<16xi32>
        %parallel_loop3A_271 = arith.constant 4 : i32
        %parallel_loop3A_272 = vector.broadcast %parallel_loop3A_271 : i32 to vector<16xi32>
        %parallel_loop3A_273 = arith.shli %parallel_loop3A_270, %parallel_loop3A_272 : vector<16xi32>
        %parallel_loop3A_274 = arith.shli %parallel_loop3A_264, %parallel_loop3A_273 : vector<16xi32>
        %parallel_loop3A_275 = arith.constant -65536 : i32
        %parallel_loop3A_276 = vector.broadcast %parallel_loop3A_275 : i32 to vector<16xi32>
        %parallel_loop3A_277 = arith.andi %parallel_loop3A_274, %parallel_loop3A_276 : vector<16xi32>
        %parallel_loop3A_278 = tpu.bitcast %parallel_loop3A_277 : vector<16xi32> -> vector<16xf32>
        %parallel_loop3A_279 = arith.mulf %parallel_loop3A_278, %parallel_loop3A_249 : vector<16xf32>
        %parallel_loop3A_280 = arith.index_cast %parallel_loop3A_228 : i32 to index
        %parallel_loop3A_281 = arith.constant 16 : index
        %parallel_loop3A_282 = tpu.vector_load %arg15[%parallel_loop3A_280, %parallel_loop3A_281] {strides = array<i32>} : memref<128x32xf32, #tpu.memory_space<vmem>>, vector<1x16xf32>,
        %parallel_loop3A_283 = vector.shape_cast %parallel_loop3A_282 : vector<1x16xf32> to vector<16xf32>
        %parallel_loop3A_284 = vector.shape_cast %parallel_loop3A_279 : vector<16xf32> to vector<1x16xf32>
        tpu.vector_store %arg15[%parallel_loop3A_280, %parallel_loop3A_281], %parallel_loop3A_284 {strides = array<i32>} : memref<128x32xf32, #tpu.memory_space<vmem>>, vector<1x16xf32>,
      } {sc.loop_unroll_factor = 4 : i64, sc.parallel_access}
      %dma_start3A_221 = arith.constant 0 : i32
      %dma_start3A_222 = tpu.memref_slice %arg8[%add3A_181, %dma_start3A_221] : memref<84x128xi32, #tpu.memory_space<vmem>> -> memref<1x128xi32, #tpu.memory_space<vmem>>
      %dma_start3A_223 = tpu.memref_squeeze %dma_start3A_222 : memref<1x128xi32, #tpu.memory_space<vmem>> -> memref<128xi32, #tpu.memory_space<vmem>>
      %dma_start3A_224 = arith.constant 0 : i32
      %dma_start3A_225 = arith.constant 0 : i32
      %dma_start3A_226 = tpu.memref_slice %arg17[%dma_start3A_224, %dma_start3A_225] : memref<10240x32xf32, #tpu.memory_space<vmem_shared>> -> memref<10240x32xf32, #tpu.memory_space<vmem_shared>>
      tpu.enqueue_indirect_dma source(%arg15 : memref<128x32xf32, #tpu.memory_space<vmem>>) target(%dma_start3A_226 : memref<10240x32xf32, #tpu.memory_space<vmem_shared>>) offsets(%dma_start3A_223 : memref<128xi32, #tpu.memory_space<vmem>>) semaphore(%arg21 : memref<!tpu.dma_semaphore, #tpu.memory_space<semaphore_mem>>) {add = true}
      %scan3A_227 = arith.constant 0 : i32
      scf.yield %scan3A_227 : i32
    }
    %scan3A_50 = arith.constant 27 : i32
    %dma_wait3A = arith.constant 81 : i32
    %dma_wait3A_51 = arith.constant 0 : i32
    %dma_wait3A_52 = tpu.memref_slice %arg7[%dma_wait3A, %dma_wait3A_51] : memref<84x128xi32, #tpu.memory_space<vmem>> -> memref<1x128xi32, #tpu.memory_space<vmem>>
    %dma_wait3A_53 = tpu.memref_squeeze %dma_wait3A_52 : memref<1x128xi32, #tpu.memory_space<vmem>> -> memref<128xi32, #tpu.memory_space<vmem>>
    %dma_wait3A_54 = arith.constant 0 : i32
    %dma_wait3A_55 = arith.constant 0 : i32
    %dma_wait3A_56 = tpu.memref_slice %arg2[%dma_wait3A_54, %dma_wait3A_55] : memref<10240x16xf32, #tpu.memory_space<hbm>> -> memref<10240x16xf32, #tpu.memory_space<hbm>>
    tpu.wait_indirect_dma semaphore(%arg18 : memref<!tpu.dma_semaphore, #tpu.memory_space<semaphore_mem>>) src(%dma_wait3A_56 : memref<10240x16xf32, #tpu.memory_space<hbm>>) dst(%arg9 : memref<128x16xf32, #tpu.memory_space<vmem>>)
    %dma_wait3A_57 = arith.constant 81 : i32
    %dma_wait3A_58 = arith.constant 0 : i32
    %dma_wait3A_59 = tpu.memref_slice %arg8[%dma_wait3A_57, %dma_wait3A_58] : memref<84x128xi32, #tpu.memory_space<vmem>> -> memref<1x128xi32, #tpu.memory_space<vmem>>
    %dma_wait3A_60 = tpu.memref_squeeze %dma_wait3A_59 : memref<1x128xi32, #tpu.memory_space<vmem>> -> memref<128xi32, #tpu.memory_space<vmem>>
    %dma_wait3A_61 = arith.constant 0 : i32
    %dma_wait3A_62 = arith.constant 0 : i32
    %dma_wait3A_63 = tpu.memref_slice %arg3[%dma_wait3A_61, %dma_wait3A_62] : memref<10240x16xf32, #tpu.memory_space<hbm>> -> memref<10240x16xf32, #tpu.memory_space<hbm>>
    tpu.wait_indirect_dma semaphore(%arg18 : memref<!tpu.dma_semaphore, #tpu.memory_space<semaphore_mem>>) src(%dma_wait3A_63 : memref<10240x16xf32, #tpu.memory_space<hbm>>) dst(%arg12 : memref<128x16xf32, #tpu.memory_space<vmem>>)
    %dma_wait3A_64 = arith.constant 82 : i32
    %dma_wait3A_65 = arith.constant 0 : i32
    %dma_wait3A_66 = tpu.memref_slice %arg7[%dma_wait3A_64, %dma_wait3A_65] : memref<84x128xi32, #tpu.memory_space<vmem>> -> memref<1x128xi32, #tpu.memory_space<vmem>>
    %dma_wait3A_67 = tpu.memref_squeeze %dma_wait3A_66 : memref<1x128xi32, #tpu.memory_space<vmem>> -> memref<128xi32, #tpu.memory_space<vmem>>
    %dma_wait3A_68 = arith.constant 0 : i32
    %dma_wait3A_69 = arith.constant 0 : i32
    %dma_wait3A_70 = tpu.memref_slice %arg2[%dma_wait3A_68, %dma_wait3A_69] : memref<10240x16xf32, #tpu.memory_space<hbm>> -> memref<10240x16xf32, #tpu.memory_space<hbm>>
    tpu.wait_indirect_dma semaphore(%arg19 : memref<!tpu.dma_semaphore, #tpu.memory_space<semaphore_mem>>) src(%dma_wait3A_70 : memref<10240x16xf32, #tpu.memory_space<hbm>>) dst(%arg10 : memref<128x16xf32, #tpu.memory_space<vmem>>)
    %dma_wait3A_71 = arith.constant 82 : i32
    %dma_wait3A_72 = arith.constant 0 : i32
    %dma_wait3A_73 = tpu.memref_slice %arg8[%dma_wait3A_71, %dma_wait3A_72] : memref<84x128xi32, #tpu.memory_space<vmem>> -> memref<1x128xi32, #tpu.memory_space<vmem>>
    %dma_wait3A_74 = tpu.memref_squeeze %dma_wait3A_73 : memref<1x128xi32, #tpu.memory_space<vmem>> -> memref<128xi32, #tpu.memory_space<vmem>>
    %dma_wait3A_75 = arith.constant 0 : i32
    %dma_wait3A_76 = arith.constant 0 : i32
    %dma_wait3A_77 = tpu.memref_slice %arg3[%dma_wait3A_75, %dma_wait3A_76] : memref<10240x16xf32, #tpu.memory_space<hbm>> -> memref<10240x16xf32, #tpu.memory_space<hbm>>
    tpu.wait_indirect_dma semaphore(%arg19 : memref<!tpu.dma_semaphore, #tpu.memory_space<semaphore_mem>>) src(%dma_wait3A_77 : memref<10240x16xf32, #tpu.memory_space<hbm>>) dst(%arg13 : memref<128x16xf32, #tpu.memory_space<vmem>>)
    %dma_wait3A_78 = arith.constant 79 : i32
    %dma_wait3A_79 = arith.constant 0 : i32
    %dma_wait3A_80 = tpu.memref_slice %arg8[%dma_wait3A_78, %dma_wait3A_79] : memref<84x128xi32, #tpu.memory_space<vmem>> -> memref<1x128xi32, #tpu.memory_space<vmem>>
    %dma_wait3A_81 = tpu.memref_squeeze %dma_wait3A_80 : memref<1x128xi32, #tpu.memory_space<vmem>> -> memref<128xi32, #tpu.memory_space<vmem>>
    %dma_wait3A_82 = arith.constant 0 : i32
    %dma_wait3A_83 = arith.constant 0 : i32
    %dma_wait3A_84 = tpu.memref_slice %arg17[%dma_wait3A_82, %dma_wait3A_83] : memref<10240x32xf32, #tpu.memory_space<vmem_shared>> -> memref<10240x32xf32, #tpu.memory_space<vmem_shared>>
    tpu.wait_indirect_dma semaphore(%arg21 : memref<!tpu.dma_semaphore, #tpu.memory_space<semaphore_mem>>) src(%arg15 : memref<128x32xf32, #tpu.memory_space<vmem>>) dst(%dma_wait3A_84 : memref<10240x32xf32, #tpu.memory_space<vmem_shared>>)
    %dma_wait3A_85 = arith.constant 80 : i32
    %dma_wait3A_86 = arith.constant 0 : i32
    %dma_wait3A_87 = tpu.memref_slice %arg8[%dma_wait3A_85, %dma_wait3A_86] : memref<84x128xi32, #tpu.memory_space<vmem>> -> memref<1x128xi32, #tpu.memory_space<vmem>>
    %dma_wait3A_88 = tpu.memref_squeeze %dma_wait3A_87 : memref<1x128xi32, #tpu.memory_space<vmem>> -> memref<128xi32, #tpu.memory_space<vmem>>
    %dma_wait3A_89 = arith.constant 0 : i32
    %dma_wait3A_90 = arith.constant 0 : i32
    %dma_wait3A_91 = tpu.memref_slice %arg17[%dma_wait3A_89, %dma_wait3A_90] : memref<10240x32xf32, #tpu.memory_space<vmem_shared>> -> memref<10240x32xf32, #tpu.memory_space<vmem_shared>>
    tpu.wait_indirect_dma semaphore(%arg22 : memref<!tpu.dma_semaphore, #tpu.memory_space<semaphore_mem>>) src(%arg16 : memref<128x32xf32, #tpu.memory_space<vmem>>) dst(%dma_wait3A_91 : memref<10240x32xf32, #tpu.memory_space<vmem_shared>>)
    %barrier3A_92 = arith.constant 0 : index
    tpu.barrier barrier_id(%barrier3A_92)
    "tpu.region"() ({
      %run_scoped3A = tpu.sem_alloc : memref<!tpu.dma_semaphore, #tpu.memory_space<semaphore_mem>>
      %dma_start3A_93 = arith.constant 0 : i32
      %dma_start3A_94 = tpu.memref_slice %arg6[%arg0, %mul3A_2, %dma_start3A_93] : memref<2x10240x32xf32, #tpu.memory_space<hbm>> -> memref<1x640x32xf32, #tpu.memory_space<hbm>>
      %dma_start3A_95 = tpu.memref_squeeze %dma_start3A_94 : memref<1x640x32xf32, #tpu.memory_space<hbm>> -> memref<640x32xf32, #tpu.memory_space<hbm>>
      %dma_start3A_96 = arith.constant 0 : i32
      %dma_start3A_97 = tpu.memref_slice %arg17[%mul3A_2, %dma_start3A_96] : memref<10240x32xf32, #tpu.memory_space<vmem_shared>> -> memref<640x32xf32, #tpu.memory_space<vmem_shared>>
      tpu.enqueue_dma source(%dma_start3A_97 : memref<640x32xf32, #tpu.memory_space<vmem_shared>>) target(%dma_start3A_95 : memref<640x32xf32, #tpu.memory_space<hbm>>) target_semaphore(%run_scoped3A : memref<!tpu.dma_semaphore, #tpu.memory_space<semaphore_mem>>)
      %dma_wait3A_98 = arith.constant 0 : i32
      %dma_wait3A_99 = tpu.memref_slice %arg6[%arg0, %mul3A_2, %dma_wait3A_98] : memref<2x10240x32xf32, #tpu.memory_space<hbm>> -> memref<1x640x32xf32, #tpu.memory_space<hbm>>
      %dma_wait3A_100 = tpu.memref_squeeze %dma_wait3A_99 : memref<1x640x32xf32, #tpu.memory_space<hbm>> -> memref<640x32xf32, #tpu.memory_space<hbm>>
      %dma_wait3A_101 = arith.constant 0 : i32
      %dma_wait3A_102 = tpu.memref_slice %arg17[%mul3A_2, %dma_wait3A_101] : memref<10240x32xf32, #tpu.memory_space<vmem_shared>> -> memref<640x32xf32, #tpu.memory_space<vmem_shared>>
      tpu.wait_dma2 semaphore(%run_scoped3A : memref<!tpu.dma_semaphore, #tpu.memory_space<semaphore_mem>>) src(%dma_wait3A_102 : memref<640x32xf32, #tpu.memory_space<vmem_shared>>) dst(%dma_wait3A_100 : memref<640x32xf32, #tpu.memory_space<hbm>>)
      tpu.yield
    }) : () -> ()
    return
  }
}

#map = affine_map<(d0, d1) -> (0, 0)>
#map1 = affine_map<(d0, d1) -> (0, 0, 0)>
module attributes {stable_mosaic.version = 14 : i64} {
  func.func @k(%arg0: i32, %arg1: i32, %arg2: memref<10240x48xf32, #tpu.memory_space<hbm>>, %arg3: memref<10240x16xf32, #tpu.memory_space<hbm>>, %arg4: memref<32x84x128xi32, #tpu.memory_space<hbm>>, %arg5: memref<32x84x128xi32, #tpu.memory_space<hbm>>, %arg6: memref<2x10240x80xf32, #tpu.memory_space<hbm>>, %arg7: memref<84x128xi32, #tpu.memory_space<vmem>>, %arg8: memref<84x128xi32, #tpu.memory_space<vmem>>, %arg9: memref<128x48xf32, #tpu.memory_space<vmem>>, %arg10: memref<128x48xf32, #tpu.memory_space<vmem>>, %arg11: memref<128x48xf32, #tpu.memory_space<vmem>>, %arg12: memref<128x16xf32, #tpu.memory_space<vmem>>, %arg13: memref<128x16xf32, #tpu.memory_space<vmem>>, %arg14: memref<128x16xf32, #tpu.memory_space<vmem>>, %arg15: memref<128x80xf32, #tpu.memory_space<vmem>>, %arg16: memref<128x80xf32, #tpu.memory_space<vmem>>, %arg17: memref<10240x80xf32, #tpu.memory_space<vmem_shared>>, %arg18: memref<!tpu.dma_semaphore, #tpu.memory_space<semaphore_mem>>, %arg19: memref<!tpu.dma_semaphore, #tpu.memory_space<semaphore_mem>>, %arg20: memref<!tpu.dma_semaphore, #tpu.memory_space<semaphore_mem>>, %arg21: memref<!tpu.dma_semaphore, #tpu.memory_space<semaphore_mem>>, %arg22: memref<!tpu.dma_semaphore, #tpu.memory_space<semaphore_mem>>) attributes {dimension_semantics = [#tpu.dimension_semantics<core_parallel>, #tpu.dimension_semantics<subcore_parallel>], iteration_bounds = array<i64: 2, 16>, scalar_prefetch = 0 : i64, scratch_operands = 16 : i64, tpu.core_type = #tpu.core_type<sc_vector_subcore>, window_params = [{transform_indices = #map}, {transform_indices = #map}, {transform_indices = #map1}, {transform_indices = #map1}, {transform_indices = #map1}]} {
    %mul3A = arith.constant 16 : i32
    %mul3A_0 = arith.muli %arg0, %mul3A : i32
    %add3A = arith.addi %mul3A_0, %arg1 : i32
    "tpu.region"() ({
      %run_scoped3A = tpu.sem_alloc : memref<!tpu.dma_semaphore, #tpu.memory_space<semaphore_mem>>
      %dma_start3A_93 = arith.constant 0 : i32
      %dma_start3A_94 = arith.constant 0 : i32
      %dma_start3A_95 = tpu.memref_slice %arg4[%add3A, %dma_start3A_93, %dma_start3A_94] : memref<32x84x128xi32, #tpu.memory_space<hbm>> -> memref<1x84x128xi32, #tpu.memory_space<hbm>>
      %dma_start3A_96 = tpu.memref_squeeze %dma_start3A_95 : memref<1x84x128xi32, #tpu.memory_space<hbm>> -> memref<84x128xi32, #tpu.memory_space<hbm>>
      %dma_start3A_97 = arith.constant 0 : i32
      %dma_start3A_98 = arith.constant 0 : i32
      %dma_start3A_99 = tpu.memref_slice %arg4[%add3A, %dma_start3A_97, %dma_start3A_98] : memref<32x84x128xi32, #tpu.memory_space<hbm>> -> memref<1x84x128xi32, #tpu.memory_space<hbm>>
      %dma_start3A_100 = tpu.memref_squeeze %dma_start3A_99 : memref<1x84x128xi32, #tpu.memory_space<hbm>> -> memref<84x128xi32, #tpu.memory_space<hbm>>
      tpu.enqueue_dma source(%dma_start3A_100 : memref<84x128xi32, #tpu.memory_space<hbm>>) target(%arg7 : memref<84x128xi32, #tpu.memory_space<vmem>>) target_semaphore(%run_scoped3A : memref<!tpu.dma_semaphore, #tpu.memory_space<semaphore_mem>>)
      %dma_wait3A_101 = arith.constant 0 : i32
      %dma_wait3A_102 = arith.constant 0 : i32
      %dma_wait3A_103 = tpu.memref_slice %arg4[%add3A, %dma_wait3A_101, %dma_wait3A_102] : memref<32x84x128xi32, #tpu.memory_space<hbm>> -> memref<1x84x128xi32, #tpu.memory_space<hbm>>
      %dma_wait3A_104 = tpu.memref_squeeze %dma_wait3A_103 : memref<1x84x128xi32, #tpu.memory_space<hbm>> -> memref<84x128xi32, #tpu.memory_space<hbm>>
      %dma_wait3A_105 = arith.constant 0 : i32
      %dma_wait3A_106 = arith.constant 0 : i32
      %dma_wait3A_107 = tpu.memref_slice %arg4[%add3A, %dma_wait3A_105, %dma_wait3A_106] : memref<32x84x128xi32, #tpu.memory_space<hbm>> -> memref<1x84x128xi32, #tpu.memory_space<hbm>>
      %dma_wait3A_108 = tpu.memref_squeeze %dma_wait3A_107 : memref<1x84x128xi32, #tpu.memory_space<hbm>> -> memref<84x128xi32, #tpu.memory_space<hbm>>
      tpu.wait_dma2 semaphore(%run_scoped3A : memref<!tpu.dma_semaphore, #tpu.memory_space<semaphore_mem>>) src(%dma_wait3A_108 : memref<84x128xi32, #tpu.memory_space<hbm>>) dst(%arg7 : memref<84x128xi32, #tpu.memory_space<vmem>>)
      tpu.yield
    }) : () -> ()
    "tpu.region"() ({
      %run_scoped3A = tpu.sem_alloc : memref<!tpu.dma_semaphore, #tpu.memory_space<semaphore_mem>>
      %dma_start3A_93 = arith.constant 0 : i32
      %dma_start3A_94 = arith.constant 0 : i32
      %dma_start3A_95 = tpu.memref_slice %arg5[%add3A, %dma_start3A_93, %dma_start3A_94] : memref<32x84x128xi32, #tpu.memory_space<hbm>> -> memref<1x84x128xi32, #tpu.memory_space<hbm>>
      %dma_start3A_96 = tpu.memref_squeeze %dma_start3A_95 : memref<1x84x128xi32, #tpu.memory_space<hbm>> -> memref<84x128xi32, #tpu.memory_space<hbm>>
      %dma_start3A_97 = arith.constant 0 : i32
      %dma_start3A_98 = arith.constant 0 : i32
      %dma_start3A_99 = tpu.memref_slice %arg5[%add3A, %dma_start3A_97, %dma_start3A_98] : memref<32x84x128xi32, #tpu.memory_space<hbm>> -> memref<1x84x128xi32, #tpu.memory_space<hbm>>
      %dma_start3A_100 = tpu.memref_squeeze %dma_start3A_99 : memref<1x84x128xi32, #tpu.memory_space<hbm>> -> memref<84x128xi32, #tpu.memory_space<hbm>>
      tpu.enqueue_dma source(%dma_start3A_100 : memref<84x128xi32, #tpu.memory_space<hbm>>) target(%arg8 : memref<84x128xi32, #tpu.memory_space<vmem>>) target_semaphore(%run_scoped3A : memref<!tpu.dma_semaphore, #tpu.memory_space<semaphore_mem>>)
      %dma_wait3A_101 = arith.constant 0 : i32
      %dma_wait3A_102 = arith.constant 0 : i32
      %dma_wait3A_103 = tpu.memref_slice %arg5[%add3A, %dma_wait3A_101, %dma_wait3A_102] : memref<32x84x128xi32, #tpu.memory_space<hbm>> -> memref<1x84x128xi32, #tpu.memory_space<hbm>>
      %dma_wait3A_104 = tpu.memref_squeeze %dma_wait3A_103 : memref<1x84x128xi32, #tpu.memory_space<hbm>> -> memref<84x128xi32, #tpu.memory_space<hbm>>
      %dma_wait3A_105 = arith.constant 0 : i32
      %dma_wait3A_106 = arith.constant 0 : i32
      %dma_wait3A_107 = tpu.memref_slice %arg5[%add3A, %dma_wait3A_105, %dma_wait3A_106] : memref<32x84x128xi32, #tpu.memory_space<hbm>> -> memref<1x84x128xi32, #tpu.memory_space<hbm>>
      %dma_wait3A_108 = tpu.memref_squeeze %dma_wait3A_107 : memref<1x84x128xi32, #tpu.memory_space<hbm>> -> memref<84x128xi32, #tpu.memory_space<hbm>>
      tpu.wait_dma2 semaphore(%run_scoped3A : memref<!tpu.dma_semaphore, #tpu.memory_space<semaphore_mem>>) src(%dma_wait3A_108 : memref<84x128xi32, #tpu.memory_space<hbm>>) dst(%arg8 : memref<84x128xi32, #tpu.memory_space<vmem>>)
      tpu.yield
    }) : () -> ()
    %mul3A_1 = arith.constant 640 : i32
    %mul3A_2 = arith.muli %arg1, %mul3A_1 : i32
    %broadcast_in_dim3A = arith.constant 0.000000e+00 : f32
    %broadcast_in_dim3A_3 = vector.broadcast %broadcast_in_dim3A : f32 to vector<16xf32>
    %scan3A = arith.constant 0 : i32
    %scan3A_4 = arith.constant 0 : i32
    %scan3A_5 = arith.constant 128 : i32
    %scan3A_6 = arith.addi %scan3A_4, %scan3A_5 : i32
    %scan3A_7 = arith.constant 1 : i32
    %scan3A_8 = scf.for %scan3A_93 = %scan3A_4 to %scan3A_6 step %scan3A_7 iter_args(%scan3A_94 = %scan3A) -> (i32)  : i32 {
      %swap3A = arith.index_cast %scan3A_93 : i32 to index
      %swap3A_95 = arith.constant 0 : index
      %swap3A_96 = tpu.vector_load %arg15[%swap3A, %swap3A_95] {strides = array<i32>} : memref<128x80xf32, #tpu.memory_space<vmem>>, vector<1x16xf32>,
      %swap3A_97 = vector.shape_cast %swap3A_96 : vector<1x16xf32> to vector<16xf32>
      %swap3A_98 = vector.shape_cast %broadcast_in_dim3A_3 : vector<16xf32> to vector<1x16xf32>
      tpu.vector_store %arg15[%swap3A, %swap3A_95], %swap3A_98 {strides = array<i32>} : memref<128x80xf32, #tpu.memory_space<vmem>>, vector<1x16xf32>,
      %swap3A_99 = arith.index_cast %scan3A_93 : i32 to index
      %swap3A_100 = arith.constant 16 : index
      %swap3A_101 = tpu.vector_load %arg15[%swap3A_99, %swap3A_100] {strides = array<i32>} : memref<128x80xf32, #tpu.memory_space<vmem>>, vector<1x16xf32>,
      %swap3A_102 = vector.shape_cast %swap3A_101 : vector<1x16xf32> to vector<16xf32>
      %swap3A_103 = vector.shape_cast %broadcast_in_dim3A_3 : vector<16xf32> to vector<1x16xf32>
      tpu.vector_store %arg15[%swap3A_99, %swap3A_100], %swap3A_103 {strides = array<i32>} : memref<128x80xf32, #tpu.memory_space<vmem>>, vector<1x16xf32>,
      %swap3A_104 = arith.index_cast %scan3A_93 : i32 to index
      %swap3A_105 = arith.constant 32 : index
      %swap3A_106 = tpu.vector_load %arg15[%swap3A_104, %swap3A_105] {strides = array<i32>} : memref<128x80xf32, #tpu.memory_space<vmem>>, vector<1x16xf32>,
      %swap3A_107 = vector.shape_cast %swap3A_106 : vector<1x16xf32> to vector<16xf32>
      %swap3A_108 = vector.shape_cast %broadcast_in_dim3A_3 : vector<16xf32> to vector<1x16xf32>
      tpu.vector_store %arg15[%swap3A_104, %swap3A_105], %swap3A_108 {strides = array<i32>} : memref<128x80xf32, #tpu.memory_space<vmem>>, vector<1x16xf32>,
      %swap3A_109 = arith.index_cast %scan3A_93 : i32 to index
      %swap3A_110 = arith.constant 48 : index
      %swap3A_111 = tpu.vector_load %arg15[%swap3A_109, %swap3A_110] {strides = array<i32>} : memref<128x80xf32, #tpu.memory_space<vmem>>, vector<1x16xf32>,
      %swap3A_112 = vector.shape_cast %swap3A_111 : vector<1x16xf32> to vector<16xf32>
      %swap3A_113 = vector.shape_cast %broadcast_in_dim3A_3 : vector<16xf32> to vector<1x16xf32>
      tpu.vector_store %arg15[%swap3A_109, %swap3A_110], %swap3A_113 {strides = array<i32>} : memref<128x80xf32, #tpu.memory_space<vmem>>, vector<1x16xf32>,
      %swap3A_114 = arith.index_cast %scan3A_93 : i32 to index
      %swap3A_115 = arith.constant 64 : index
      %swap3A_116 = tpu.vector_load %arg15[%swap3A_114, %swap3A_115] {strides = array<i32>} : memref<128x80xf32, #tpu.memory_space<vmem>>, vector<1x16xf32>,
      %swap3A_117 = vector.shape_cast %swap3A_116 : vector<1x16xf32> to vector<16xf32>
      %swap3A_118 = vector.shape_cast %broadcast_in_dim3A_3 : vector<16xf32> to vector<1x16xf32>
      tpu.vector_store %arg15[%swap3A_114, %swap3A_115], %swap3A_118 {strides = array<i32>} : memref<128x80xf32, #tpu.memory_space<vmem>>, vector<1x16xf32>,
      %scan3A_119 = arith.constant 0 : i32
      scf.yield %scan3A_119 : i32
    }
    %scan3A_9 = arith.constant 128 : i32
    %scan3A_10 = arith.constant 0 : i32
    %scan3A_11 = arith.constant 0 : i32
    %scan3A_12 = arith.constant 5 : i32
    %scan3A_13 = arith.addi %scan3A_11, %scan3A_12 : i32
    %scan3A_14 = arith.constant 1 : i32
    %scan3A_15 = scf.for %scan3A_93 = %scan3A_11 to %scan3A_13 step %scan3A_14 iter_args(%scan3A_94 = %scan3A_10) -> (i32)  : i32 {
      %mul3A_95 = arith.constant 128 : i32
      %mul3A_96 = arith.muli %scan3A_93, %mul3A_95 : i32
      %add3A_97 = arith.addi %mul3A_2, %mul3A_96 : i32
      "tpu.region"() ({
        %run_scoped3A = tpu.sem_alloc : memref<!tpu.dma_semaphore, #tpu.memory_space<semaphore_mem>>
        %dma_start3A_99 = arith.constant 0 : i32
        %dma_start3A_100 = tpu.memref_slice %arg17[%add3A_97, %dma_start3A_99] : memref<10240x80xf32, #tpu.memory_space<vmem_shared>> -> memref<128x80xf32, #tpu.memory_space<vmem_shared>>
        %dma_start3A_101 = arith.constant 0 : i32
        %dma_start3A_102 = tpu.memref_slice %arg17[%add3A_97, %dma_start3A_101] : memref<10240x80xf32, #tpu.memory_space<vmem_shared>> -> memref<128x80xf32, #tpu.memory_space<vmem_shared>>
        tpu.enqueue_dma source(%arg15 : memref<128x80xf32, #tpu.memory_space<vmem>>) target(%dma_start3A_102 : memref<128x80xf32, #tpu.memory_space<vmem_shared>>) target_semaphore(%run_scoped3A : memref<!tpu.dma_semaphore, #tpu.memory_space<semaphore_mem>>)
        %dma_wait3A_103 = arith.constant 0 : i32
        %dma_wait3A_104 = tpu.memref_slice %arg17[%add3A_97, %dma_wait3A_103] : memref<10240x80xf32, #tpu.memory_space<vmem_shared>> -> memref<128x80xf32, #tpu.memory_space<vmem_shared>>
        %dma_wait3A_105 = arith.constant 0 : i32
        %dma_wait3A_106 = tpu.memref_slice %arg17[%add3A_97, %dma_wait3A_105] : memref<10240x80xf32, #tpu.memory_space<vmem_shared>> -> memref<128x80xf32, #tpu.memory_space<vmem_shared>>
        tpu.wait_dma2 semaphore(%run_scoped3A : memref<!tpu.dma_semaphore, #tpu.memory_space<semaphore_mem>>) src(%arg15 : memref<128x80xf32, #tpu.memory_space<vmem>>) dst(%dma_wait3A_106 : memref<128x80xf32, #tpu.memory_space<vmem_shared>>)
        tpu.yield
      }) : () -> ()
      %scan3A_98 = arith.constant 0 : i32
      scf.yield %scan3A_98 : i32
    }
    %scan3A_16 = arith.constant 5 : i32
    %barrier3A = arith.constant 0 : index
    tpu.barrier barrier_id(%barrier3A)
    %dma_start3A = arith.constant 0 : i32
    %dma_start3A_17 = arith.constant 0 : i32
    %dma_start3A_18 = tpu.memref_slice %arg7[%dma_start3A, %dma_start3A_17] : memref<84x128xi32, #tpu.memory_space<vmem>> -> memref<1x128xi32, #tpu.memory_space<vmem>>
    %dma_start3A_19 = tpu.memref_squeeze %dma_start3A_18 : memref<1x128xi32, #tpu.memory_space<vmem>> -> memref<128xi32, #tpu.memory_space<vmem>>
    %dma_start3A_20 = arith.constant 0 : i32
    %dma_start3A_21 = arith.constant 0 : i32
    %dma_start3A_22 = tpu.memref_slice %arg2[%dma_start3A_20, %dma_start3A_21] : memref<10240x48xf32, #tpu.memory_space<hbm>> -> memref<10240x48xf32, #tpu.memory_space<hbm>>
    tpu.enqueue_indirect_dma source(%dma_start3A_22 : memref<10240x48xf32, #tpu.memory_space<hbm>>) target(%arg9 : memref<128x48xf32, #tpu.memory_space<vmem>>) offsets(%dma_start3A_19 : memref<128xi32, #tpu.memory_space<vmem>>) semaphore(%arg18 : memref<!tpu.dma_semaphore, #tpu.memory_space<semaphore_mem>>)
    %dma_start3A_23 = arith.constant 0 : i32
    %dma_start3A_24 = arith.constant 0 : i32
    %dma_start3A_25 = tpu.memref_slice %arg8[%dma_start3A_23, %dma_start3A_24] : memref<84x128xi32, #tpu.memory_space<vmem>> -> memref<1x128xi32, #tpu.memory_space<vmem>>
    %dma_start3A_26 = tpu.memref_squeeze %dma_start3A_25 : memref<1x128xi32, #tpu.memory_space<vmem>> -> memref<128xi32, #tpu.memory_space<vmem>>
    %dma_start3A_27 = arith.constant 0 : i32
    %dma_start3A_28 = arith.constant 0 : i32
    %dma_start3A_29 = tpu.memref_slice %arg3[%dma_start3A_27, %dma_start3A_28] : memref<10240x16xf32, #tpu.memory_space<hbm>> -> memref<10240x16xf32, #tpu.memory_space<hbm>>
    tpu.enqueue_indirect_dma source(%dma_start3A_29 : memref<10240x16xf32, #tpu.memory_space<hbm>>) target(%arg12 : memref<128x16xf32, #tpu.memory_space<vmem>>) offsets(%dma_start3A_26 : memref<128xi32, #tpu.memory_space<vmem>>) semaphore(%arg18 : memref<!tpu.dma_semaphore, #tpu.memory_space<semaphore_mem>>)
    %dma_start3A_30 = arith.constant 1 : i32
    %dma_start3A_31 = arith.constant 0 : i32
    %dma_start3A_32 = tpu.memref_slice %arg7[%dma_start3A_30, %dma_start3A_31] : memref<84x128xi32, #tpu.memory_space<vmem>> -> memref<1x128xi32, #tpu.memory_space<vmem>>
    %dma_start3A_33 = tpu.memref_squeeze %dma_start3A_32 : memref<1x128xi32, #tpu.memory_space<vmem>> -> memref<128xi32, #tpu.memory_space<vmem>>
    %dma_start3A_34 = arith.constant 0 : i32
    %dma_start3A_35 = arith.constant 0 : i32
    %dma_start3A_36 = tpu.memref_slice %arg2[%dma_start3A_34, %dma_start3A_35] : memref<10240x48xf32, #tpu.memory_space<hbm>> -> memref<10240x48xf32, #tpu.memory_space<hbm>>
    tpu.enqueue_indirect_dma source(%dma_start3A_36 : memref<10240x48xf32, #tpu.memory_space<hbm>>) target(%arg10 : memref<128x48xf32, #tpu.memory_space<vmem>>) offsets(%dma_start3A_33 : memref<128xi32, #tpu.memory_space<vmem>>) semaphore(%arg19 : memref<!tpu.dma_semaphore, #tpu.memory_space<semaphore_mem>>)
    %dma_start3A_37 = arith.constant 1 : i32
    %dma_start3A_38 = arith.constant 0 : i32
    %dma_start3A_39 = tpu.memref_slice %arg8[%dma_start3A_37, %dma_start3A_38] : memref<84x128xi32, #tpu.memory_space<vmem>> -> memref<1x128xi32, #tpu.memory_space<vmem>>
    %dma_start3A_40 = tpu.memref_squeeze %dma_start3A_39 : memref<1x128xi32, #tpu.memory_space<vmem>> -> memref<128xi32, #tpu.memory_space<vmem>>
    %dma_start3A_41 = arith.constant 0 : i32
    %dma_start3A_42 = arith.constant 0 : i32
    %dma_start3A_43 = tpu.memref_slice %arg3[%dma_start3A_41, %dma_start3A_42] : memref<10240x16xf32, #tpu.memory_space<hbm>> -> memref<10240x16xf32, #tpu.memory_space<hbm>>
    tpu.enqueue_indirect_dma source(%dma_start3A_43 : memref<10240x16xf32, #tpu.memory_space<hbm>>) target(%arg13 : memref<128x16xf32, #tpu.memory_space<vmem>>) offsets(%dma_start3A_40 : memref<128xi32, #tpu.memory_space<vmem>>) semaphore(%arg19 : memref<!tpu.dma_semaphore, #tpu.memory_space<semaphore_mem>>)
    %scan3A_44 = arith.constant 0 : i32
    %scan3A_45 = arith.constant 0 : i32
    %scan3A_46 = arith.constant 27 : i32
    %scan3A_47 = arith.addi %scan3A_45, %scan3A_46 : i32
    %scan3A_48 = arith.constant 1 : i32
    %scan3A_49 = scf.for %scan3A_93 = %scan3A_45 to %scan3A_47 step %scan3A_48 iter_args(%scan3A_94 = %scan3A_44) -> (i32)  : i32 {
      %mul3A_95 = arith.constant 3 : i32
      %mul3A_96 = arith.muli %mul3A_95, %scan3A_93 : i32
      %add3A_97 = arith.constant 0 : i32
      %add3A_98 = arith.addi %mul3A_96, %add3A_97 : i32
      %add3A_99 = arith.constant 3 : i32
      %add3A_100 = arith.addi %add3A_98, %add3A_99 : i32
      %sub3A = arith.constant 1 : i32
      %sub3A_101 = arith.subi %add3A_100, %sub3A : i32
      %dma_start3A_102 = arith.constant 0 : i32
      %dma_start3A_103 = tpu.memref_slice %arg7[%sub3A_101, %dma_start3A_102] : memref<84x128xi32, #tpu.memory_space<vmem>> -> memref<1x128xi32, #tpu.memory_space<vmem>>
      %dma_start3A_104 = tpu.memref_squeeze %dma_start3A_103 : memref<1x128xi32, #tpu.memory_space<vmem>> -> memref<128xi32, #tpu.memory_space<vmem>>
      %dma_start3A_105 = arith.constant 0 : i32
      %dma_start3A_106 = arith.constant 0 : i32
      %dma_start3A_107 = tpu.memref_slice %arg2[%dma_start3A_105, %dma_start3A_106] : memref<10240x48xf32, #tpu.memory_space<hbm>> -> memref<10240x48xf32, #tpu.memory_space<hbm>>
      tpu.enqueue_indirect_dma source(%dma_start3A_107 : memref<10240x48xf32, #tpu.memory_space<hbm>>) target(%arg11 : memref<128x48xf32, #tpu.memory_space<vmem>>) offsets(%dma_start3A_104 : memref<128xi32, #tpu.memory_space<vmem>>) semaphore(%arg20 : memref<!tpu.dma_semaphore, #tpu.memory_space<semaphore_mem>>)
      %dma_start3A_108 = arith.constant 0 : i32
      %dma_start3A_109 = tpu.memref_slice %arg8[%sub3A_101, %dma_start3A_108] : memref<84x128xi32, #tpu.memory_space<vmem>> -> memref<1x128xi32, #tpu.memory_space<vmem>>
      %dma_start3A_110 = tpu.memref_squeeze %dma_start3A_109 : memref<1x128xi32, #tpu.memory_space<vmem>> -> memref<128xi32, #tpu.memory_space<vmem>>
      %dma_start3A_111 = arith.constant 0 : i32
      %dma_start3A_112 = arith.constant 0 : i32
      %dma_start3A_113 = tpu.memref_slice %arg3[%dma_start3A_111, %dma_start3A_112] : memref<10240x16xf32, #tpu.memory_space<hbm>> -> memref<10240x16xf32, #tpu.memory_space<hbm>>
      tpu.enqueue_indirect_dma source(%dma_start3A_113 : memref<10240x16xf32, #tpu.memory_space<hbm>>) target(%arg14 : memref<128x16xf32, #tpu.memory_space<vmem>>) offsets(%dma_start3A_110 : memref<128xi32, #tpu.memory_space<vmem>>) semaphore(%arg20 : memref<!tpu.dma_semaphore, #tpu.memory_space<semaphore_mem>>)
      %dma_wait3A_114 = arith.constant 0 : i32
      %dma_wait3A_115 = tpu.memref_slice %arg7[%add3A_98, %dma_wait3A_114] : memref<84x128xi32, #tpu.memory_space<vmem>> -> memref<1x128xi32, #tpu.memory_space<vmem>>
      %dma_wait3A_116 = tpu.memref_squeeze %dma_wait3A_115 : memref<1x128xi32, #tpu.memory_space<vmem>> -> memref<128xi32, #tpu.memory_space<vmem>>
      %dma_wait3A_117 = arith.constant 0 : i32
      %dma_wait3A_118 = arith.constant 0 : i32
      %dma_wait3A_119 = tpu.memref_slice %arg2[%dma_wait3A_117, %dma_wait3A_118] : memref<10240x48xf32, #tpu.memory_space<hbm>> -> memref<10240x48xf32, #tpu.memory_space<hbm>>
      tpu.wait_indirect_dma semaphore(%arg18 : memref<!tpu.dma_semaphore, #tpu.memory_space<semaphore_mem>>) src(%dma_wait3A_119 : memref<10240x48xf32, #tpu.memory_space<hbm>>) dst(%arg9 : memref<128x48xf32, #tpu.memory_space<vmem>>)
      %dma_wait3A_120 = arith.constant 0 : i32
      %dma_wait3A_121 = tpu.memref_slice %arg8[%add3A_98, %dma_wait3A_120] : memref<84x128xi32, #tpu.memory_space<vmem>> -> memref<1x128xi32, #tpu.memory_space<vmem>>
      %dma_wait3A_122 = tpu.memref_squeeze %dma_wait3A_121 : memref<1x128xi32, #tpu.memory_space<vmem>> -> memref<128xi32, #tpu.memory_space<vmem>>
      %dma_wait3A_123 = arith.constant 0 : i32
      %dma_wait3A_124 = arith.constant 0 : i32
      %dma_wait3A_125 = tpu.memref_slice %arg3[%dma_wait3A_123, %dma_wait3A_124] : memref<10240x16xf32, #tpu.memory_space<hbm>> -> memref<10240x16xf32, #tpu.memory_space<hbm>>
      tpu.wait_indirect_dma semaphore(%arg18 : memref<!tpu.dma_semaphore, #tpu.memory_space<semaphore_mem>>) src(%dma_wait3A_125 : memref<10240x16xf32, #tpu.memory_space<hbm>>) dst(%arg12 : memref<128x16xf32, #tpu.memory_space<vmem>>)
      %gt3A = arith.constant 0 : i32
      %gt3A_126 = arith.cmpi sgt, %scan3A_93, %gt3A : i32
      %convert_element_type3A = arith.extui %gt3A_126 : i1 to i32
      %cond3A = arith.constant 0 : i32
      %cond3A_127 = arith.cmpi ne, %convert_element_type3A, %cond3A : i32
      scf.if %cond3A_127 {
        %sub3A_228 = arith.constant 2 : i32
        %sub3A_229 = arith.subi %add3A_98, %sub3A_228 : i32
        %dma_wait3A_230 = arith.constant 0 : i32
        %dma_wait3A_231 = tpu.memref_slice %arg8[%sub3A_229, %dma_wait3A_230] : memref<84x128xi32, #tpu.memory_space<vmem>> -> memref<1x128xi32, #tpu.memory_space<vmem>>
        %dma_wait3A_232 = tpu.memref_squeeze %dma_wait3A_231 : memref<1x128xi32, #tpu.memory_space<vmem>> -> memref<128xi32, #tpu.memory_space<vmem>>
        %dma_wait3A_233 = arith.constant 0 : i32
        %dma_wait3A_234 = arith.constant 0 : i32
        %dma_wait3A_235 = tpu.memref_slice %arg17[%dma_wait3A_233, %dma_wait3A_234] : memref<10240x80xf32, #tpu.memory_space<vmem_shared>> -> memref<10240x80xf32, #tpu.memory_space<vmem_shared>>
        tpu.wait_indirect_dma semaphore(%arg21 : memref<!tpu.dma_semaphore, #tpu.memory_space<semaphore_mem>>) src(%arg15 : memref<128x80xf32, #tpu.memory_space<vmem>>) dst(%dma_wait3A_235 : memref<10240x80xf32, #tpu.memory_space<vmem_shared>>)
      } else {
      }
      %parallel_loop3A = arith.constant 0 : i32
      %parallel_loop3A_128 = arith.constant 128 : i32
      %parallel_loop3A_129 = arith.constant 1 : i32
      scf.for %parallel_loop3A_228 = %parallel_loop3A to %parallel_loop3A_128 step %parallel_loop3A_129  : i32 {
        %parallel_loop3A_229 = arith.index_cast %parallel_loop3A_228 : i32 to index
        %parallel_loop3A_230 = arith.constant 0 : index
        %parallel_loop3A_231 = tpu.vector_load %arg9[%parallel_loop3A_229, %parallel_loop3A_230] {strides = array<i32>} : memref<128x48xf32, #tpu.memory_space<vmem>>, vector<1x16xf32>,
        %parallel_loop3A_232 = vector.shape_cast %parallel_loop3A_231 : vector<1x16xf32> to vector<16xf32>
        %parallel_loop3A_233 = arith.index_cast %parallel_loop3A_228 : i32 to index
        %parallel_loop3A_234 = arith.constant 0 : index
        %parallel_loop3A_235 = tpu.vector_load %arg12[%parallel_loop3A_233, %parallel_loop3A_234] {strides = array<i32>} : memref<128x16xf32, #tpu.memory_space<vmem>>, vector<1x16xf32>,
        %parallel_loop3A_236 = vector.shape_cast %parallel_loop3A_235 : vector<1x16xf32> to vector<16xf32>
        %parallel_loop3A_237 = arith.addf %parallel_loop3A_232, %parallel_loop3A_236 : vector<16xf32>
        %parallel_loop3A_238 = arith.constant 2.000000e-01 : f32
        %parallel_loop3A_239 = vector.broadcast %parallel_loop3A_238 : f32 to vector<16xf32>
        %parallel_loop3A_240 = arith.mulf %parallel_loop3A_239, %parallel_loop3A_237 : vector<16xf32>
        %parallel_loop3A_241 = arith.maximumf %parallel_loop3A_237, %parallel_loop3A_240 : vector<16xf32>
        %parallel_loop3A_242 = math.exp %parallel_loop3A_241 : vector<16xf32>
        %parallel_loop3A_243 = arith.index_cast %parallel_loop3A_228 : i32 to index
        %parallel_loop3A_244 = arith.constant 0 : index
        %parallel_loop3A_245 = tpu.vector_load %arg15[%parallel_loop3A_243, %parallel_loop3A_244] {strides = array<i32>} : memref<128x80xf32, #tpu.memory_space<vmem>>, vector<1x16xf32>,
        %parallel_loop3A_246 = vector.shape_cast %parallel_loop3A_245 : vector<1x16xf32> to vector<16xf32>
        %parallel_loop3A_247 = vector.shape_cast %parallel_loop3A_242 : vector<16xf32> to vector<1x16xf32>
        tpu.vector_store %arg15[%parallel_loop3A_243, %parallel_loop3A_244], %parallel_loop3A_247 {strides = array<i32>} : memref<128x80xf32, #tpu.memory_space<vmem>>, vector<1x16xf32>,
        %parallel_loop3A_248 = tpu.iota {dimensions = array<i32: 0>} : vector<16xi32>
        %parallel_loop3A_249 = arith.constant 3 : i32
        %parallel_loop3A_250 = vector.broadcast %parallel_loop3A_249 : i32 to vector<16xi32>
        %parallel_loop3A_251 = arith.shrui %parallel_loop3A_248, %parallel_loop3A_250 : vector<16xi32>
        %parallel_loop3A_252 = arith.index_cast %parallel_loop3A_228 : i32 to index
        %parallel_loop3A_253 = arith.constant 16 : index
        %parallel_loop3A_254 = tpu.vector_load %arg9[%parallel_loop3A_252, %parallel_loop3A_253] {strides = array<i32>} : memref<128x48xf32, #tpu.memory_space<vmem>>, vector<1x16xf32>,
        %parallel_loop3A_255 = vector.shape_cast %parallel_loop3A_254 : vector<1x16xf32> to vector<16xf32>
        %parallel_loop3A_256 = tpu.bitcast %parallel_loop3A_255 : vector<16xf32> -> vector<16xi32>
        %parallel_loop3A_257 = arith.constant 16 : i32
        %parallel_loop3A_258 = vector.broadcast %parallel_loop3A_257 : i32 to vector<16xi32>
        %parallel_loop3A_259 = arith.shli %parallel_loop3A_256, %parallel_loop3A_258 : vector<16xi32>
        %parallel_loop3A_260 = tpu.bitcast %parallel_loop3A_259 : vector<16xi32> -> vector<16xf32>
        %parallel_loop3A_261 = arith.constant -65536 : i32
        %parallel_loop3A_262 = vector.broadcast %parallel_loop3A_261 : i32 to vector<16xi32>
        %parallel_loop3A_263 = arith.andi %parallel_loop3A_256, %parallel_loop3A_262 : vector<16xi32>
        %parallel_loop3A_264 = tpu.bitcast %parallel_loop3A_263 : vector<16xi32> -> vector<16xf32>
        %parallel_loop3A_265 = arith.constant 0 : i32
        %parallel_loop3A_266 = vector.broadcast %parallel_loop3A_265 : i32 to vector<16xi32>
        %parallel_loop3A_267 = arith.addi %parallel_loop3A_251, %parallel_loop3A_266 : vector<16xi32>
        %parallel_loop3A_268 = vector.shape_cast %parallel_loop3A_267 : vector<16xi32> to vector<16x1xi32>
        %parallel_loop3A_269 = vector.shape_cast %parallel_loop3A_268 : vector<16x1xi32> to vector<16xi32>
        %parallel_loop3A_270 = tpu.dynamic_gather %parallel_loop3A_242[%parallel_loop3A_269] in [0] : vector<16xf32>, vector<16xi32> -> vector<16xf32>
        %parallel_loop3A_271 = arith.mulf %parallel_loop3A_260, %parallel_loop3A_270 : vector<16xf32>
        %parallel_loop3A_272 = arith.index_cast %parallel_loop3A_228 : i32 to index
        %parallel_loop3A_273 = arith.constant 16 : index
        %parallel_loop3A_274 = tpu.vector_load %arg15[%parallel_loop3A_272, %parallel_loop3A_273] {strides = array<i32>} : memref<128x80xf32, #tpu.memory_space<vmem>>, vector<1x16xf32>,
        %parallel_loop3A_275 = vector.shape_cast %parallel_loop3A_274 : vector<1x16xf32> to vector<16xf32>
        %parallel_loop3A_276 = vector.shape_cast %parallel_loop3A_271 : vector<16xf32> to vector<1x16xf32>
        tpu.vector_store %arg15[%parallel_loop3A_272, %parallel_loop3A_273], %parallel_loop3A_276 {strides = array<i32>} : memref<128x80xf32, #tpu.memory_space<vmem>>, vector<1x16xf32>,
        %parallel_loop3A_277 = arith.constant 0 : i32
        %parallel_loop3A_278 = vector.broadcast %parallel_loop3A_277 : i32 to vector<16xi32>
        %parallel_loop3A_279 = arith.addi %parallel_loop3A_251, %parallel_loop3A_278 : vector<16xi32>
        %parallel_loop3A_280 = arith.constant 2 : i32
        %parallel_loop3A_281 = vector.broadcast %parallel_loop3A_280 : i32 to vector<16xi32>
        %parallel_loop3A_282 = arith.addi %parallel_loop3A_279, %parallel_loop3A_281 : vector<16xi32>
        %parallel_loop3A_283 = vector.shape_cast %parallel_loop3A_282 : vector<16xi32> to vector<16x1xi32>
        %parallel_loop3A_284 = vector.shape_cast %parallel_loop3A_283 : vector<16x1xi32> to vector<16xi32>
        %parallel_loop3A_285 = tpu.dynamic_gather %parallel_loop3A_242[%parallel_loop3A_284] in [0] : vector<16xf32>, vector<16xi32> -> vector<16xf32>
        %parallel_loop3A_286 = arith.mulf %parallel_loop3A_264, %parallel_loop3A_285 : vector<16xf32>
        %parallel_loop3A_287 = arith.index_cast %parallel_loop3A_228 : i32 to index
        %parallel_loop3A_288 = arith.constant 32 : index
        %parallel_loop3A_289 = tpu.vector_load %arg15[%parallel_loop3A_287, %parallel_loop3A_288] {strides = array<i32>} : memref<128x80xf32, #tpu.memory_space<vmem>>, vector<1x16xf32>,
        %parallel_loop3A_290 = vector.shape_cast %parallel_loop3A_289 : vector<1x16xf32> to vector<16xf32>
        %parallel_loop3A_291 = vector.shape_cast %parallel_loop3A_286 : vector<16xf32> to vector<1x16xf32>
        tpu.vector_store %arg15[%parallel_loop3A_287, %parallel_loop3A_288], %parallel_loop3A_291 {strides = array<i32>} : memref<128x80xf32, #tpu.memory_space<vmem>>, vector<1x16xf32>,
        %parallel_loop3A_292 = arith.index_cast %parallel_loop3A_228 : i32 to index
        %parallel_loop3A_293 = arith.constant 32 : index
        %parallel_loop3A_294 = tpu.vector_load %arg9[%parallel_loop3A_292, %parallel_loop3A_293] {strides = array<i32>} : memref<128x48xf32, #tpu.memory_space<vmem>>, vector<1x16xf32>,
        %parallel_loop3A_295 = vector.shape_cast %parallel_loop3A_294 : vector<1x16xf32> to vector<16xf32>
        %parallel_loop3A_296 = tpu.bitcast %parallel_loop3A_295 : vector<16xf32> -> vector<16xi32>
        %parallel_loop3A_297 = arith.constant 16 : i32
        %parallel_loop3A_298 = vector.broadcast %parallel_loop3A_297 : i32 to vector<16xi32>
        %parallel_loop3A_299 = arith.shli %parallel_loop3A_296, %parallel_loop3A_298 : vector<16xi32>
        %parallel_loop3A_300 = tpu.bitcast %parallel_loop3A_299 : vector<16xi32> -> vector<16xf32>
        %parallel_loop3A_301 = arith.constant -65536 : i32
        %parallel_loop3A_302 = vector.broadcast %parallel_loop3A_301 : i32 to vector<16xi32>
        %parallel_loop3A_303 = arith.andi %parallel_loop3A_296, %parallel_loop3A_302 : vector<16xi32>
        %parallel_loop3A_304 = tpu.bitcast %parallel_loop3A_303 : vector<16xi32> -> vector<16xf32>
        %parallel_loop3A_305 = arith.constant 4 : i32
        %parallel_loop3A_306 = vector.broadcast %parallel_loop3A_305 : i32 to vector<16xi32>
        %parallel_loop3A_307 = arith.addi %parallel_loop3A_251, %parallel_loop3A_306 : vector<16xi32>
        %parallel_loop3A_308 = vector.shape_cast %parallel_loop3A_307 : vector<16xi32> to vector<16x1xi32>
        %parallel_loop3A_309 = vector.shape_cast %parallel_loop3A_308 : vector<16x1xi32> to vector<16xi32>
        %parallel_loop3A_310 = tpu.dynamic_gather %parallel_loop3A_242[%parallel_loop3A_309] in [0] : vector<16xf32>, vector<16xi32> -> vector<16xf32>
        %parallel_loop3A_311 = arith.mulf %parallel_loop3A_300, %parallel_loop3A_310 : vector<16xf32>
        %parallel_loop3A_312 = arith.index_cast %parallel_loop3A_228 : i32 to index
        %parallel_loop3A_313 = arith.constant 48 : index
        %parallel_loop3A_314 = tpu.vector_load %arg15[%parallel_loop3A_312, %parallel_loop3A_313] {strides = array<i32>} : memref<128x80xf32, #tpu.memory_space<vmem>>, vector<1x16xf32>,
        %parallel_loop3A_315 = vector.shape_cast %parallel_loop3A_314 : vector<1x16xf32> to vector<16xf32>
        %parallel_loop3A_316 = vector.shape_cast %parallel_loop3A_311 : vector<16xf32> to vector<1x16xf32>
        tpu.vector_store %arg15[%parallel_loop3A_312, %parallel_loop3A_313], %parallel_loop3A_316 {strides = array<i32>} : memref<128x80xf32, #tpu.memory_space<vmem>>, vector<1x16xf32>,
        %parallel_loop3A_317 = arith.constant 4 : i32
        %parallel_loop3A_318 = vector.broadcast %parallel_loop3A_317 : i32 to vector<16xi32>
        %parallel_loop3A_319 = arith.addi %parallel_loop3A_251, %parallel_loop3A_318 : vector<16xi32>
        %parallel_loop3A_320 = arith.constant 2 : i32
        %parallel_loop3A_321 = vector.broadcast %parallel_loop3A_320 : i32 to vector<16xi32>
        %parallel_loop3A_322 = arith.addi %parallel_loop3A_319, %parallel_loop3A_321 : vector<16xi32>
        %parallel_loop3A_323 = vector.shape_cast %parallel_loop3A_322 : vector<16xi32> to vector<16x1xi32>
        %parallel_loop3A_324 = vector.shape_cast %parallel_loop3A_323 : vector<16x1xi32> to vector<16xi32>
        %parallel_loop3A_325 = tpu.dynamic_gather %parallel_loop3A_242[%parallel_loop3A_324] in [0] : vector<16xf32>, vector<16xi32> -> vector<16xf32>
        %parallel_loop3A_326 = arith.mulf %parallel_loop3A_304, %parallel_loop3A_325 : vector<16xf32>
        %parallel_loop3A_327 = arith.index_cast %parallel_loop3A_228 : i32 to index
        %parallel_loop3A_328 = arith.constant 64 : index
        %parallel_loop3A_329 = tpu.vector_load %arg15[%parallel_loop3A_327, %parallel_loop3A_328] {strides = array<i32>} : memref<128x80xf32, #tpu.memory_space<vmem>>, vector<1x16xf32>,
        %parallel_loop3A_330 = vector.shape_cast %parallel_loop3A_329 : vector<1x16xf32> to vector<16xf32>
        %parallel_loop3A_331 = vector.shape_cast %parallel_loop3A_326 : vector<16xf32> to vector<1x16xf32>
        tpu.vector_store %arg15[%parallel_loop3A_327, %parallel_loop3A_328], %parallel_loop3A_331 {strides = array<i32>} : memref<128x80xf32, #tpu.memory_space<vmem>>, vector<1x16xf32>,
      } {sc.loop_unroll_factor = 4 : i64, sc.parallel_access}
      %dma_start3A_130 = arith.constant 0 : i32
      %dma_start3A_131 = tpu.memref_slice %arg8[%add3A_98, %dma_start3A_130] : memref<84x128xi32, #tpu.memory_space<vmem>> -> memref<1x128xi32, #tpu.memory_space<vmem>>
      %dma_start3A_132 = tpu.memref_squeeze %dma_start3A_131 : memref<1x128xi32, #tpu.memory_space<vmem>> -> memref<128xi32, #tpu.memory_space<vmem>>
      %dma_start3A_133 = arith.constant 0 : i32
      %dma_start3A_134 = arith.constant 0 : i32
      %dma_start3A_135 = tpu.memref_slice %arg17[%dma_start3A_133, %dma_start3A_134] : memref<10240x80xf32, #tpu.memory_space<vmem_shared>> -> memref<10240x80xf32, #tpu.memory_space<vmem_shared>>
      tpu.enqueue_indirect_dma source(%arg15 : memref<128x80xf32, #tpu.memory_space<vmem>>) target(%dma_start3A_135 : memref<10240x80xf32, #tpu.memory_space<vmem_shared>>) offsets(%dma_start3A_132 : memref<128xi32, #tpu.memory_space<vmem>>) semaphore(%arg21 : memref<!tpu.dma_semaphore, #tpu.memory_space<semaphore_mem>>) {add = true}
      %add3A_136 = arith.constant 1 : i32
      %add3A_137 = arith.addi %mul3A_96, %add3A_136 : i32
      %add3A_138 = arith.constant 3 : i32
      %add3A_139 = arith.addi %add3A_137, %add3A_138 : i32
      %sub3A_140 = arith.constant 1 : i32
      %sub3A_141 = arith.subi %add3A_139, %sub3A_140 : i32
      %dma_start3A_142 = arith.constant 0 : i32
      %dma_start3A_143 = tpu.memref_slice %arg7[%sub3A_141, %dma_start3A_142] : memref<84x128xi32, #tpu.memory_space<vmem>> -> memref<1x128xi32, #tpu.memory_space<vmem>>
      %dma_start3A_144 = tpu.memref_squeeze %dma_start3A_143 : memref<1x128xi32, #tpu.memory_space<vmem>> -> memref<128xi32, #tpu.memory_space<vmem>>
      %dma_start3A_145 = arith.constant 0 : i32
      %dma_start3A_146 = arith.constant 0 : i32
      %dma_start3A_147 = tpu.memref_slice %arg2[%dma_start3A_145, %dma_start3A_146] : memref<10240x48xf32, #tpu.memory_space<hbm>> -> memref<10240x48xf32, #tpu.memory_space<hbm>>
      tpu.enqueue_indirect_dma source(%dma_start3A_147 : memref<10240x48xf32, #tpu.memory_space<hbm>>) target(%arg9 : memref<128x48xf32, #tpu.memory_space<vmem>>) offsets(%dma_start3A_144 : memref<128xi32, #tpu.memory_space<vmem>>) semaphore(%arg18 : memref<!tpu.dma_semaphore, #tpu.memory_space<semaphore_mem>>)
      %dma_start3A_148 = arith.constant 0 : i32
      %dma_start3A_149 = tpu.memref_slice %arg8[%sub3A_141, %dma_start3A_148] : memref<84x128xi32, #tpu.memory_space<vmem>> -> memref<1x128xi32, #tpu.memory_space<vmem>>
      %dma_start3A_150 = tpu.memref_squeeze %dma_start3A_149 : memref<1x128xi32, #tpu.memory_space<vmem>> -> memref<128xi32, #tpu.memory_space<vmem>>
      %dma_start3A_151 = arith.constant 0 : i32
      %dma_start3A_152 = arith.constant 0 : i32
      %dma_start3A_153 = tpu.memref_slice %arg3[%dma_start3A_151, %dma_start3A_152] : memref<10240x16xf32, #tpu.memory_space<hbm>> -> memref<10240x16xf32, #tpu.memory_space<hbm>>
      tpu.enqueue_indirect_dma source(%dma_start3A_153 : memref<10240x16xf32, #tpu.memory_space<hbm>>) target(%arg12 : memref<128x16xf32, #tpu.memory_space<vmem>>) offsets(%dma_start3A_150 : memref<128xi32, #tpu.memory_space<vmem>>) semaphore(%arg18 : memref<!tpu.dma_semaphore, #tpu.memory_space<semaphore_mem>>)
      %dma_wait3A_154 = arith.constant 0 : i32
      %dma_wait3A_155 = tpu.memref_slice %arg7[%add3A_137, %dma_wait3A_154] : memref<84x128xi32, #tpu.memory_space<vmem>> -> memref<1x128xi32, #tpu.memory_space<vmem>>
      %dma_wait3A_156 = tpu.memref_squeeze %dma_wait3A_155 : memref<1x128xi32, #tpu.memory_space<vmem>> -> memref<128xi32, #tpu.memory_space<vmem>>
      %dma_wait3A_157 = arith.constant 0 : i32
      %dma_wait3A_158 = arith.constant 0 : i32
      %dma_wait3A_159 = tpu.memref_slice %arg2[%dma_wait3A_157, %dma_wait3A_158] : memref<10240x48xf32, #tpu.memory_space<hbm>> -> memref<10240x48xf32, #tpu.memory_space<hbm>>
      tpu.wait_indirect_dma semaphore(%arg19 : memref<!tpu.dma_semaphore, #tpu.memory_space<semaphore_mem>>) src(%dma_wait3A_159 : memref<10240x48xf32, #tpu.memory_space<hbm>>) dst(%arg10 : memref<128x48xf32, #tpu.memory_space<vmem>>)
      %dma_wait3A_160 = arith.constant 0 : i32
      %dma_wait3A_161 = tpu.memref_slice %arg8[%add3A_137, %dma_wait3A_160] : memref<84x128xi32, #tpu.memory_space<vmem>> -> memref<1x128xi32, #tpu.memory_space<vmem>>
      %dma_wait3A_162 = tpu.memref_squeeze %dma_wait3A_161 : memref<1x128xi32, #tpu.memory_space<vmem>> -> memref<128xi32, #tpu.memory_space<vmem>>
      %dma_wait3A_163 = arith.constant 0 : i32
      %dma_wait3A_164 = arith.constant 0 : i32
      %dma_wait3A_165 = tpu.memref_slice %arg3[%dma_wait3A_163, %dma_wait3A_164] : memref<10240x16xf32, #tpu.memory_space<hbm>> -> memref<10240x16xf32, #tpu.memory_space<hbm>>
      tpu.wait_indirect_dma semaphore(%arg19 : memref<!tpu.dma_semaphore, #tpu.memory_space<semaphore_mem>>) src(%dma_wait3A_165 : memref<10240x16xf32, #tpu.memory_space<hbm>>) dst(%arg13 : memref<128x16xf32, #tpu.memory_space<vmem>>)
      %gt3A_166 = arith.constant 0 : i32
      %gt3A_167 = arith.cmpi sgt, %scan3A_93, %gt3A_166 : i32
      %convert_element_type3A_168 = arith.extui %gt3A_167 : i1 to i32
      %cond3A_169 = arith.constant 0 : i32
      %cond3A_170 = arith.cmpi ne, %convert_element_type3A_168, %cond3A_169 : i32
      scf.if %cond3A_170 {
        %sub3A_228 = arith.constant 2 : i32
        %sub3A_229 = arith.subi %add3A_137, %sub3A_228 : i32
        %dma_wait3A_230 = arith.constant 0 : i32
        %dma_wait3A_231 = tpu.memref_slice %arg8[%sub3A_229, %dma_wait3A_230] : memref<84x128xi32, #tpu.memory_space<vmem>> -> memref<1x128xi32, #tpu.memory_space<vmem>>
        %dma_wait3A_232 = tpu.memref_squeeze %dma_wait3A_231 : memref<1x128xi32, #tpu.memory_space<vmem>> -> memref<128xi32, #tpu.memory_space<vmem>>
        %dma_wait3A_233 = arith.constant 0 : i32
        %dma_wait3A_234 = arith.constant 0 : i32
        %dma_wait3A_235 = tpu.memref_slice %arg17[%dma_wait3A_233, %dma_wait3A_234] : memref<10240x80xf32, #tpu.memory_space<vmem_shared>> -> memref<10240x80xf32, #tpu.memory_space<vmem_shared>>
        tpu.wait_indirect_dma semaphore(%arg22 : memref<!tpu.dma_semaphore, #tpu.memory_space<semaphore_mem>>) src(%arg16 : memref<128x80xf32, #tpu.memory_space<vmem>>) dst(%dma_wait3A_235 : memref<10240x80xf32, #tpu.memory_space<vmem_shared>>)
      } else {
      }
      %parallel_loop3A_171 = arith.constant 0 : i32
      %parallel_loop3A_172 = arith.constant 128 : i32
      %parallel_loop3A_173 = arith.constant 1 : i32
      scf.for %parallel_loop3A_228 = %parallel_loop3A_171 to %parallel_loop3A_172 step %parallel_loop3A_173  : i32 {
        %parallel_loop3A_229 = arith.index_cast %parallel_loop3A_228 : i32 to index
        %parallel_loop3A_230 = arith.constant 0 : index
        %parallel_loop3A_231 = tpu.vector_load %arg10[%parallel_loop3A_229, %parallel_loop3A_230] {strides = array<i32>} : memref<128x48xf32, #tpu.memory_space<vmem>>, vector<1x16xf32>,
        %parallel_loop3A_232 = vector.shape_cast %parallel_loop3A_231 : vector<1x16xf32> to vector<16xf32>
        %parallel_loop3A_233 = arith.index_cast %parallel_loop3A_228 : i32 to index
        %parallel_loop3A_234 = arith.constant 0 : index
        %parallel_loop3A_235 = tpu.vector_load %arg13[%parallel_loop3A_233, %parallel_loop3A_234] {strides = array<i32>} : memref<128x16xf32, #tpu.memory_space<vmem>>, vector<1x16xf32>,
        %parallel_loop3A_236 = vector.shape_cast %parallel_loop3A_235 : vector<1x16xf32> to vector<16xf32>
        %parallel_loop3A_237 = arith.addf %parallel_loop3A_232, %parallel_loop3A_236 : vector<16xf32>
        %parallel_loop3A_238 = arith.constant 2.000000e-01 : f32
        %parallel_loop3A_239 = vector.broadcast %parallel_loop3A_238 : f32 to vector<16xf32>
        %parallel_loop3A_240 = arith.mulf %parallel_loop3A_239, %parallel_loop3A_237 : vector<16xf32>
        %parallel_loop3A_241 = arith.maximumf %parallel_loop3A_237, %parallel_loop3A_240 : vector<16xf32>
        %parallel_loop3A_242 = math.exp %parallel_loop3A_241 : vector<16xf32>
        %parallel_loop3A_243 = arith.index_cast %parallel_loop3A_228 : i32 to index
        %parallel_loop3A_244 = arith.constant 0 : index
        %parallel_loop3A_245 = tpu.vector_load %arg16[%parallel_loop3A_243, %parallel_loop3A_244] {strides = array<i32>} : memref<128x80xf32, #tpu.memory_space<vmem>>, vector<1x16xf32>,
        %parallel_loop3A_246 = vector.shape_cast %parallel_loop3A_245 : vector<1x16xf32> to vector<16xf32>
        %parallel_loop3A_247 = vector.shape_cast %parallel_loop3A_242 : vector<16xf32> to vector<1x16xf32>
        tpu.vector_store %arg16[%parallel_loop3A_243, %parallel_loop3A_244], %parallel_loop3A_247 {strides = array<i32>} : memref<128x80xf32, #tpu.memory_space<vmem>>, vector<1x16xf32>,
        %parallel_loop3A_248 = tpu.iota {dimensions = array<i32: 0>} : vector<16xi32>
        %parallel_loop3A_249 = arith.constant 3 : i32
        %parallel_loop3A_250 = vector.broadcast %parallel_loop3A_249 : i32 to vector<16xi32>
        %parallel_loop3A_251 = arith.shrui %parallel_loop3A_248, %parallel_loop3A_250 : vector<16xi32>
        %parallel_loop3A_252 = arith.index_cast %parallel_loop3A_228 : i32 to index
        %parallel_loop3A_253 = arith.constant 16 : index
        %parallel_loop3A_254 = tpu.vector_load %arg10[%parallel_loop3A_252, %parallel_loop3A_253] {strides = array<i32>} : memref<128x48xf32, #tpu.memory_space<vmem>>, vector<1x16xf32>,
        %parallel_loop3A_255 = vector.shape_cast %parallel_loop3A_254 : vector<1x16xf32> to vector<16xf32>
        %parallel_loop3A_256 = tpu.bitcast %parallel_loop3A_255 : vector<16xf32> -> vector<16xi32>
        %parallel_loop3A_257 = arith.constant 16 : i32
        %parallel_loop3A_258 = vector.broadcast %parallel_loop3A_257 : i32 to vector<16xi32>
        %parallel_loop3A_259 = arith.shli %parallel_loop3A_256, %parallel_loop3A_258 : vector<16xi32>
        %parallel_loop3A_260 = tpu.bitcast %parallel_loop3A_259 : vector<16xi32> -> vector<16xf32>
        %parallel_loop3A_261 = arith.constant -65536 : i32
        %parallel_loop3A_262 = vector.broadcast %parallel_loop3A_261 : i32 to vector<16xi32>
        %parallel_loop3A_263 = arith.andi %parallel_loop3A_256, %parallel_loop3A_262 : vector<16xi32>
        %parallel_loop3A_264 = tpu.bitcast %parallel_loop3A_263 : vector<16xi32> -> vector<16xf32>
        %parallel_loop3A_265 = arith.constant 0 : i32
        %parallel_loop3A_266 = vector.broadcast %parallel_loop3A_265 : i32 to vector<16xi32>
        %parallel_loop3A_267 = arith.addi %parallel_loop3A_251, %parallel_loop3A_266 : vector<16xi32>
        %parallel_loop3A_268 = vector.shape_cast %parallel_loop3A_267 : vector<16xi32> to vector<16x1xi32>
        %parallel_loop3A_269 = vector.shape_cast %parallel_loop3A_268 : vector<16x1xi32> to vector<16xi32>
        %parallel_loop3A_270 = tpu.dynamic_gather %parallel_loop3A_242[%parallel_loop3A_269] in [0] : vector<16xf32>, vector<16xi32> -> vector<16xf32>
        %parallel_loop3A_271 = arith.mulf %parallel_loop3A_260, %parallel_loop3A_270 : vector<16xf32>
        %parallel_loop3A_272 = arith.index_cast %parallel_loop3A_228 : i32 to index
        %parallel_loop3A_273 = arith.constant 16 : index
        %parallel_loop3A_274 = tpu.vector_load %arg16[%parallel_loop3A_272, %parallel_loop3A_273] {strides = array<i32>} : memref<128x80xf32, #tpu.memory_space<vmem>>, vector<1x16xf32>,
        %parallel_loop3A_275 = vector.shape_cast %parallel_loop3A_274 : vector<1x16xf32> to vector<16xf32>
        %parallel_loop3A_276 = vector.shape_cast %parallel_loop3A_271 : vector<16xf32> to vector<1x16xf32>
        tpu.vector_store %arg16[%parallel_loop3A_272, %parallel_loop3A_273], %parallel_loop3A_276 {strides = array<i32>} : memref<128x80xf32, #tpu.memory_space<vmem>>, vector<1x16xf32>,
        %parallel_loop3A_277 = arith.constant 0 : i32
        %parallel_loop3A_278 = vector.broadcast %parallel_loop3A_277 : i32 to vector<16xi32>
        %parallel_loop3A_279 = arith.addi %parallel_loop3A_251, %parallel_loop3A_278 : vector<16xi32>
        %parallel_loop3A_280 = arith.constant 2 : i32
        %parallel_loop3A_281 = vector.broadcast %parallel_loop3A_280 : i32 to vector<16xi32>
        %parallel_loop3A_282 = arith.addi %parallel_loop3A_279, %parallel_loop3A_281 : vector<16xi32>
        %parallel_loop3A_283 = vector.shape_cast %parallel_loop3A_282 : vector<16xi32> to vector<16x1xi32>
        %parallel_loop3A_284 = vector.shape_cast %parallel_loop3A_283 : vector<16x1xi32> to vector<16xi32>
        %parallel_loop3A_285 = tpu.dynamic_gather %parallel_loop3A_242[%parallel_loop3A_284] in [0] : vector<16xf32>, vector<16xi32> -> vector<16xf32>
        %parallel_loop3A_286 = arith.mulf %parallel_loop3A_264, %parallel_loop3A_285 : vector<16xf32>
        %parallel_loop3A_287 = arith.index_cast %parallel_loop3A_228 : i32 to index
        %parallel_loop3A_288 = arith.constant 32 : index
        %parallel_loop3A_289 = tpu.vector_load %arg16[%parallel_loop3A_287, %parallel_loop3A_288] {strides = array<i32>} : memref<128x80xf32, #tpu.memory_space<vmem>>, vector<1x16xf32>,
        %parallel_loop3A_290 = vector.shape_cast %parallel_loop3A_289 : vector<1x16xf32> to vector<16xf32>
        %parallel_loop3A_291 = vector.shape_cast %parallel_loop3A_286 : vector<16xf32> to vector<1x16xf32>
        tpu.vector_store %arg16[%parallel_loop3A_287, %parallel_loop3A_288], %parallel_loop3A_291 {strides = array<i32>} : memref<128x80xf32, #tpu.memory_space<vmem>>, vector<1x16xf32>,
        %parallel_loop3A_292 = arith.index_cast %parallel_loop3A_228 : i32 to index
        %parallel_loop3A_293 = arith.constant 32 : index
        %parallel_loop3A_294 = tpu.vector_load %arg10[%parallel_loop3A_292, %parallel_loop3A_293] {strides = array<i32>} : memref<128x48xf32, #tpu.memory_space<vmem>>, vector<1x16xf32>,
        %parallel_loop3A_295 = vector.shape_cast %parallel_loop3A_294 : vector<1x16xf32> to vector<16xf32>
        %parallel_loop3A_296 = tpu.bitcast %parallel_loop3A_295 : vector<16xf32> -> vector<16xi32>
        %parallel_loop3A_297 = arith.constant 16 : i32
        %parallel_loop3A_298 = vector.broadcast %parallel_loop3A_297 : i32 to vector<16xi32>
        %parallel_loop3A_299 = arith.shli %parallel_loop3A_296, %parallel_loop3A_298 : vector<16xi32>
        %parallel_loop3A_300 = tpu.bitcast %parallel_loop3A_299 : vector<16xi32> -> vector<16xf32>
        %parallel_loop3A_301 = arith.constant -65536 : i32
        %parallel_loop3A_302 = vector.broadcast %parallel_loop3A_301 : i32 to vector<16xi32>
        %parallel_loop3A_303 = arith.andi %parallel_loop3A_296, %parallel_loop3A_302 : vector<16xi32>
        %parallel_loop3A_304 = tpu.bitcast %parallel_loop3A_303 : vector<16xi32> -> vector<16xf32>
        %parallel_loop3A_305 = arith.constant 4 : i32
        %parallel_loop3A_306 = vector.broadcast %parallel_loop3A_305 : i32 to vector<16xi32>
        %parallel_loop3A_307 = arith.addi %parallel_loop3A_251, %parallel_loop3A_306 : vector<16xi32>
        %parallel_loop3A_308 = vector.shape_cast %parallel_loop3A_307 : vector<16xi32> to vector<16x1xi32>
        %parallel_loop3A_309 = vector.shape_cast %parallel_loop3A_308 : vector<16x1xi32> to vector<16xi32>
        %parallel_loop3A_310 = tpu.dynamic_gather %parallel_loop3A_242[%parallel_loop3A_309] in [0] : vector<16xf32>, vector<16xi32> -> vector<16xf32>
        %parallel_loop3A_311 = arith.mulf %parallel_loop3A_300, %parallel_loop3A_310 : vector<16xf32>
        %parallel_loop3A_312 = arith.index_cast %parallel_loop3A_228 : i32 to index
        %parallel_loop3A_313 = arith.constant 48 : index
        %parallel_loop3A_314 = tpu.vector_load %arg16[%parallel_loop3A_312, %parallel_loop3A_313] {strides = array<i32>} : memref<128x80xf32, #tpu.memory_space<vmem>>, vector<1x16xf32>,
        %parallel_loop3A_315 = vector.shape_cast %parallel_loop3A_314 : vector<1x16xf32> to vector<16xf32>
        %parallel_loop3A_316 = vector.shape_cast %parallel_loop3A_311 : vector<16xf32> to vector<1x16xf32>
        tpu.vector_store %arg16[%parallel_loop3A_312, %parallel_loop3A_313], %parallel_loop3A_316 {strides = array<i32>} : memref<128x80xf32, #tpu.memory_space<vmem>>, vector<1x16xf32>,
        %parallel_loop3A_317 = arith.constant 4 : i32
        %parallel_loop3A_318 = vector.broadcast %parallel_loop3A_317 : i32 to vector<16xi32>
        %parallel_loop3A_319 = arith.addi %parallel_loop3A_251, %parallel_loop3A_318 : vector<16xi32>
        %parallel_loop3A_320 = arith.constant 2 : i32
        %parallel_loop3A_321 = vector.broadcast %parallel_loop3A_320 : i32 to vector<16xi32>
        %parallel_loop3A_322 = arith.addi %parallel_loop3A_319, %parallel_loop3A_321 : vector<16xi32>
        %parallel_loop3A_323 = vector.shape_cast %parallel_loop3A_322 : vector<16xi32> to vector<16x1xi32>
        %parallel_loop3A_324 = vector.shape_cast %parallel_loop3A_323 : vector<16x1xi32> to vector<16xi32>
        %parallel_loop3A_325 = tpu.dynamic_gather %parallel_loop3A_242[%parallel_loop3A_324] in [0] : vector<16xf32>, vector<16xi32> -> vector<16xf32>
        %parallel_loop3A_326 = arith.mulf %parallel_loop3A_304, %parallel_loop3A_325 : vector<16xf32>
        %parallel_loop3A_327 = arith.index_cast %parallel_loop3A_228 : i32 to index
        %parallel_loop3A_328 = arith.constant 64 : index
        %parallel_loop3A_329 = tpu.vector_load %arg16[%parallel_loop3A_327, %parallel_loop3A_328] {strides = array<i32>} : memref<128x80xf32, #tpu.memory_space<vmem>>, vector<1x16xf32>,
        %parallel_loop3A_330 = vector.shape_cast %parallel_loop3A_329 : vector<1x16xf32> to vector<16xf32>
        %parallel_loop3A_331 = vector.shape_cast %parallel_loop3A_326 : vector<16xf32> to vector<1x16xf32>
        tpu.vector_store %arg16[%parallel_loop3A_327, %parallel_loop3A_328], %parallel_loop3A_331 {strides = array<i32>} : memref<128x80xf32, #tpu.memory_space<vmem>>, vector<1x16xf32>,
      } {sc.loop_unroll_factor = 4 : i64, sc.parallel_access}
      %dma_start3A_174 = arith.constant 0 : i32
      %dma_start3A_175 = tpu.memref_slice %arg8[%add3A_137, %dma_start3A_174] : memref<84x128xi32, #tpu.memory_space<vmem>> -> memref<1x128xi32, #tpu.memory_space<vmem>>
      %dma_start3A_176 = tpu.memref_squeeze %dma_start3A_175 : memref<1x128xi32, #tpu.memory_space<vmem>> -> memref<128xi32, #tpu.memory_space<vmem>>
      %dma_start3A_177 = arith.constant 0 : i32
      %dma_start3A_178 = arith.constant 0 : i32
      %dma_start3A_179 = tpu.memref_slice %arg17[%dma_start3A_177, %dma_start3A_178] : memref<10240x80xf32, #tpu.memory_space<vmem_shared>> -> memref<10240x80xf32, #tpu.memory_space<vmem_shared>>
      tpu.enqueue_indirect_dma source(%arg16 : memref<128x80xf32, #tpu.memory_space<vmem>>) target(%dma_start3A_179 : memref<10240x80xf32, #tpu.memory_space<vmem_shared>>) offsets(%dma_start3A_176 : memref<128xi32, #tpu.memory_space<vmem>>) semaphore(%arg22 : memref<!tpu.dma_semaphore, #tpu.memory_space<semaphore_mem>>) {add = true}
      %add3A_180 = arith.constant 2 : i32
      %add3A_181 = arith.addi %mul3A_96, %add3A_180 : i32
      %add3A_182 = arith.constant 3 : i32
      %add3A_183 = arith.addi %add3A_181, %add3A_182 : i32
      %sub3A_184 = arith.constant 1 : i32
      %sub3A_185 = arith.subi %add3A_183, %sub3A_184 : i32
      %dma_start3A_186 = arith.constant 0 : i32
      %dma_start3A_187 = tpu.memref_slice %arg7[%sub3A_185, %dma_start3A_186] : memref<84x128xi32, #tpu.memory_space<vmem>> -> memref<1x128xi32, #tpu.memory_space<vmem>>
      %dma_start3A_188 = tpu.memref_squeeze %dma_start3A_187 : memref<1x128xi32, #tpu.memory_space<vmem>> -> memref<128xi32, #tpu.memory_space<vmem>>
      %dma_start3A_189 = arith.constant 0 : i32
      %dma_start3A_190 = arith.constant 0 : i32
      %dma_start3A_191 = tpu.memref_slice %arg2[%dma_start3A_189, %dma_start3A_190] : memref<10240x48xf32, #tpu.memory_space<hbm>> -> memref<10240x48xf32, #tpu.memory_space<hbm>>
      tpu.enqueue_indirect_dma source(%dma_start3A_191 : memref<10240x48xf32, #tpu.memory_space<hbm>>) target(%arg10 : memref<128x48xf32, #tpu.memory_space<vmem>>) offsets(%dma_start3A_188 : memref<128xi32, #tpu.memory_space<vmem>>) semaphore(%arg19 : memref<!tpu.dma_semaphore, #tpu.memory_space<semaphore_mem>>)
      %dma_start3A_192 = arith.constant 0 : i32
      %dma_start3A_193 = tpu.memref_slice %arg8[%sub3A_185, %dma_start3A_192] : memref<84x128xi32, #tpu.memory_space<vmem>> -> memref<1x128xi32, #tpu.memory_space<vmem>>
      %dma_start3A_194 = tpu.memref_squeeze %dma_start3A_193 : memref<1x128xi32, #tpu.memory_space<vmem>> -> memref<128xi32, #tpu.memory_space<vmem>>
      %dma_start3A_195 = arith.constant 0 : i32
      %dma_start3A_196 = arith.constant 0 : i32
      %dma_start3A_197 = tpu.memref_slice %arg3[%dma_start3A_195, %dma_start3A_196] : memref<10240x16xf32, #tpu.memory_space<hbm>> -> memref<10240x16xf32, #tpu.memory_space<hbm>>
      tpu.enqueue_indirect_dma source(%dma_start3A_197 : memref<10240x16xf32, #tpu.memory_space<hbm>>) target(%arg13 : memref<128x16xf32, #tpu.memory_space<vmem>>) offsets(%dma_start3A_194 : memref<128xi32, #tpu.memory_space<vmem>>) semaphore(%arg19 : memref<!tpu.dma_semaphore, #tpu.memory_space<semaphore_mem>>)
      %dma_wait3A_198 = arith.constant 0 : i32
      %dma_wait3A_199 = tpu.memref_slice %arg7[%add3A_181, %dma_wait3A_198] : memref<84x128xi32, #tpu.memory_space<vmem>> -> memref<1x128xi32, #tpu.memory_space<vmem>>
      %dma_wait3A_200 = tpu.memref_squeeze %dma_wait3A_199 : memref<1x128xi32, #tpu.memory_space<vmem>> -> memref<128xi32, #tpu.memory_space<vmem>>
      %dma_wait3A_201 = arith.constant 0 : i32
      %dma_wait3A_202 = arith.constant 0 : i32
      %dma_wait3A_203 = tpu.memref_slice %arg2[%dma_wait3A_201, %dma_wait3A_202] : memref<10240x48xf32, #tpu.memory_space<hbm>> -> memref<10240x48xf32, #tpu.memory_space<hbm>>
      tpu.wait_indirect_dma semaphore(%arg20 : memref<!tpu.dma_semaphore, #tpu.memory_space<semaphore_mem>>) src(%dma_wait3A_203 : memref<10240x48xf32, #tpu.memory_space<hbm>>) dst(%arg11 : memref<128x48xf32, #tpu.memory_space<vmem>>)
      %dma_wait3A_204 = arith.constant 0 : i32
      %dma_wait3A_205 = tpu.memref_slice %arg8[%add3A_181, %dma_wait3A_204] : memref<84x128xi32, #tpu.memory_space<vmem>> -> memref<1x128xi32, #tpu.memory_space<vmem>>
      %dma_wait3A_206 = tpu.memref_squeeze %dma_wait3A_205 : memref<1x128xi32, #tpu.memory_space<vmem>> -> memref<128xi32, #tpu.memory_space<vmem>>
      %dma_wait3A_207 = arith.constant 0 : i32
      %dma_wait3A_208 = arith.constant 0 : i32
      %dma_wait3A_209 = tpu.memref_slice %arg3[%dma_wait3A_207, %dma_wait3A_208] : memref<10240x16xf32, #tpu.memory_space<hbm>> -> memref<10240x16xf32, #tpu.memory_space<hbm>>
      tpu.wait_indirect_dma semaphore(%arg20 : memref<!tpu.dma_semaphore, #tpu.memory_space<semaphore_mem>>) src(%dma_wait3A_209 : memref<10240x16xf32, #tpu.memory_space<hbm>>) dst(%arg14 : memref<128x16xf32, #tpu.memory_space<vmem>>)
      %sub3A_210 = arith.constant 2 : i32
      %sub3A_211 = arith.subi %add3A_181, %sub3A_210 : i32
      %dma_wait3A_212 = arith.constant 0 : i32
      %dma_wait3A_213 = tpu.memref_slice %arg8[%sub3A_211, %dma_wait3A_212] : memref<84x128xi32, #tpu.memory_space<vmem>> -> memref<1x128xi32, #tpu.memory_space<vmem>>
      %dma_wait3A_214 = tpu.memref_squeeze %dma_wait3A_213 : memref<1x128xi32, #tpu.memory_space<vmem>> -> memref<128xi32, #tpu.memory_space<vmem>>
      %dma_wait3A_215 = arith.constant 0 : i32
      %dma_wait3A_216 = arith.constant 0 : i32
      %dma_wait3A_217 = tpu.memref_slice %arg17[%dma_wait3A_215, %dma_wait3A_216] : memref<10240x80xf32, #tpu.memory_space<vmem_shared>> -> memref<10240x80xf32, #tpu.memory_space<vmem_shared>>
      tpu.wait_indirect_dma semaphore(%arg21 : memref<!tpu.dma_semaphore, #tpu.memory_space<semaphore_mem>>) src(%arg15 : memref<128x80xf32, #tpu.memory_space<vmem>>) dst(%dma_wait3A_217 : memref<10240x80xf32, #tpu.memory_space<vmem_shared>>)
      %parallel_loop3A_218 = arith.constant 0 : i32
      %parallel_loop3A_219 = arith.constant 128 : i32
      %parallel_loop3A_220 = arith.constant 1 : i32
      scf.for %parallel_loop3A_228 = %parallel_loop3A_218 to %parallel_loop3A_219 step %parallel_loop3A_220  : i32 {
        %parallel_loop3A_229 = arith.index_cast %parallel_loop3A_228 : i32 to index
        %parallel_loop3A_230 = arith.constant 0 : index
        %parallel_loop3A_231 = tpu.vector_load %arg11[%parallel_loop3A_229, %parallel_loop3A_230] {strides = array<i32>} : memref<128x48xf32, #tpu.memory_space<vmem>>, vector<1x16xf32>,
        %parallel_loop3A_232 = vector.shape_cast %parallel_loop3A_231 : vector<1x16xf32> to vector<16xf32>
        %parallel_loop3A_233 = arith.index_cast %parallel_loop3A_228 : i32 to index
        %parallel_loop3A_234 = arith.constant 0 : index
        %parallel_loop3A_235 = tpu.vector_load %arg14[%parallel_loop3A_233, %parallel_loop3A_234] {strides = array<i32>} : memref<128x16xf32, #tpu.memory_space<vmem>>, vector<1x16xf32>,
        %parallel_loop3A_236 = vector.shape_cast %parallel_loop3A_235 : vector<1x16xf32> to vector<16xf32>
        %parallel_loop3A_237 = arith.addf %parallel_loop3A_232, %parallel_loop3A_236 : vector<16xf32>
        %parallel_loop3A_238 = arith.constant 2.000000e-01 : f32
        %parallel_loop3A_239 = vector.broadcast %parallel_loop3A_238 : f32 to vector<16xf32>
        %parallel_loop3A_240 = arith.mulf %parallel_loop3A_239, %parallel_loop3A_237 : vector<16xf32>
        %parallel_loop3A_241 = arith.maximumf %parallel_loop3A_237, %parallel_loop3A_240 : vector<16xf32>
        %parallel_loop3A_242 = math.exp %parallel_loop3A_241 : vector<16xf32>
        %parallel_loop3A_243 = arith.index_cast %parallel_loop3A_228 : i32 to index
        %parallel_loop3A_244 = arith.constant 0 : index
        %parallel_loop3A_245 = tpu.vector_load %arg15[%parallel_loop3A_243, %parallel_loop3A_244] {strides = array<i32>} : memref<128x80xf32, #tpu.memory_space<vmem>>, vector<1x16xf32>,
        %parallel_loop3A_246 = vector.shape_cast %parallel_loop3A_245 : vector<1x16xf32> to vector<16xf32>
        %parallel_loop3A_247 = vector.shape_cast %parallel_loop3A_242 : vector<16xf32> to vector<1x16xf32>
        tpu.vector_store %arg15[%parallel_loop3A_243, %parallel_loop3A_244], %parallel_loop3A_247 {strides = array<i32>} : memref<128x80xf32, #tpu.memory_space<vmem>>, vector<1x16xf32>,
        %parallel_loop3A_248 = tpu.iota {dimensions = array<i32: 0>} : vector<16xi32>
        %parallel_loop3A_249 = arith.constant 3 : i32
        %parallel_loop3A_250 = vector.broadcast %parallel_loop3A_249 : i32 to vector<16xi32>
        %parallel_loop3A_251 = arith.shrui %parallel_loop3A_248, %parallel_loop3A_250 : vector<16xi32>
        %parallel_loop3A_252 = arith.index_cast %parallel_loop3A_228 : i32 to index
        %parallel_loop3A_253 = arith.constant 16 : index
        %parallel_loop3A_254 = tpu.vector_load %arg11[%parallel_loop3A_252, %parallel_loop3A_253] {strides = array<i32>} : memref<128x48xf32, #tpu.memory_space<vmem>>, vector<1x16xf32>,
        %parallel_loop3A_255 = vector.shape_cast %parallel_loop3A_254 : vector<1x16xf32> to vector<16xf32>
        %parallel_loop3A_256 = tpu.bitcast %parallel_loop3A_255 : vector<16xf32> -> vector<16xi32>
        %parallel_loop3A_257 = arith.constant 16 : i32
        %parallel_loop3A_258 = vector.broadcast %parallel_loop3A_257 : i32 to vector<16xi32>
        %parallel_loop3A_259 = arith.shli %parallel_loop3A_256, %parallel_loop3A_258 : vector<16xi32>
        %parallel_loop3A_260 = tpu.bitcast %parallel_loop3A_259 : vector<16xi32> -> vector<16xf32>
        %parallel_loop3A_261 = arith.constant -65536 : i32
        %parallel_loop3A_262 = vector.broadcast %parallel_loop3A_261 : i32 to vector<16xi32>
        %parallel_loop3A_263 = arith.andi %parallel_loop3A_256, %parallel_loop3A_262 : vector<16xi32>
        %parallel_loop3A_264 = tpu.bitcast %parallel_loop3A_263 : vector<16xi32> -> vector<16xf32>
        %parallel_loop3A_265 = arith.constant 0 : i32
        %parallel_loop3A_266 = vector.broadcast %parallel_loop3A_265 : i32 to vector<16xi32>
        %parallel_loop3A_267 = arith.addi %parallel_loop3A_251, %parallel_loop3A_266 : vector<16xi32>
        %parallel_loop3A_268 = vector.shape_cast %parallel_loop3A_267 : vector<16xi32> to vector<16x1xi32>
        %parallel_loop3A_269 = vector.shape_cast %parallel_loop3A_268 : vector<16x1xi32> to vector<16xi32>
        %parallel_loop3A_270 = tpu.dynamic_gather %parallel_loop3A_242[%parallel_loop3A_269] in [0] : vector<16xf32>, vector<16xi32> -> vector<16xf32>
        %parallel_loop3A_271 = arith.mulf %parallel_loop3A_260, %parallel_loop3A_270 : vector<16xf32>
        %parallel_loop3A_272 = arith.index_cast %parallel_loop3A_228 : i32 to index
        %parallel_loop3A_273 = arith.constant 16 : index
        %parallel_loop3A_274 = tpu.vector_load %arg15[%parallel_loop3A_272, %parallel_loop3A_273] {strides = array<i32>} : memref<128x80xf32, #tpu.memory_space<vmem>>, vector<1x16xf32>,
        %parallel_loop3A_275 = vector.shape_cast %parallel_loop3A_274 : vector<1x16xf32> to vector<16xf32>
        %parallel_loop3A_276 = vector.shape_cast %parallel_loop3A_271 : vector<16xf32> to vector<1x16xf32>
        tpu.vector_store %arg15[%parallel_loop3A_272, %parallel_loop3A_273], %parallel_loop3A_276 {strides = array<i32>} : memref<128x80xf32, #tpu.memory_space<vmem>>, vector<1x16xf32>,
        %parallel_loop3A_277 = arith.constant 0 : i32
        %parallel_loop3A_278 = vector.broadcast %parallel_loop3A_277 : i32 to vector<16xi32>
        %parallel_loop3A_279 = arith.addi %parallel_loop3A_251, %parallel_loop3A_278 : vector<16xi32>
        %parallel_loop3A_280 = arith.constant 2 : i32
        %parallel_loop3A_281 = vector.broadcast %parallel_loop3A_280 : i32 to vector<16xi32>
        %parallel_loop3A_282 = arith.addi %parallel_loop3A_279, %parallel_loop3A_281 : vector<16xi32>
        %parallel_loop3A_283 = vector.shape_cast %parallel_loop3A_282 : vector<16xi32> to vector<16x1xi32>
        %parallel_loop3A_284 = vector.shape_cast %parallel_loop3A_283 : vector<16x1xi32> to vector<16xi32>
        %parallel_loop3A_285 = tpu.dynamic_gather %parallel_loop3A_242[%parallel_loop3A_284] in [0] : vector<16xf32>, vector<16xi32> -> vector<16xf32>
        %parallel_loop3A_286 = arith.mulf %parallel_loop3A_264, %parallel_loop3A_285 : vector<16xf32>
        %parallel_loop3A_287 = arith.index_cast %parallel_loop3A_228 : i32 to index
        %parallel_loop3A_288 = arith.constant 32 : index
        %parallel_loop3A_289 = tpu.vector_load %arg15[%parallel_loop3A_287, %parallel_loop3A_288] {strides = array<i32>} : memref<128x80xf32, #tpu.memory_space<vmem>>, vector<1x16xf32>,
        %parallel_loop3A_290 = vector.shape_cast %parallel_loop3A_289 : vector<1x16xf32> to vector<16xf32>
        %parallel_loop3A_291 = vector.shape_cast %parallel_loop3A_286 : vector<16xf32> to vector<1x16xf32>
        tpu.vector_store %arg15[%parallel_loop3A_287, %parallel_loop3A_288], %parallel_loop3A_291 {strides = array<i32>} : memref<128x80xf32, #tpu.memory_space<vmem>>, vector<1x16xf32>,
        %parallel_loop3A_292 = arith.index_cast %parallel_loop3A_228 : i32 to index
        %parallel_loop3A_293 = arith.constant 32 : index
        %parallel_loop3A_294 = tpu.vector_load %arg11[%parallel_loop3A_292, %parallel_loop3A_293] {strides = array<i32>} : memref<128x48xf32, #tpu.memory_space<vmem>>, vector<1x16xf32>,
        %parallel_loop3A_295 = vector.shape_cast %parallel_loop3A_294 : vector<1x16xf32> to vector<16xf32>
        %parallel_loop3A_296 = tpu.bitcast %parallel_loop3A_295 : vector<16xf32> -> vector<16xi32>
        %parallel_loop3A_297 = arith.constant 16 : i32
        %parallel_loop3A_298 = vector.broadcast %parallel_loop3A_297 : i32 to vector<16xi32>
        %parallel_loop3A_299 = arith.shli %parallel_loop3A_296, %parallel_loop3A_298 : vector<16xi32>
        %parallel_loop3A_300 = tpu.bitcast %parallel_loop3A_299 : vector<16xi32> -> vector<16xf32>
        %parallel_loop3A_301 = arith.constant -65536 : i32
        %parallel_loop3A_302 = vector.broadcast %parallel_loop3A_301 : i32 to vector<16xi32>
        %parallel_loop3A_303 = arith.andi %parallel_loop3A_296, %parallel_loop3A_302 : vector<16xi32>
        %parallel_loop3A_304 = tpu.bitcast %parallel_loop3A_303 : vector<16xi32> -> vector<16xf32>
        %parallel_loop3A_305 = arith.constant 4 : i32
        %parallel_loop3A_306 = vector.broadcast %parallel_loop3A_305 : i32 to vector<16xi32>
        %parallel_loop3A_307 = arith.addi %parallel_loop3A_251, %parallel_loop3A_306 : vector<16xi32>
        %parallel_loop3A_308 = vector.shape_cast %parallel_loop3A_307 : vector<16xi32> to vector<16x1xi32>
        %parallel_loop3A_309 = vector.shape_cast %parallel_loop3A_308 : vector<16x1xi32> to vector<16xi32>
        %parallel_loop3A_310 = tpu.dynamic_gather %parallel_loop3A_242[%parallel_loop3A_309] in [0] : vector<16xf32>, vector<16xi32> -> vector<16xf32>
        %parallel_loop3A_311 = arith.mulf %parallel_loop3A_300, %parallel_loop3A_310 : vector<16xf32>
        %parallel_loop3A_312 = arith.index_cast %parallel_loop3A_228 : i32 to index
        %parallel_loop3A_313 = arith.constant 48 : index
        %parallel_loop3A_314 = tpu.vector_load %arg15[%parallel_loop3A_312, %parallel_loop3A_313] {strides = array<i32>} : memref<128x80xf32, #tpu.memory_space<vmem>>, vector<1x16xf32>,
        %parallel_loop3A_315 = vector.shape_cast %parallel_loop3A_314 : vector<1x16xf32> to vector<16xf32>
        %parallel_loop3A_316 = vector.shape_cast %parallel_loop3A_311 : vector<16xf32> to vector<1x16xf32>
        tpu.vector_store %arg15[%parallel_loop3A_312, %parallel_loop3A_313], %parallel_loop3A_316 {strides = array<i32>} : memref<128x80xf32, #tpu.memory_space<vmem>>, vector<1x16xf32>,
        %parallel_loop3A_317 = arith.constant 4 : i32
        %parallel_loop3A_318 = vector.broadcast %parallel_loop3A_317 : i32 to vector<16xi32>
        %parallel_loop3A_319 = arith.addi %parallel_loop3A_251, %parallel_loop3A_318 : vector<16xi32>
        %parallel_loop3A_320 = arith.constant 2 : i32
        %parallel_loop3A_321 = vector.broadcast %parallel_loop3A_320 : i32 to vector<16xi32>
        %parallel_loop3A_322 = arith.addi %parallel_loop3A_319, %parallel_loop3A_321 : vector<16xi32>
        %parallel_loop3A_323 = vector.shape_cast %parallel_loop3A_322 : vector<16xi32> to vector<16x1xi32>
        %parallel_loop3A_324 = vector.shape_cast %parallel_loop3A_323 : vector<16x1xi32> to vector<16xi32>
        %parallel_loop3A_325 = tpu.dynamic_gather %parallel_loop3A_242[%parallel_loop3A_324] in [0] : vector<16xf32>, vector<16xi32> -> vector<16xf32>
        %parallel_loop3A_326 = arith.mulf %parallel_loop3A_304, %parallel_loop3A_325 : vector<16xf32>
        %parallel_loop3A_327 = arith.index_cast %parallel_loop3A_228 : i32 to index
        %parallel_loop3A_328 = arith.constant 64 : index
        %parallel_loop3A_329 = tpu.vector_load %arg15[%parallel_loop3A_327, %parallel_loop3A_328] {strides = array<i32>} : memref<128x80xf32, #tpu.memory_space<vmem>>, vector<1x16xf32>,
        %parallel_loop3A_330 = vector.shape_cast %parallel_loop3A_329 : vector<1x16xf32> to vector<16xf32>
        %parallel_loop3A_331 = vector.shape_cast %parallel_loop3A_326 : vector<16xf32> to vector<1x16xf32>
        tpu.vector_store %arg15[%parallel_loop3A_327, %parallel_loop3A_328], %parallel_loop3A_331 {strides = array<i32>} : memref<128x80xf32, #tpu.memory_space<vmem>>, vector<1x16xf32>,
      } {sc.loop_unroll_factor = 4 : i64, sc.parallel_access}
      %dma_start3A_221 = arith.constant 0 : i32
      %dma_start3A_222 = tpu.memref_slice %arg8[%add3A_181, %dma_start3A_221] : memref<84x128xi32, #tpu.memory_space<vmem>> -> memref<1x128xi32, #tpu.memory_space<vmem>>
      %dma_start3A_223 = tpu.memref_squeeze %dma_start3A_222 : memref<1x128xi32, #tpu.memory_space<vmem>> -> memref<128xi32, #tpu.memory_space<vmem>>
      %dma_start3A_224 = arith.constant 0 : i32
      %dma_start3A_225 = arith.constant 0 : i32
      %dma_start3A_226 = tpu.memref_slice %arg17[%dma_start3A_224, %dma_start3A_225] : memref<10240x80xf32, #tpu.memory_space<vmem_shared>> -> memref<10240x80xf32, #tpu.memory_space<vmem_shared>>
      tpu.enqueue_indirect_dma source(%arg15 : memref<128x80xf32, #tpu.memory_space<vmem>>) target(%dma_start3A_226 : memref<10240x80xf32, #tpu.memory_space<vmem_shared>>) offsets(%dma_start3A_223 : memref<128xi32, #tpu.memory_space<vmem>>) semaphore(%arg21 : memref<!tpu.dma_semaphore, #tpu.memory_space<semaphore_mem>>) {add = true}
      %scan3A_227 = arith.constant 0 : i32
      scf.yield %scan3A_227 : i32
    }
    %scan3A_50 = arith.constant 27 : i32
    %dma_wait3A = arith.constant 81 : i32
    %dma_wait3A_51 = arith.constant 0 : i32
    %dma_wait3A_52 = tpu.memref_slice %arg7[%dma_wait3A, %dma_wait3A_51] : memref<84x128xi32, #tpu.memory_space<vmem>> -> memref<1x128xi32, #tpu.memory_space<vmem>>
    %dma_wait3A_53 = tpu.memref_squeeze %dma_wait3A_52 : memref<1x128xi32, #tpu.memory_space<vmem>> -> memref<128xi32, #tpu.memory_space<vmem>>
    %dma_wait3A_54 = arith.constant 0 : i32
    %dma_wait3A_55 = arith.constant 0 : i32
    %dma_wait3A_56 = tpu.memref_slice %arg2[%dma_wait3A_54, %dma_wait3A_55] : memref<10240x48xf32, #tpu.memory_space<hbm>> -> memref<10240x48xf32, #tpu.memory_space<hbm>>
    tpu.wait_indirect_dma semaphore(%arg18 : memref<!tpu.dma_semaphore, #tpu.memory_space<semaphore_mem>>) src(%dma_wait3A_56 : memref<10240x48xf32, #tpu.memory_space<hbm>>) dst(%arg9 : memref<128x48xf32, #tpu.memory_space<vmem>>)
    %dma_wait3A_57 = arith.constant 81 : i32
    %dma_wait3A_58 = arith.constant 0 : i32
    %dma_wait3A_59 = tpu.memref_slice %arg8[%dma_wait3A_57, %dma_wait3A_58] : memref<84x128xi32, #tpu.memory_space<vmem>> -> memref<1x128xi32, #tpu.memory_space<vmem>>
    %dma_wait3A_60 = tpu.memref_squeeze %dma_wait3A_59 : memref<1x128xi32, #tpu.memory_space<vmem>> -> memref<128xi32, #tpu.memory_space<vmem>>
    %dma_wait3A_61 = arith.constant 0 : i32
    %dma_wait3A_62 = arith.constant 0 : i32
    %dma_wait3A_63 = tpu.memref_slice %arg3[%dma_wait3A_61, %dma_wait3A_62] : memref<10240x16xf32, #tpu.memory_space<hbm>> -> memref<10240x16xf32, #tpu.memory_space<hbm>>
    tpu.wait_indirect_dma semaphore(%arg18 : memref<!tpu.dma_semaphore, #tpu.memory_space<semaphore_mem>>) src(%dma_wait3A_63 : memref<10240x16xf32, #tpu.memory_space<hbm>>) dst(%arg12 : memref<128x16xf32, #tpu.memory_space<vmem>>)
    %dma_wait3A_64 = arith.constant 82 : i32
    %dma_wait3A_65 = arith.constant 0 : i32
    %dma_wait3A_66 = tpu.memref_slice %arg7[%dma_wait3A_64, %dma_wait3A_65] : memref<84x128xi32, #tpu.memory_space<vmem>> -> memref<1x128xi32, #tpu.memory_space<vmem>>
    %dma_wait3A_67 = tpu.memref_squeeze %dma_wait3A_66 : memref<1x128xi32, #tpu.memory_space<vmem>> -> memref<128xi32, #tpu.memory_space<vmem>>
    %dma_wait3A_68 = arith.constant 0 : i32
    %dma_wait3A_69 = arith.constant 0 : i32
    %dma_wait3A_70 = tpu.memref_slice %arg2[%dma_wait3A_68, %dma_wait3A_69] : memref<10240x48xf32, #tpu.memory_space<hbm>> -> memref<10240x48xf32, #tpu.memory_space<hbm>>
    tpu.wait_indirect_dma semaphore(%arg19 : memref<!tpu.dma_semaphore, #tpu.memory_space<semaphore_mem>>) src(%dma_wait3A_70 : memref<10240x48xf32, #tpu.memory_space<hbm>>) dst(%arg10 : memref<128x48xf32, #tpu.memory_space<vmem>>)
    %dma_wait3A_71 = arith.constant 82 : i32
    %dma_wait3A_72 = arith.constant 0 : i32
    %dma_wait3A_73 = tpu.memref_slice %arg8[%dma_wait3A_71, %dma_wait3A_72] : memref<84x128xi32, #tpu.memory_space<vmem>> -> memref<1x128xi32, #tpu.memory_space<vmem>>
    %dma_wait3A_74 = tpu.memref_squeeze %dma_wait3A_73 : memref<1x128xi32, #tpu.memory_space<vmem>> -> memref<128xi32, #tpu.memory_space<vmem>>
    %dma_wait3A_75 = arith.constant 0 : i32
    %dma_wait3A_76 = arith.constant 0 : i32
    %dma_wait3A_77 = tpu.memref_slice %arg3[%dma_wait3A_75, %dma_wait3A_76] : memref<10240x16xf32, #tpu.memory_space<hbm>> -> memref<10240x16xf32, #tpu.memory_space<hbm>>
    tpu.wait_indirect_dma semaphore(%arg19 : memref<!tpu.dma_semaphore, #tpu.memory_space<semaphore_mem>>) src(%dma_wait3A_77 : memref<10240x16xf32, #tpu.memory_space<hbm>>) dst(%arg13 : memref<128x16xf32, #tpu.memory_space<vmem>>)
    %dma_wait3A_78 = arith.constant 79 : i32
    %dma_wait3A_79 = arith.constant 0 : i32
    %dma_wait3A_80 = tpu.memref_slice %arg8[%dma_wait3A_78, %dma_wait3A_79] : memref<84x128xi32, #tpu.memory_space<vmem>> -> memref<1x128xi32, #tpu.memory_space<vmem>>
    %dma_wait3A_81 = tpu.memref_squeeze %dma_wait3A_80 : memref<1x128xi32, #tpu.memory_space<vmem>> -> memref<128xi32, #tpu.memory_space<vmem>>
    %dma_wait3A_82 = arith.constant 0 : i32
    %dma_wait3A_83 = arith.constant 0 : i32
    %dma_wait3A_84 = tpu.memref_slice %arg17[%dma_wait3A_82, %dma_wait3A_83] : memref<10240x80xf32, #tpu.memory_space<vmem_shared>> -> memref<10240x80xf32, #tpu.memory_space<vmem_shared>>
    tpu.wait_indirect_dma semaphore(%arg21 : memref<!tpu.dma_semaphore, #tpu.memory_space<semaphore_mem>>) src(%arg15 : memref<128x80xf32, #tpu.memory_space<vmem>>) dst(%dma_wait3A_84 : memref<10240x80xf32, #tpu.memory_space<vmem_shared>>)
    %dma_wait3A_85 = arith.constant 80 : i32
    %dma_wait3A_86 = arith.constant 0 : i32
    %dma_wait3A_87 = tpu.memref_slice %arg8[%dma_wait3A_85, %dma_wait3A_86] : memref<84x128xi32, #tpu.memory_space<vmem>> -> memref<1x128xi32, #tpu.memory_space<vmem>>
    %dma_wait3A_88 = tpu.memref_squeeze %dma_wait3A_87 : memref<1x128xi32, #tpu.memory_space<vmem>> -> memref<128xi32, #tpu.memory_space<vmem>>
    %dma_wait3A_89 = arith.constant 0 : i32
    %dma_wait3A_90 = arith.constant 0 : i32
    %dma_wait3A_91 = tpu.memref_slice %arg17[%dma_wait3A_89, %dma_wait3A_90] : memref<10240x80xf32, #tpu.memory_space<vmem_shared>> -> memref<10240x80xf32, #tpu.memory_space<vmem_shared>>
    tpu.wait_indirect_dma semaphore(%arg22 : memref<!tpu.dma_semaphore, #tpu.memory_space<semaphore_mem>>) src(%arg16 : memref<128x80xf32, #tpu.memory_space<vmem>>) dst(%dma_wait3A_91 : memref<10240x80xf32, #tpu.memory_space<vmem_shared>>)
    %barrier3A_92 = arith.constant 0 : index
    tpu.barrier barrier_id(%barrier3A_92)
    "tpu.region"() ({
      %run_scoped3A = tpu.sem_alloc : memref<!tpu.dma_semaphore, #tpu.memory_space<semaphore_mem>>
      %dma_start3A_93 = arith.constant 0 : i32
      %dma_start3A_94 = tpu.memref_slice %arg6[%arg0, %mul3A_2, %dma_start3A_93] : memref<2x10240x80xf32, #tpu.memory_space<hbm>> -> memref<1x640x80xf32, #tpu.memory_space<hbm>>
      %dma_start3A_95 = tpu.memref_squeeze %dma_start3A_94 : memref<1x640x80xf32, #tpu.memory_space<hbm>> -> memref<640x80xf32, #tpu.memory_space<hbm>>
      %dma_start3A_96 = arith.constant 0 : i32
      %dma_start3A_97 = tpu.memref_slice %arg17[%mul3A_2, %dma_start3A_96] : memref<10240x80xf32, #tpu.memory_space<vmem_shared>> -> memref<640x80xf32, #tpu.memory_space<vmem_shared>>
      tpu.enqueue_dma source(%dma_start3A_97 : memref<640x80xf32, #tpu.memory_space<vmem_shared>>) target(%dma_start3A_95 : memref<640x80xf32, #tpu.memory_space<hbm>>) target_semaphore(%run_scoped3A : memref<!tpu.dma_semaphore, #tpu.memory_space<semaphore_mem>>)
      %dma_wait3A_98 = arith.constant 0 : i32
      %dma_wait3A_99 = tpu.memref_slice %arg6[%arg0, %mul3A_2, %dma_wait3A_98] : memref<2x10240x80xf32, #tpu.memory_space<hbm>> -> memref<1x640x80xf32, #tpu.memory_space<hbm>>
      %dma_wait3A_100 = tpu.memref_squeeze %dma_wait3A_99 : memref<1x640x80xf32, #tpu.memory_space<hbm>> -> memref<640x80xf32, #tpu.memory_space<hbm>>
      %dma_wait3A_101 = arith.constant 0 : i32
      %dma_wait3A_102 = tpu.memref_slice %arg17[%mul3A_2, %dma_wait3A_101] : memref<10240x80xf32, #tpu.memory_space<vmem_shared>> -> memref<640x80xf32, #tpu.memory_space<vmem_shared>>
      tpu.wait_dma2 semaphore(%run_scoped3A : memref<!tpu.dma_semaphore, #tpu.memory_space<semaphore_mem>>) src(%dma_wait3A_102 : memref<640x80xf32, #tpu.memory_space<vmem_shared>>) dst(%dma_wait3A_100 : memref<640x80xf32, #tpu.memory_space<hbm>>)
      tpu.yield
    }) : () -> ()
    return
  }
}

module attributes {stable_mosaic.version = 14 : i64} {
  func.func @body(%arg0: i32, %arg1: memref<1280x128xf32, #tpu.memory_space<vmem>>, %arg2: memref<1280x16xf32, #tpu.memory_space<vmem>>, %arg3: memref<16x32xf32, #tpu.memory_space<vmem>>, %arg4: memref<1x32xf32, #tpu.memory_space<vmem>>, %arg5: memref<128x64xf32, #tpu.memory_space<vmem>>, %arg6: memref<32x64xf32, #tpu.memory_space<vmem>>, %arg7: memref<64x16xf32, #tpu.memory_space<vmem>>, %arg8: memref<64x16xf32, #tpu.memory_space<vmem>>, %arg9: memref<1280x80xf32, #tpu.memory_space<vmem>>, %arg10: memref<1280x16xf32, #tpu.memory_space<vmem>>) attributes {dimension_semantics = [#tpu.dimension_semantics<arbitrary>], iteration_bounds = array<i64: 8>, scalar_prefetch = 0 : i64, scratch_operands = 0 : i64, tpu.core_type = #tpu.core_type<tc>, window_params = [{transform_indices = @transform_0, window_bounds = array<i64: 1280, 128>}, {transform_indices = @transform_1, window_bounds = array<i64: 1280, 16>}, {pipeline_mode = #tpu.pipeline_mode<synchronous>, transform_indices = @transform_2, window_bounds = array<i64: 16, 32>}, {pipeline_mode = #tpu.pipeline_mode<synchronous>, transform_indices = @transform_3, window_bounds = array<i64: 1, 32>}, {pipeline_mode = #tpu.pipeline_mode<synchronous>, transform_indices = @transform_4, window_bounds = array<i64: 128, 64>}, {pipeline_mode = #tpu.pipeline_mode<synchronous>, transform_indices = @transform_5, window_bounds = array<i64: 32, 64>}, {pipeline_mode = #tpu.pipeline_mode<synchronous>, transform_indices = @transform_6, window_bounds = array<i64: 64, 16>}, {pipeline_mode = #tpu.pipeline_mode<synchronous>, transform_indices = @transform_7, window_bounds = array<i64: 64, 16>}, {transform_indices = @transform_8, window_bounds = array<i64: 1280, 80>}, {transform_indices = @transform_9, window_bounds = array<i64: 1280, 16>}]} {
    %get3A = arith.constant 0 : index
    %get3A_0 = arith.constant 0 : index
    %get3A_1 = vector.load %arg2[%get3A, %get3A_0] : memref<1280x16xf32, #tpu.memory_space<vmem>>, vector<1280x16xf32>
    %get3A_2 = arith.constant 0 : index
    %get3A_3 = arith.constant 0 : index
    %get3A_4 = vector.load %arg3[%get3A_2, %get3A_3] : memref<16x32xf32, #tpu.memory_space<vmem>>, vector<16x32xf32>
    %dot_general3A = arith.constant dense<0.000000e+00> : vector<1280x32xf32>
    %dot_general3A_5 = tpu.matmul %get3A_1, %get3A_4, %dot_general3A {dimension_numbers = #tpu.dot_dimension_numbers<[1], [0], [0], [1], [0, 0, 1, 1], [], []>, transpose_lhs_hint = false} : vector<1280x16xf32>, vector<16x32xf32>, vector<1280x32xf32> -> vector<1280x32xf32>
    %get3A_6 = arith.constant 0 : index
    %get3A_7 = arith.constant 0 : index
    %get3A_8 = vector.load %arg4[%get3A_6, %get3A_7] : memref<1x32xf32, #tpu.memory_space<vmem>>, vector<1x32xf32>
    %add3A = vector.broadcast %get3A_8 : vector<1x32xf32> to vector<1280x32xf32>
    %add3A_9 = arith.addf %dot_general3A_5, %add3A : vector<1280x32xf32>
    %gt3A = arith.constant 0.000000e+00 : f32
    %gt3A_10 = vector.broadcast %gt3A : f32 to vector<1280x32xf32>
    %gt3A_11 = arith.cmpf ogt, %add3A_9, %gt3A_10 : vector<1280x32xf32>
    %exp3A = math.exp %add3A_9 : vector<1280x32xf32>
    %sub3A = arith.constant 1.000000e+00 : f32
    %sub3A_12 = vector.broadcast %sub3A : f32 to vector<1280x32xf32>
    %sub3A_13 = arith.subf %exp3A, %sub3A_12 : vector<1280x32xf32>
    %select_n3A = arith.select %gt3A_11, %add3A_9, %sub3A_13 : vector<1280x32xi1>, vector<1280x32xf32>
    %get3A_14 = arith.constant 0 : index
    %get3A_15 = arith.constant 0 : index
    %get3A_16 = vector.load %arg1[%get3A_14, %get3A_15] : memref<1280x128xf32, #tpu.memory_space<vmem>>, vector<1280x128xf32>
    %get3A_17 = arith.constant 0 : index
    %get3A_18 = arith.constant 0 : index
    %get3A_19 = vector.load %arg5[%get3A_17, %get3A_18] : memref<128x64xf32, #tpu.memory_space<vmem>>, vector<128x64xf32>
    %dot_general3A_20 = arith.constant dense<0.000000e+00> : vector<1280x64xf32>
    %dot_general3A_21 = tpu.matmul %get3A_16, %get3A_19, %dot_general3A_20 {dimension_numbers = #tpu.dot_dimension_numbers<[1], [0], [0], [1], [0, 0, 1, 1], [], []>, transpose_lhs_hint = false} : vector<1280x128xf32>, vector<128x64xf32>, vector<1280x64xf32> -> vector<1280x64xf32>
    %get3A_22 = arith.constant 0 : index
    %get3A_23 = arith.constant 0 : index
    %get3A_24 = vector.load %arg6[%get3A_22, %get3A_23] : memref<32x64xf32, #tpu.memory_space<vmem>>, vector<32x64xf32>
    %dot_general3A_25 = arith.constant dense<0.000000e+00> : vector<1280x64xf32>
    %dot_general3A_26 = tpu.matmul %select_n3A, %get3A_24, %dot_general3A_25 {dimension_numbers = #tpu.dot_dimension_numbers<[1], [0], [0], [1], [0, 0, 1, 1], [], []>, transpose_lhs_hint = false} : vector<1280x32xf32>, vector<32x64xf32>, vector<1280x64xf32> -> vector<1280x64xf32>
    %add3A_27 = arith.addf %dot_general3A_21, %dot_general3A_26 : vector<1280x64xf32>
    %swap3A = arith.constant 0 : index
    %swap3A_28 = arith.constant 0 : index
    %swap3A_29 = vector.load %arg9[%swap3A, %swap3A_28] : memref<1280x80xf32, #tpu.memory_space<vmem>>, vector<1280x64xf32>
    tpu.vector_store %arg9[%swap3A, %swap3A_28], %add3A_27 {strides = array<i32>} : memref<1280x80xf32, #tpu.memory_space<vmem>>, vector<1280x64xf32>,
    %get3A_30 = arith.constant 0 : index
    %get3A_31 = arith.constant 0 : index
    %get3A_32 = vector.load %arg7[%get3A_30, %get3A_31] : memref<64x16xf32, #tpu.memory_space<vmem>>, vector<64x16xf32>
    %dot_general3A_33 = arith.constant dense<0.000000e+00> : vector<1280x16xf32>
    %dot_general3A_34 = tpu.matmul %add3A_27, %get3A_32, %dot_general3A_33 {dimension_numbers = #tpu.dot_dimension_numbers<[1], [0], [0], [1], [0, 0, 1, 1], [], []>, transpose_lhs_hint = false} : vector<1280x64xf32>, vector<64x16xf32>, vector<1280x16xf32> -> vector<1280x16xf32>
    %swap3A_35 = arith.constant 0 : index
    %swap3A_36 = arith.constant 64 : index
    %swap3A_37 = vector.load %arg9[%swap3A_35, %swap3A_36] : memref<1280x80xf32, #tpu.memory_space<vmem>>, vector<1280x16xf32>
    tpu.vector_store %arg9[%swap3A_35, %swap3A_36], %dot_general3A_34 {strides = array<i32>} : memref<1280x80xf32, #tpu.memory_space<vmem>>, vector<1280x16xf32>,
    %get3A_38 = arith.constant 0 : index
    %get3A_39 = arith.constant 0 : index
    %get3A_40 = vector.load %arg8[%get3A_38, %get3A_39] : memref<64x16xf32, #tpu.memory_space<vmem>>, vector<64x16xf32>
    %dot_general3A_41 = arith.constant dense<0.000000e+00> : vector<1280x16xf32>
    %dot_general3A_42 = tpu.matmul %add3A_27, %get3A_40, %dot_general3A_41 {dimension_numbers = #tpu.dot_dimension_numbers<[1], [0], [0], [1], [0, 0, 1, 1], [], []>, transpose_lhs_hint = false} : vector<1280x64xf32>, vector<64x16xf32>, vector<1280x16xf32> -> vector<1280x16xf32>
    %swap3A_43 = arith.constant 0 : index
    %swap3A_44 = arith.constant 0 : index
    %swap3A_45 = vector.load %arg10[%swap3A_43, %swap3A_44] : memref<1280x16xf32, #tpu.memory_space<vmem>>, vector<1280x16xf32>
    tpu.vector_store %arg10[%swap3A_43, %swap3A_44], %dot_general3A_42 {strides = array<i32>} : memref<1280x16xf32, #tpu.memory_space<vmem>>, vector<1280x16xf32>,
    return
  }
  func.func @transform_0(%arg0: i32) -> (i32, i32) {
    %c0_i32 = arith.constant 0 : i32
    %c0_i32_0 = arith.constant 0 : i32
    return %arg0, %c0_i32 : i32, i32
  }
  func.func @transform_1(%arg0: i32) -> (i32, i32) {
    %c0_i32 = arith.constant 0 : i32
    %c0_i32_0 = arith.constant 0 : i32
    return %arg0, %c0_i32 : i32, i32
  }
  func.func @transform_2(%arg0: i32) -> (i32, i32) {
    %c0_i32 = arith.constant 0 : i32
    %c0_i32_0 = arith.constant 0 : i32
    %c0_i32_1 = arith.constant 0 : i32
    return %c0_i32, %c0_i32_0 : i32, i32
  }
  func.func @transform_3(%arg0: i32) -> (i32, i32) {
    %c0_i32 = arith.constant 0 : i32
    %c0_i32_0 = arith.constant 0 : i32
    %c0_i32_1 = arith.constant 0 : i32
    return %c0_i32, %c0_i32_0 : i32, i32
  }
  func.func @transform_4(%arg0: i32) -> (i32, i32) {
    %c0_i32 = arith.constant 0 : i32
    %c0_i32_0 = arith.constant 0 : i32
    %c0_i32_1 = arith.constant 0 : i32
    return %c0_i32, %c0_i32_0 : i32, i32
  }
  func.func @transform_5(%arg0: i32) -> (i32, i32) {
    %c0_i32 = arith.constant 0 : i32
    %c0_i32_0 = arith.constant 0 : i32
    %c0_i32_1 = arith.constant 0 : i32
    return %c0_i32, %c0_i32_0 : i32, i32
  }
  func.func @transform_6(%arg0: i32) -> (i32, i32) {
    %c0_i32 = arith.constant 0 : i32
    %c0_i32_0 = arith.constant 0 : i32
    %c0_i32_1 = arith.constant 0 : i32
    return %c0_i32, %c0_i32_0 : i32, i32
  }
  func.func @transform_7(%arg0: i32) -> (i32, i32) {
    %c0_i32 = arith.constant 0 : i32
    %c0_i32_0 = arith.constant 0 : i32
    %c0_i32_1 = arith.constant 0 : i32
    return %c0_i32, %c0_i32_0 : i32, i32
  }
  func.func @transform_8(%arg0: i32) -> (i32, i32) {
    %c0_i32 = arith.constant 0 : i32
    %c0_i32_0 = arith.constant 0 : i32
    return %arg0, %c0_i32 : i32, i32
  }
  func.func @transform_9(%arg0: i32) -> (i32, i32) {
    %c0_i32 = arith.constant 0 : i32
    %c0_i32_0 = arith.constant 0 : i32
    return %arg0, %c0_i32 : i32, i32
  }
}

module attributes {stable_mosaic.version = 14 : i64} {
  func.func @body(%arg0: i32, %arg1: memref<1280x80xf32, #tpu.memory_space<vmem>>, %arg2: memref<1280x80xf32, #tpu.memory_space<vmem>>, %arg3: memref<16x64xf32, #tpu.memory_space<vmem>>, %arg4: memref<1x64xf32, #tpu.memory_space<vmem>>, %arg5: memref<64x16xf32, #tpu.memory_space<vmem>>, %arg6: memref<16x16xf32, #tpu.memory_space<vmem>>, %arg7: memref<16x16xf32, #tpu.memory_space<vmem>>, %arg8: memref<1280x32xf32, #tpu.memory_space<vmem>>, %arg9: memref<1280x16xf32, #tpu.memory_space<vmem>>) attributes {dimension_semantics = [#tpu.dimension_semantics<arbitrary>], iteration_bounds = array<i64: 8>, scalar_prefetch = 0 : i64, scratch_operands = 0 : i64, tpu.core_type = #tpu.core_type<tc>, window_params = [{transform_indices = @transform_0, window_bounds = array<i64: 1280, 80>}, {transform_indices = @transform_1, window_bounds = array<i64: 1280, 80>}, {pipeline_mode = #tpu.pipeline_mode<synchronous>, transform_indices = @transform_2, window_bounds = array<i64: 16, 64>}, {pipeline_mode = #tpu.pipeline_mode<synchronous>, transform_indices = @transform_3, window_bounds = array<i64: 1, 64>}, {pipeline_mode = #tpu.pipeline_mode<synchronous>, transform_indices = @transform_4, window_bounds = array<i64: 64, 16>}, {pipeline_mode = #tpu.pipeline_mode<synchronous>, transform_indices = @transform_5, window_bounds = array<i64: 16, 16>}, {pipeline_mode = #tpu.pipeline_mode<synchronous>, transform_indices = @transform_6, window_bounds = array<i64: 16, 16>}, {transform_indices = @transform_7, window_bounds = array<i64: 1280, 32>}, {transform_indices = @transform_8, window_bounds = array<i64: 1280, 16>}]} {
    %get3A = arith.constant 0 : index
    %get3A_0 = arith.constant 0 : index
    %get3A_1 = vector.load %arg1[%get3A, %get3A_0] : memref<1280x80xf32, #tpu.memory_space<vmem>>, vector<1280x80xf32>
    %get3A_2 = arith.constant 0 : index
    %get3A_3 = arith.constant 0 : index
    %get3A_4 = vector.load %arg2[%get3A_2, %get3A_3] : memref<1280x80xf32, #tpu.memory_space<vmem>>, vector<1280x80xf32>
    %add3A = arith.addf %get3A_1, %get3A_4 : vector<1280x80xf32>
    %slice3A = vector.extract_strided_slice %add3A {offsets = [0, 0], sizes = [1280, 16], strides = [1, 1]} : vector<1280x80xf32> to vector<1280x16xf32>
    %get3A_5 = arith.constant 0 : index
    %get3A_6 = arith.constant 0 : index
    %get3A_7 = vector.load %arg3[%get3A_5, %get3A_6] : memref<16x64xf32, #tpu.memory_space<vmem>>, vector<16x64xf32>
    %dot_general3A = arith.constant dense<0.000000e+00> : vector<1280x64xf32>
    %dot_general3A_8 = tpu.matmul %slice3A, %get3A_7, %dot_general3A {dimension_numbers = #tpu.dot_dimension_numbers<[1], [0], [0], [1], [0, 0, 1, 1], [], []>, transpose_lhs_hint = false} : vector<1280x16xf32>, vector<16x64xf32>, vector<1280x64xf32> -> vector<1280x64xf32>
    %slice3A_9 = vector.extract_strided_slice %add3A {offsets = [0, 16], sizes = [1280, 64], strides = [1, 1]} : vector<1280x80xf32> to vector<1280x64xf32>
    %add3A_10 = arith.constant 1.000000e-16 : f32
    %add3A_11 = vector.broadcast %add3A_10 : f32 to vector<1280x64xf32>
    %add3A_12 = arith.addf %dot_general3A_8, %add3A_11 : vector<1280x64xf32>
    %div3A = arith.divf %slice3A_9, %add3A_12 : vector<1280x64xf32>
    %get3A_13 = arith.constant 0 : index
    %get3A_14 = arith.constant 0 : index
    %get3A_15 = vector.load %arg4[%get3A_13, %get3A_14] : memref<1x64xf32, #tpu.memory_space<vmem>>, vector<1x64xf32>
    %add3A_16 = vector.broadcast %get3A_15 : vector<1x64xf32> to vector<1280x64xf32>
    %add3A_17 = arith.addf %div3A, %add3A_16 : vector<1280x64xf32>
    %gt3A = arith.constant 0.000000e+00 : f32
    %gt3A_18 = vector.broadcast %gt3A : f32 to vector<1280x64xf32>
    %gt3A_19 = arith.cmpf ogt, %add3A_17, %gt3A_18 : vector<1280x64xf32>
    %exp3A = math.exp %add3A_17 : vector<1280x64xf32>
    %sub3A = arith.constant 1.000000e+00 : f32
    %sub3A_20 = vector.broadcast %sub3A : f32 to vector<1280x64xf32>
    %sub3A_21 = arith.subf %exp3A, %sub3A_20 : vector<1280x64xf32>
    %select_n3A = arith.select %gt3A_19, %add3A_17, %sub3A_21 : vector<1280x64xi1>, vector<1280x64xf32>
    %get3A_22 = arith.constant 0 : index
    %get3A_23 = arith.constant 0 : index
    %get3A_24 = vector.load %arg5[%get3A_22, %get3A_23] : memref<64x16xf32, #tpu.memory_space<vmem>>, vector<64x16xf32>
    %dot_general3A_25 = arith.constant dense<0.000000e+00> : vector<1280x16xf32>
    %dot_general3A_26 = tpu.matmul %select_n3A, %get3A_24, %dot_general3A_25 {dimension_numbers = #tpu.dot_dimension_numbers<[1], [0], [0], [1], [0, 0, 1, 1], [], []>, transpose_lhs_hint = false} : vector<1280x64xf32>, vector<64x16xf32>, vector<1280x16xf32> -> vector<1280x16xf32>
    %swap3A = arith.constant 0 : index
    %swap3A_27 = arith.constant 0 : index
    %swap3A_28 = vector.load %arg8[%swap3A, %swap3A_27] : memref<1280x32xf32, #tpu.memory_space<vmem>>, vector<1280x16xf32>
    tpu.vector_store %arg8[%swap3A, %swap3A_27], %dot_general3A_26 {strides = array<i32>} : memref<1280x32xf32, #tpu.memory_space<vmem>>, vector<1280x16xf32>,
    %get3A_29 = arith.constant 0 : index
    %get3A_30 = arith.constant 0 : index
    %get3A_31 = vector.load %arg6[%get3A_29, %get3A_30] : memref<16x16xf32, #tpu.memory_space<vmem>>, vector<16x16xf32>
    %dot_general3A_32 = arith.constant dense<0.000000e+00> : vector<1280x16xf32>
    %dot_general3A_33 = tpu.matmul %dot_general3A_26, %get3A_31, %dot_general3A_32 {dimension_numbers = #tpu.dot_dimension_numbers<[1], [0], [0], [1], [0, 0, 1, 1], [], []>, transpose_lhs_hint = false} : vector<1280x16xf32>, vector<16x16xf32>, vector<1280x16xf32> -> vector<1280x16xf32>
    %swap3A_34 = arith.constant 0 : index
    %swap3A_35 = arith.constant 16 : index
    %swap3A_36 = vector.load %arg8[%swap3A_34, %swap3A_35] : memref<1280x32xf32, #tpu.memory_space<vmem>>, vector<1280x16xf32>
    tpu.vector_store %arg8[%swap3A_34, %swap3A_35], %dot_general3A_33 {strides = array<i32>} : memref<1280x32xf32, #tpu.memory_space<vmem>>, vector<1280x16xf32>,
    %get3A_37 = arith.constant 0 : index
    %get3A_38 = arith.constant 0 : index
    %get3A_39 = vector.load %arg7[%get3A_37, %get3A_38] : memref<16x16xf32, #tpu.memory_space<vmem>>, vector<16x16xf32>
    %dot_general3A_40 = arith.constant dense<0.000000e+00> : vector<1280x16xf32>
    %dot_general3A_41 = tpu.matmul %dot_general3A_26, %get3A_39, %dot_general3A_40 {dimension_numbers = #tpu.dot_dimension_numbers<[1], [0], [0], [1], [0, 0, 1, 1], [], []>, transpose_lhs_hint = false} : vector<1280x16xf32>, vector<16x16xf32>, vector<1280x16xf32> -> vector<1280x16xf32>
    %swap3A_42 = arith.constant 0 : index
    %swap3A_43 = arith.constant 0 : index
    %swap3A_44 = vector.load %arg9[%swap3A_42, %swap3A_43] : memref<1280x16xf32, #tpu.memory_space<vmem>>, vector<1280x16xf32>
    tpu.vector_store %arg9[%swap3A_42, %swap3A_43], %dot_general3A_41 {strides = array<i32>} : memref<1280x16xf32, #tpu.memory_space<vmem>>, vector<1280x16xf32>,
    return
  }
  func.func @transform_0(%arg0: i32) -> (i32, i32) {
    %c0_i32 = arith.constant 0 : i32
    %c0_i32_0 = arith.constant 0 : i32
    return %arg0, %c0_i32 : i32, i32
  }
  func.func @transform_1(%arg0: i32) -> (i32, i32) {
    %c0_i32 = arith.constant 0 : i32
    %c0_i32_0 = arith.constant 0 : i32
    return %arg0, %c0_i32 : i32, i32
  }
  func.func @transform_2(%arg0: i32) -> (i32, i32) {
    %c0_i32 = arith.constant 0 : i32
    %c0_i32_0 = arith.constant 0 : i32
    %c0_i32_1 = arith.constant 0 : i32
    return %c0_i32, %c0_i32_0 : i32, i32
  }
  func.func @transform_3(%arg0: i32) -> (i32, i32) {
    %c0_i32 = arith.constant 0 : i32
    %c0_i32_0 = arith.constant 0 : i32
    %c0_i32_1 = arith.constant 0 : i32
    return %c0_i32, %c0_i32_0 : i32, i32
  }
  func.func @transform_4(%arg0: i32) -> (i32, i32) {
    %c0_i32 = arith.constant 0 : i32
    %c0_i32_0 = arith.constant 0 : i32
    %c0_i32_1 = arith.constant 0 : i32
    return %c0_i32, %c0_i32_0 : i32, i32
  }
  func.func @transform_5(%arg0: i32) -> (i32, i32) {
    %c0_i32 = arith.constant 0 : i32
    %c0_i32_0 = arith.constant 0 : i32
    %c0_i32_1 = arith.constant 0 : i32
    return %c0_i32, %c0_i32_0 : i32, i32
  }
  func.func @transform_6(%arg0: i32) -> (i32, i32) {
    %c0_i32 = arith.constant 0 : i32
    %c0_i32_0 = arith.constant 0 : i32
    %c0_i32_1 = arith.constant 0 : i32
    return %c0_i32, %c0_i32_0 : i32, i32
  }
  func.func @transform_7(%arg0: i32) -> (i32, i32) {
    %c0_i32 = arith.constant 0 : i32
    %c0_i32_0 = arith.constant 0 : i32
    return %arg0, %c0_i32 : i32, i32
  }
  func.func @transform_8(%arg0: i32) -> (i32, i32) {
    %c0_i32 = arith.constant 0 : i32
    %c0_i32_0 = arith.constant 0 : i32
    return %arg0, %c0_i32 : i32, i32
  }
}

module attributes {stable_mosaic.version = 14 : i64} {
  func.func @body(%arg0: i32, %arg1: memref<1280x32xf32, #tpu.memory_space<vmem>>, %arg2: memref<1280x32xf32, #tpu.memory_space<vmem>>, %arg3: memref<1x16xf32, #tpu.memory_space<vmem>>, %arg4: memref<1280x16xf32, #tpu.memory_space<vmem>>) attributes {dimension_semantics = [#tpu.dimension_semantics<arbitrary>], iteration_bounds = array<i64: 8>, scalar_prefetch = 0 : i64, scratch_operands = 0 : i64, tpu.core_type = #tpu.core_type<tc>, window_params = [{transform_indices = @transform_0, window_bounds = array<i64: 1280, 32>}, {transform_indices = @transform_1, window_bounds = array<i64: 1280, 32>}, {pipeline_mode = #tpu.pipeline_mode<synchronous>, transform_indices = @transform_2, window_bounds = array<i64: 1, 16>}, {transform_indices = @transform_3, window_bounds = array<i64: 1280, 16>}]} {
    %get3A = arith.constant 0 : index
    %get3A_0 = arith.constant 0 : index
    %get3A_1 = vector.load %arg1[%get3A, %get3A_0] : memref<1280x32xf32, #tpu.memory_space<vmem>>, vector<1280x32xf32>
    %get3A_2 = arith.constant 0 : index
    %get3A_3 = arith.constant 0 : index
    %get3A_4 = vector.load %arg2[%get3A_2, %get3A_3] : memref<1280x32xf32, #tpu.memory_space<vmem>>, vector<1280x32xf32>
    %add3A = arith.addf %get3A_1, %get3A_4 : vector<1280x32xf32>
    %slice3A = vector.extract_strided_slice %add3A {offsets = [0, 16], sizes = [1280, 16], strides = [1, 1]} : vector<1280x32xf32> to vector<1280x16xf32>
    %slice3A_5 = vector.extract_strided_slice %add3A {offsets = [0, 0], sizes = [1280, 1], strides = [1, 1]} : vector<1280x32xf32> to vector<1280x1xf32>
    %add3A_6 = arith.constant 1.000000e-16 : f32
    %add3A_7 = vector.broadcast %add3A_6 : f32 to vector<1280x1xf32>
    %add3A_8 = arith.addf %slice3A_5, %add3A_7 : vector<1280x1xf32>
    %div3A = vector.broadcast %add3A_8 : vector<1280x1xf32> to vector<1280x16xf32>
    %div3A_9 = arith.divf %slice3A, %div3A : vector<1280x16xf32>
    %get3A_10 = arith.constant 0 : index
    %get3A_11 = arith.constant 0 : index
    %get3A_12 = vector.load %arg3[%get3A_10, %get3A_11] : memref<1x16xf32, #tpu.memory_space<vmem>>, vector<1x16xf32>
    %add3A_13 = vector.broadcast %get3A_12 : vector<1x16xf32> to vector<1280x16xf32>
    %add3A_14 = arith.addf %div3A_9, %add3A_13 : vector<1280x16xf32>
    %reduce_max3A = arith.constant dense<0xFF800000> : vector<1280xf32>
    %reduce_max3A_15 = vector.multi_reduction <maximumf>, %add3A_14, %reduce_max3A [1] : vector<1280x16xf32> to vector<1280xf32>
    %broadcast_in_dim3A = vector.shape_cast %reduce_max3A_15 : vector<1280xf32> to vector<1280x1xf32>
    %sub3A = vector.broadcast %broadcast_in_dim3A : vector<1280x1xf32> to vector<1280x16xf32>
    %sub3A_16 = arith.subf %add3A_14, %sub3A : vector<1280x16xf32>
    %exp3A = math.exp %sub3A_16 : vector<1280x16xf32>
    %reduce_sum3A = arith.constant dense<0.000000e+00> : vector<1280xf32>
    %reduce_sum3A_17 = vector.multi_reduction <add>, %exp3A, %reduce_sum3A [1] : vector<1280x16xf32> to vector<1280xf32>
    %broadcast_in_dim3A_18 = vector.shape_cast %reduce_sum3A_17 : vector<1280xf32> to vector<1280x1xf32>
    %log3A = math.log %broadcast_in_dim3A_18 : vector<1280x1xf32>
    %sub3A_19 = vector.broadcast %log3A : vector<1280x1xf32> to vector<1280x16xf32>
    %sub3A_20 = arith.subf %sub3A_16, %sub3A_19 : vector<1280x16xf32>
    %swap3A = arith.constant 0 : index
    %swap3A_21 = arith.constant 0 : index
    %swap3A_22 = vector.load %arg4[%swap3A, %swap3A_21] : memref<1280x16xf32, #tpu.memory_space<vmem>>, vector<1280x16xf32>
    tpu.vector_store %arg4[%swap3A, %swap3A_21], %sub3A_20 {strides = array<i32>} : memref<1280x16xf32, #tpu.memory_space<vmem>>, vector<1280x16xf32>,
    return
  }
  func.func @transform_0(%arg0: i32) -> (i32, i32) {
    %c0_i32 = arith.constant 0 : i32
    %c0_i32_0 = arith.constant 0 : i32
    return %arg0, %c0_i32 : i32, i32
  }
  func.func @transform_1(%arg0: i32) -> (i32, i32) {
    %c0_i32 = arith.constant 0 : i32
    %c0_i32_0 = arith.constant 0 : i32
    return %arg0, %c0_i32 : i32, i32
  }
  func.func @transform_2(%arg0: i32) -> (i32, i32) {
    %c0_i32 = arith.constant 0 : i32
    %c0_i32_0 = arith.constant 0 : i32
    %c0_i32_1 = arith.constant 0 : i32
    return %c0_i32, %c0_i32_0 : i32, i32
  }
  func.func @transform_3(%arg0: i32) -> (i32, i32) {
    %c0_i32 = arith.constant 0 : i32
    %c0_i32_0 = arith.constant 0 : i32
    return %arg0, %c0_i32 : i32, i32
  }
}

</mosaic_0001>

<sc_bundles>
// kernel: kernel.10.cloned.1.call-start
scs
__scs_entry_jumppad:
0x0: {  	(pc) =	sbr.rel $0x88, $3  }
0x1: {  	(tag) =	ssettag $0x0;
	lr =	simm.s32 $0x1  }
0x2: {  	[smem:$0x3F94] =	sst lr;
	_ =	strace $0xD0000000  }
0x3: {  	_ = 	snop  }
0x4: {  	_ = 	snop  }
0x5: {  	_ = 	snop  }
0x6: {  	_ = 	snop  }
0x7: {  	_ = 	snop  }
__scs_overlays_trampoline_lowered:
0x8: {  	[smem:$0x3FA3] =	sst s0  }
0x9: {  	[smem:$0x3FA4] =	sst s1  }
0xa: {  	[smem:$0x3FA5] =	sst s2  }
0xb: {  	[smem:$0x3FA6] =	sst s3  }
0xc: {  	[smem:$0x3FA7] =	sst s4  }
0xd: {  	[smem:$0x3FA8] =	sst s5  }
0xe: {  	[smem:$0x3FA9] =	sst s6  }
0xf: {  	[smem:$0x3FAA] =	sst s7  }
0x10: {  	[smem:$0x3FAB] =	sst s8  }
0x11: {  	[smem:$0x3FAC] =	sst s9;
	s0 =	simm.s32 @!p0 $0x0  }
0x12: {  	s1 =	sld [smem:$0x3F92];
	s0 =	simm.s32 @p0 $0x1  }
0x13: {  	[smem:$0x3FAD] =	sst s0;
	s0 =	simm.s32 @!p1 $0x0  }
0x14: {  	s2 =	sld [smem:$0x3F91];
	s0 =	simm.s32 @p1 $0x1  }
0x15: {  	[smem:$0x3FAE] =	sst s0;
	s0 =	simm.s32 @!p2 $0x0  }
0x16: {  	s3 =	sld [smem:$0x3FDB];
	s0 =	simm.s32 @p2 $0x1  }
0x17: {  	s4 =	simm.s32 $0x1BF5;
	[smem:$0x3FB0] =	sst s0  }
0x18: {  	s0 =	sld [smem:$0x3F93];
	_ =	swait.ge [sflag:s4], $0x0  }
0x19: {  	s7 =	sld [smem:$0x3F94]  }
0x1a: {  	s8 =	sadd.s32 $0xFFFFE003, lr  }
0x1b: {  	s9 =	sadd.s32 $0xFFFFFEF7, lr;
	s5 =	simm.s32 $0xFFFFFFFF;
	p2 =	slt.u32 s8, $0xFFFFF086  }
0x1c: {  	p1 =	slt.u32 s9, $0xF7A;
	s5 =	simm.s32 @!p2 $0x0  }
0x1d: {  	s5 =	simm.s32 @p1 $0x1;
	p0 =	seq.s32 s7, s2  }
0x1e: {  	s7 =	smul.u32 @!p0 $0xF7A, s2;
	p2 =	seq.s32 @!p0 s5, $0x0  }
0x1f: {  	s9 =	smul.u32 $0xF7A, s1;
	s8 =	simm.s32 @!p0 $0x1BF5;
	p2 =	por !p2, p0  }
0x20: {  	[sflag:s8] =	ssyncset.s32 @!p0 $0xFFFFF086;
	s6 =	sadd.s32 @!p0 s3, s7;
	s7 =	simm.s32 @!p0 $0x108  }
0x21: {  	s3 =	sadd.s32 s3, s9;
	s6 =	sadd.s32 @!p0 $0x88, s6;
	s7 =	simm.s32 @p2 $0x1082  }
0x22: {  	[simem:s7], [sflag:s8] =	dma.local @!p0 [hbm:s6], $0xF7A  }
0x23: {  	s9 =	sor.u32 $0xD0000000, s2;
	s6 =	simm.s32 $0x108;
	_ =	swait.ge @!p0 [sflag:s8], $0x0  }
0x24: {  	s3 =	sadd.s32 $0x88, s3;
	s6 =	simm.s32 @!p1 $0x1082;
	[sflag:s4] =	ssyncset.s32 $0xFFFFF086  }
0x25: {  	[simem:s6], [sflag:s4] =	dma.local [hbm:s3], $0xF7A  }
0x26: {  	[smem:$0x3F94] =	sst s1;
	(tag) =	ssettag s2;
	_ =	strace s9  }
0x27: {  	s1 =	sld [smem:$0x3FA4]  }
0x28: {  	s2 =	sld [smem:$0x3FA5]  }
0x29: {  	s4 =	sld [smem:$0x3FA7]  }
0x2a: {  	p0 =	seq.s32 s5, $0x0;
	s5 =	sld [smem:$0x3FA8]  }
0x2b: {  	s6 =	sld [smem:$0x3FA9]  }
0x2c: {  	s7 =	sld [smem:$0x3FAA]  }
0x2d: {  	s3 =	simm.s32 $0x108;
	s8 =	sld [smem:$0x3FAB]  }
0x2e: {  	s3 =	simm.s32 @!p0 $0x1082;
	s9 =	sld [smem:$0x3FAC]  }
0x2f: {  	lr =	sadd.s32 s0, s3;
	s0 =	sld [smem:$0x3FA3]  }
0x30: {  	s3 =	sld [smem:$0x3FA6]  }
0x31: {  	[smem:$0x3FAF] =	sst s10  }
0x32: {  	s10 =	sld [smem:$0x3FAD];
	_ =	sdelay $0x3  }
0x33: {  	p0 =	seq.s32 s10, $0x1;
	s10 =	sld [smem:$0x3FAF];
	_ =	sdelay $0x3  }
0x34: {  	[smem:$0x3FAF] =	sst s10  }
0x35: {  	s10 =	sld [smem:$0x3FAE];
	_ =	sdelay $0x3  }
0x36: {  	p1 =	seq.s32 s10, $0x1;
	s10 =	sld [smem:$0x3FAF];
	_ =	sdelay $0x3  }
0x37: {  	[smem:$0x3FAF] =	sst s10  }
0x38: {  	s10 =	sld [smem:$0x3FB0]  }
0x39: {  	_ = 	snop;
	(pc) =	sbr.ind lr, $3  }
0x3a: {  	_ = 	snop  }
0x3b: {  	_ = 	snop  }
0x3c: {  	p2 =	seq.s32 s10, $0x1;
	s10 =	sld [smem:$0x3FAF]  }
0x3d: {  	_ =	shalt  }
0x3e: {  	_ =	shalt  }
0x3f: {  	_ =	shalt  }
0x40: {  	_ =	shalt  }
0x41: {  	_ =	shalt  }
0x42: {  	_ =	shalt  }
0x43: {  	_ =	shalt  }
0x44: {  	_ =	shalt  }
0x45: {  	_ =	shalt  }
0x46: {  	_ =	shalt  }
0x47: {  	_ =	shalt  }
0x48: {  	_ =	shalt  }
0x49: {  	_ =	shalt  }
0x4a: {  	_ =	shalt  }
0x4b: {  	_ =	shalt  }
0x4c: {  	_ =	shalt  }
0x4d: {  	_ =	shalt  }
0x4e: {  	_ =	shalt  }
0x4f: {  	_ =	shalt  }
0x50: {  	_ =	shalt  }
0x51: {  	_ =	shalt  }
0x52: {  	_ =	shalt  }
0x53: {  	_ =	shalt  }
0x54: {  	_ =	shalt  }
0x55: {  	_ =	shalt  }
0x56: {  	_ =	shalt  }
0x57: {  	_ =	shalt  }
0x58: {  	_ =	shalt  }
0x59: {  	_ =	shalt  }
0x5a: {  	_ =	shalt  }
0x5b: {  	_ =	shalt  }
0x5c: {  	_ =	shalt  }
0x5d: {  	_ =	shalt  }
0x5e: {  	_ =	shalt  }
0x5f: {  	_ =	shalt  }
0x60: {  	_ =	shalt  }
0x61: {  	_ =	shalt  }
0x62: {  	_ =	shalt  }
0x63: {  	_ =	shalt  }
0x64: {  	_ =	shalt  }
0x65: {  	_ =	shalt  }
0x66: {  	_ =	shalt  }
0x67: {  	_ =	shalt  }
0x68: {  	_ =	shalt  }
0x69: {  	_ =	shalt  }
0x6a: {  	_ =	shalt  }
0x6b: {  	_ =	shalt  }
0x6c: {  	_ =	shalt  }
0x6d: {  	_ =	shalt  }
0x6e: {  	_ =	shalt  }
0x6f: {  	_ =	shalt  }
0x70: {  	_ =	shalt  }
0x71: {  	_ =	shalt  }
0x72: {  	_ =	shalt  }
0x73: {  	_ =	shalt  }
0x74: {  	_ =	shalt  }
0x75: {  	_ =	shalt  }
0x76: {  	_ =	shalt  }
0x77: {  	_ =	shalt  }
0x78: {  	_ =	shalt  }
0x79: {  	_ =	shalt  }
0x7a: {  	_ =	shalt  }
0x7b: {  	_ =	shalt  }
0x7c: {  	_ =	shalt  }
0x7d: {  	_ =	shalt  }
0x7e: {  	_ =	shalt  }
0x7f: {  	_ =	shalt  }
0x80: {  	_ =	shalt  }
0x81: {  	_ =	shalt  }
0x82: {  	_ =	shalt  }
0x83: {  	_ =	shalt  }
0x84: {  	_ =	shalt  }
0x85: {  	_ =	shalt  }
0x86: {  	_ =	shalt  }
0x87: {  	_ =	shalt  }
.Lfunc_end0:
.L_simem_size_0:
called_computation.1_lowered:
.L_overlay_start_0:
0x88: {  	s2 =	sld [smem:$0x3FD9]  }
0x89: {  	s3 =	sld [smem:$0x3FFE];
	_ =	sdelay $0x1  }
0x8a: {  	s1 =	srdreg.scid  }
0x8b: {  	s0 =	sand.u32 $0x1, s1  }
0x8c: {  	s16 =	sshll.u32 s0, $0xA;
	s2 =	sadd.s32 s3, s2  }
0x8d: {  	s2 =	sadd.s32 s2, s16  }
0x8e: {  	[smem:$0x3FBB] =	sst s2  }
0x8f: {  	_ = 	snop  }
0x90: {  	(tm) =	ssettm $0x1  }
0x91: {  	s17 =	sld [smem:$0x3FFB];
	_ =	sdelay $0x3  }
0x92: {  	_ =	strace s17  }
0x93: {  	s2 =	sld [smem:$0x3FFC];
	_ =	sdelay $0x3  }
0x94: {  	_ =	strace s2  }
0x95: {  	s2 =	sld [smem:$0x3FFD];
	_ =	sdelay $0x3  }
0x96: {  	_ =	strace s2  }
0x97: {  	_ =	strace $0x8FFFFFFF  }
0x98: {  	s18 =	sld [smem:$0x3FDB];
	_ =	sdelay $0x1  }
0x99: {  	s19 =	simm.s32 $_scs_section_size  }
0x9a: {  	s4 =	simm.s32 $_size__tile_overlayer_lowered;
	s5 =	simm.s32 $_tile_overlayer_lowered  }
0x9b: {  	s22 =	simm.s32 $0x1BFF;
	s21 =	sshll.u32 s5, $0x1;
	s2 =	sadd.s32 s19, s18  }
0x9c: {  	s6 =	simm.s32 $0x0;
	s20 =	sshll.u32 s4, $0x1;
	s4 =	sadd.s32 s21, s2  }
0x9d: {  	[timem:s6], [sflag:s22] =	dma.local [hbm:s4], s20  }
0x9e: {  	_ =	swait.ge [sflag:s22], s20  }
0x9f: {  	s3 =	ssub.s32 $0x0, s20;
	[sflag:s22] =	ssyncset.done $0x0  }
0xa0: {  	[sflag:s22] =	ssyncadd.s32 s3;
	_ =	sdelay $0x1  }
0xa1: {  	s23 =	simm.s32 $0x1B8B  }
0xa2: {  	_ =	swait.ge [sflag:s23], $0x1  }
0xa3: {  	[sflag:s23] =	ssyncset.done $0x0  }
0xa4: {  	s25 =	simm.s32 $0x1B8E;
	s24 =	sld [smem:$0x3FFE];
	[sflag:s23] =	ssyncadd.s32 $0xFFFFFFFF  }
0xa5: {  	s26 =	simm.s32 $execute0_lowered;
	[smem:$0x3FD2] =	sst s25  }
0xa6: {  	s4 =	sshll.u32 s26, $0x1;
	_ =	strace $0x80000049;
	[dreg:$0x1] =	wrdreg $0xFFFFFFFF  }
0xa7: {  	s28 =	simm.s32 $_size_execute0_lowered;
	s2 =	sadd.s32 s2, s4;
	[dreg:$0x0] =	wrdreg $0x0  }
0xa8: {  	s4 =	sshll.u32 s28, $0x1;
	[dreg:$0x2] =	wrdreg s2  }
0xa9: {  	[dreg:$0x3] =	wrdreg s4  }
0xaa: {  	[dreg:$0x4] =	wrdreg $0xC0  }
0xab: {  	_ =	task [dreg:s6], $0x5FFFF  }
0xac: {  	[dreg:$0x1] =	wrdreg $0xFFFFFFFF  }
0xad: {  	[dreg:$0x0] =	wrdreg $0x60  }
0xae: {  	[dreg:$0x2] =	wrdreg s24  }
0xaf: {  	[dreg:$0x3] =	wrdreg $0xA4000  }
0xb0: {  	[dreg:$0x4] =	wrdreg $0x9  }
0xb1: {  	_ =	task.clear_ibuf [dreg:s6], $0x5FFFF;
	_ =	strace $0x90000049  }
0xb2: {  	s29 =	simm.s32 $0x9;
	_ =	strace $0x8000004B  }
0xb3: {  	_ =	swait.ge [sflag:s29], $0x1  }
0xb4: {  	[sflag:s29] =	ssyncadd.s32 $0xFFFFFFFF  }
0xb5: {  	_ =	strace $0x9000004B  }
0xb6: {  	_ =	sfence  }
0xb7: {  	s30 =	sld [smem:$0x0];
	_ =	sdelay $0x2  }
0xb8: {  	s31 =	sshll.u32 s1, $0xD;
	s1 =	sshrl.u32 s1, $0x2  }
0xb9: {  	s3 =	sand.u32 $0x4000, s31;
	s1 =	sadd.s32 s1, s30  }
0xba: {  	s0 =	sor.u32 s3, s0;
	s1 =	sshll.u32 s1, $0x11  }
0xbb: {  	s0 =	sor.u32 s1, s0  }
0xbc: {  	s0 =	sadd.s32 $0x8F2B, s0  }
0xbd: {  	[sflag:s0] =	ssyncadd.remote.s32 $0x1  }
0xbe: {  	_ =	sfence.sel $0xFFFF  }
0xbf: {  	[dreg:$0x0] =	wrdreg $0xFFFFFFFF;
	(pc) =	sbr.abs _section_cstart, $3  }
0xc0: {  	[dreg:$0x1] =	wrdreg $0xFFFFFFFF  }
0xc1: {  	_ =	task.clear_ibuf [dreg:s6], $0x2FFFF;
	_ =	strace $0x9FFFFFFF  }
0xc2: {  	(tm) =	ssettm $0x7FFFFFFF  }
0xc3: {  	_ =	shalt  }
tec
execute0_lowered:
.L_overlay_start_1:
0x0: {  	(tag) =	ssettag $0x1  }
0x1: {  	s0 =	rddreg [dreg:$0x0]  }
0x2: {  	s1 =	rddreg [dreg:$0x1]  }
0x3: {  	s3 =	simm.s32 $0x0;
	s2 =	srdreg.scid;
	s9 =	stileid.u32  }
0x4: {  	s15 =	simm.s32 $0x6;
	s17 =	simm.s32 $0x8400;
	s23 =	simm.s32 $0x7400  }
0x5: {  	s28 =	simm.s32 $0x1;
	s29 =	simm.s32 $0x2;
	s30 =	simm.s32 $0x9400  }
0x6: {  	s31 =	simm.s32 $0x3;
	[smem:$0x7FF] =	sst s3;
	s2 =	sand.u32 $0x1, s2  }
0x7: {  	s7 =	smul.u32 $0x5000, s9;
	s4 =	sadd.s32 $0x2000, s0;
	s5 =	sadd.s32 $0x7000, s0  }
0x8: {  	s18 =	smul.u32 $0x50000, s2;
	_ =	strace $0x8000004A;
	s6 =	sshll.u32 s2, $0x4  }
0x9: {  	s2 =	ssub.s32 $0x2, s2;
	s6 =	sor.u32 s9, s6;
	s9 =	smul.u32 $0x14000, s9  }
0xa: {  	s8 =	sshrl.u32 s2, $0x1;
	s22 =	sadd.s32 s7, s1;
	s6 =	smul.u32 $0x540, s6  }
0xb: {  	s3 =	sadd.s32 s7, s18;
	s2 =	ssub.s32 s2, s8;
	s18 =	simm.s32 $0x80  }
0xc: {  	s3 =	sshrl.u32 s3, $0x3;
	s2 =	smax.u32 s2, $0x1;
	s6 =	sadd.s32 s6, s0  }
0xd: {  	s21 =	sshrl.u32 s9, $0x2;
	[dreg:$0x6] =	wrdreg s2;
	s19 =	sadd.s32 $0x20800, s6  }
0xe: {  	s0 =	sadd.s32 s3, s0;
	s20 =	sadd.s32 $0x16000, s6;
	[dreg:$0x3] =	wrdreg s19  }
0xf: {  	s8 =	sadd.s32 s21, s1;
	s0 =	sadd.s32 $0x2B000, s0;
	[dreg:$0x4] =	wrdreg s20  }
0x10: {  	s9 =	simm.s32 $0x2A00;
	s24 =	sadd.s32 $0x1000, s8;
	[dreg:$0x5] =	wrdreg s0  }
0x11: {  	v1 =	vlaneseq.u32;
	s21 =	simm.s32 $0x5C00;
	s25 =	sadd.s32 $0x2000, s8;
	[dreg:$0x7] =	wrdreg s24  }
0x12: {  	v0 =	vand.u32 $0x1, v1;
	s2 =	simm.s32 $0x0;
	s26 =	sadd.s32 $0x3000, s8;
	[dreg:$0x8] =	wrdreg s25  }
0x13: {  	v3 =	vmul.u32 $0xFFFFFFF0, v0;
	s14 =	sadd.s32 $0x4000, s8;
	[dreg:$0x9] =	wrdreg s26;
	s19 =	simm.s32 $0x5400  }
0x14: {  	v2 =	vshrl.u32 v1, $0x1;
	v1 =	vand.u32 $0x7, v1;
	s20 =	simm.s32 $0x6C00;
	s24 =	simm.s32 $0x6400;
	s25 =	sshrl.u32 s22, $0x3  }
0x15: {  	v0 =	vimm.f32 $0.0e+00;
	v2 =	vor.u32 $0x8, v2;
	v3 =	vadd.s32 $0x10, v3;
	s26 =	simm.s32 $0x7C00;
	s0 =	simm.s32 $0x4;
	s22 =	simm.s32 $0x5  }
.LBB2_1:
0x16: {  	s3 =	simm.s32 $0x0;
	s6 =	rddreg [dreg:$0x3]  }
0x17: {  	[tilespmem:s3], [sflag:$0x6] =	stream.linear.gather [hbm4b:s6+s3], $0x2A00, $0x38;
	[tilespmem:$0xF400] =	vst v63  }
0x18: {  	_ =	swait.ge [sflag:s15], $0x2A00  }
0x19: {  	[sflag:s15] =	ssyncset.done $0x0  }
0x1a: {  	s16 =	rddreg [dreg:$0x4];
	[sflag:s15] =	ssyncadd.s32 $0xFFFFD600  }
0x1b: {  	[tilespmem:s9], [sflag:$0x6] =	stream.linear.gather [hbm4b:s16+s3], $0x2A00, $0x38;
	[tilespmem:$0xF400] =	vst v63  }
0x1c: {  	_ =	swait.ge [sflag:s15], $0x2A00  }
0x1d: {  	[sflag:s15] =	ssyncset.done $0x0  }
0x1e: {  	s6 =	simm.s32 $0x0;
	s3 =	simm.s32 $0x80;
	[sflag:s15] =	ssyncadd.s32 $0xFFFFD600  }
.LBB2_2:
0x1f: {  	p0 =	sne.s32 s3, $0x3F80;
	[tilespmem:s6+$0x8400] =	vst v0;
	s7 =	smov.u32 s3;
	s3 =	sadd.s32 $0x80, s3  }
.Ltmp0:
0x20: {  	[tilespmem:s6+$0x8410] =	vst v0;
	(pc) =	sbr.rel @p0 .LBB2_2-.Ltmp0, $2  }
0x21: {  	_ =	sdelay $0x2  }
0x22: {  	s6 =	sshra.s32 s7, $0x2  }
0x23: {  	[tilespmem:s6+$0x8400] =	vst v0  }
0x24: {  	[tilespmem:s6+$0x8410] =	vst v0  }
0x25: {  	[spmem:s8] =	stream.linear.scatter [tilespmem:s17], [sflag:$0x6], $0x1000, $0x38;
	[tilespmem:$0xF400] =	vst v63  }
0x26: {  	_ =	swait.ge [sflag:s15], $0x1000  }
0x27: {  	[sflag:s15] =	ssyncset.done $0x0  }
0x28: {  	s3 =	rddreg [dreg:$0x7];
	[sflag:s15] =	ssyncadd.s32 $0xFFFFF000  }
0x29: {  	[spmem:s3] =	stream.linear.scatter [tilespmem:s17], [sflag:$0x6], $0x1000, $0x38;
	[tilespmem:$0xF400] =	vst v63  }
0x2a: {  	_ =	swait.ge [sflag:s15], $0x1000  }
0x2b: {  	[sflag:s15] =	ssyncset.done $0x0  }
0x2c: {  	s12 =	rddreg [dreg:$0x8];
	[sflag:s15] =	ssyncadd.s32 $0xFFFFF000  }
0x2d: {  	[spmem:s12] =	stream.linear.scatter [tilespmem:s17], [sflag:$0x6], $0x1000, $0x38;
	[tilespmem:$0xF400] =	vst v63  }
0x2e: {  	_ =	swait.ge [sflag:s15], $0x1000  }
0x2f: {  	[sflag:s15] =	ssyncset.done $0x0  }
0x30: {  	s13 =	rddreg [dreg:$0x9];
	[sflag:s15] =	ssyncadd.s32 $0xFFFFF000  }
0x31: {  	[spmem:s13] =	stream.linear.scatter [tilespmem:s17], [sflag:$0x6], $0x1000, $0x38;
	[tilespmem:$0xF400] =	vst v63  }
0x32: {  	_ =	swait.ge [sflag:s15], $0x1000  }
0x33: {  	[sflag:s15] =	ssyncset.done $0x0  }
0x34: {  	[sflag:s15] =	ssyncadd.s32 $0xFFFFF000  }
0x35: {  	[spmem:s14] =	stream.linear.scatter [tilespmem:s17], [sflag:$0x6], $0x1000, $0x38;
	[tilespmem:$0xF400] =	vst v63  }
0x36: {  	_ =	swait.ge [sflag:s15], $0x1000  }
0x37: {  	[sflag:s15] =	ssyncset.done $0x0  }
0x38: {  	[sflag:s15] =	ssyncadd.s32 $0xFFFFF000  }
0x39: {  	s3 =	simm.s32 $0x0;
	[bflag:$0x0] =	sbarrier.arrive $0xFFFF  }
0x3a: {  	[tilespmem:s19], [sflag:$0x1] =	stream.indirect.gather [hbm4b:s4+s18], $0x10, s3, s18, $0xb8;
	[tilespmem:$0xF400] =	vst v63  }
0x3b: {  	_ = 	snop  }
0x3c: {  	[tilespmem:s20], [sflag:$0x1] =	stream.indirect.gather [hbm4b:s5+s18], $0x10, s9, s18, $0xb8;
	[tilespmem:$0xF400] =	vst v63  }
0x3d: {  	_ = 	snop  }
0x3e: {  	[tilespmem:s21], [sflag:$0x2] =	stream.indirect.gather [hbm4b:s4+s18], $0x10, s18, s18, $0xb8;
	[tilespmem:$0xF400] =	vst v63  }
0x3f: {  	s16 =	simm.s32 $0x2A80  }
0x40: {  	[tilespmem:s23], [sflag:$0x2] =	stream.indirect.gather [hbm4b:s5+s18], $0x10, s16, s18, $0xb8;
	[tilespmem:$0xF400] =	vst v63  }
.LBB2_4:
0x41: {  	s6 =	smul.u32 $0x180, s3;
	_ =	sdelay $0x1  }
0x42: {  	s7 =	sadd.s32 $0x100, s6  }
0x43: {  	[tilespmem:s24], [sflag:$0x3] =	stream.indirect.gather [hbm4b:s4+s18], $0x10, s7, s18, $0xb8;
	[tilespmem:$0xF400] =	vst v63  }
0x44: {  	s16 =	sadd.s32 $0x2B00, s6  }
0x45: {  	[tilespmem:s26], [sflag:$0x3] =	stream.indirect.gather [hbm4b:s5+s18], $0x10, s16, s18, $0xb8;
	[tilespmem:$0xF400] =	vst v63  }
0x46: {  	_ =	swait.ge [sflag:s28], $0x800  }
0x47: {  	[sflag:s28] =	ssyncset.done $0x0  }
0x48: {  	[sflag:s28] =	ssyncadd.s32 $0xFFFFF800  }
0x49: {  	_ =	swait.ge [sflag:s28], $0x800  }
0x4a: {  	p0 =	seq.s32 s3, $0x0;
	[sflag:s28] =	ssyncset.done $0x0  }
0x4b: {  	s7 =	simm.s32 @!p0 $0x4;
	[sflag:s28] =	ssyncadd.s32 $0xFFFFF800  }
0x4c: {  	_ =	swait.ge @!p0 [sflag:s7], $0x1000  }
0x4d: {  	[sflag:s7] =	ssyncset.done @!p0 $0x0  }
0x4e: {  	s12 =	simm.s32 $0x5420;
	[sflag:s7] =	ssyncadd.s32 @!p0 $0xFFFFF000  }
0x4f: {  	v4 =	vld [tilespmem:s12+$0xFFFFFFE0]  }
0x50: {  	s9 =	simm.s32 $0x6C20  }
0x51: {  	v5 =	vld [tilespmem:s9+$0xFFFFFFE0];
	_ =	sdelay $0x2  }
0x52: {  	v6 =	vperm.xlane v4, v1  }
0x53: {  	v8 =	vld [tilespmem:s12+$0x0]  }
0x54: {  	v9 =	vld [tilespmem:s12+$0x10];
	v5 =	vadd.f32 v6, v5  }
0x55: {  	v6 =	vld [tilespmem:s9+$0x0]  }
0x56: {  	v7 =	vld [tilespmem:s12+$0xFFFFFFF0];
	v10 =	vmul.f32 $2.000000030e-01, v5  }
0x57: {  	v12 =	vld [tilespmem:s9+$0x10]  }
0x58: {  	v11 =	vld [tilespmem:s9+$0xFFFFFFF0];
	v5 =	vmax.f32 v5, v10;
	v10 =	vperm.xlane v8, v1;
	_ =	sdelay $0x1  }
0x59: {  	s13 =	simm.s32 $0x5460;
	v14 =	vperm.xlane v9, v1;
	v5 =	vmul.f32 $1.442695020e+00, v5;
	v10 =	vadd.f32 v10, v6  }
0x5a: {  	v15 =	vld [tilespmem:s13+$0xFFFFFFE0];
	v13 =	vperm.xlane v7, v1;
	v4 =	vperm.xlane v4, v2  }
0x5b: {  	s7 =	simm.s32 $0x6C60;
	v12 =	vadd.f32 v14, v12;
	(erf) = vpow2.f32 v5;
	v14 =	vmul.f32 $2.000000030e-01, v10  }
0x5c: {  	v11 =	vadd.f32 v13, v11;
	v5 =	vperm.xlane v8, v2;
	v8 =	vld [tilespmem:s7+$0xFFFFFFE0]  }
0x5d: {  	v18 =	vperm.xlane v7, v2;
	v13 =	vshll.u32 v4, v3;
	v4 =	vld [tilespmem:s13+$0xFFFFFFF0];
	v7 =	vmax.f32 v10, v14  }
0x5e: {  	v17 =	vmul.f32 $2.000000030e-01, v11;
	v6 =	vshll.u32 v5, v3;
	v5 =	vld [tilespmem:s13+$0x10];
	v14 =	vmul.f32 $1.442695020e+00, v7  }
0x5f: {  	v60 =	vmul.f32 $2.000000030e-01, v12;
	v10 =	vperm.xlane v15, v1;
	v7 =	vld [tilespmem:s13+$0x0]  }
0x60: {  	v16 =	vld [tilespmem:s7+$0xFFFFFFF0];
	v9 =	vperm.xlane v9, v2;
	v11 =	vmax.f32 v11, v17;
	(erf) = vpow2.f32 v14  }
0x61: {  	v20 =	vld [tilespmem:s7+$0x10];
	v12 =	vmax.f32 v12, v60;
	v19 =	vmul.f32 $1.442695020e+00, v11;
	v11 =	vadd.f32 v10, v8  }
0x62: {  	v61 =	vld [tilespmem:s7+$0x0];
	v9 =	vshll.u32 v9, v3;
	v12 =	vmul.f32 $1.442695020e+00, v12  }
0x63: {  	v13 =	vand.u32 $0xFFFF0000, v13;
	v10 =	vperm.xlane v4, v1;
	v14 =	vmul.f32 $2.000000030e-01, v11  }
0x64: {  	v8 =	vshll.u32 v18, v3;
	v63 =	vperm.xlane v5, v1;
	v62 =	vpop (erf);
	v21 =	vperm.xlane v7, v1  }
0x65: {  	s9 =	simm.s32 $0x8440;
	v11 =	vmax.f32 v11, v14;
	(erf) = vpow2.f32 v12;
	v22 =	vmul.f32 v13, v62  }
0x66: {  	v10 =	vadd.f32 v10, v16;
	v12 =	vperm.xlane v15, v2;
	[tilespmem:s9+$0xFFFFFFC0] =	vst v62;
	v14 =	vmul.f32 $1.442695020e+00, v11  }
0x67: {  	s11 =	simm.s32 $0x4;
	s10 =	simm.s32 $0x8440;
	s12 =	simm.s32 $0x54A0;
	v11 =	vadd.f32 v63, v20;
	(erf) = vpow2.f32 v19;
	v13 =	vadd.f32 v21, v61;
	[tilespmem:s9+$0xFFFFFFD0] =	vst v22  }
.LBB2_5:
0x68: {  	v15 =	vld [tilespmem:s12+$0xFFFFFFE0];
	s11 =	sadd.s32 $0x4, s11;
	v7 =	vperm.xlane v7, v2;
	s7 =	sadd.s32 $0x40, s7;
	(erf) = vpow2.f32 v14;
	s9 =	sadd.s32 $0x80, s9  }
0x69: {  	v17 =	vand.u32 $0xFFFF0000, v6;
	v14 =	vld [tilespmem:s7+$0xFFFFFFF0];
	p1 =	slt.u32 s11, $0x7C;
	v12 =	vshll.u32 v12, v3;
	v16 =	vmul.f32 $2.000000030e-01, v13;
	v18 =	vpop (erf)  }
0x6a: {  	v20 =	vmul.f32 $2.000000030e-01, v10;
	v19 =	vld [tilespmem:s7+$0xFFFFFFE0];
	v6 =	vshll.u32 v7, v3;
	[tilespmem:s10+$0x0] =	vst v18;
	v7 =	vmul.f32 v17, v18  }
0x6b: {  	v17 =	vperm.xlane v4, v2;
	v4 =	vld [tilespmem:s12+$0xFFFFFFF0];
	v13 =	vmax.f32 v13, v16;
	v16 =	vperm.xlane v5, v2  }
0x6c: {  	v10 =	vmax.f32 v10, v20;
	v20 =	vmul.f32 $2.000000030e-01, v11;
	v5 =	vld [tilespmem:s12+$0x10];
	v13 =	vmul.f32 $1.442695020e+00, v13;
	[tilespmem:s10+$0x10] =	vst v7  }
0x6d: {  	v21 =	vmul.f32 $1.442695020e+00, v10;
	v18 =	vperm.xlane v15, v1;
	v7 =	vld [tilespmem:s12+$0x0];
	v16 =	vshll.u32 v16, v3  }
0x6e: {  	v17 =	vshll.u32 v17, v3;
	v10 =	vmax.f32 v11, v20;
	(erf) = vpow2.f32 v13  }
0x6f: {  	v9 =	vand.u32 $0xFFFF0000, v9;
	v23 =	vmul.f32 $1.442695020e+00, v10;
	v13 =	vadd.f32 v18, v19;
	v18 =	vld [tilespmem:s7+$0x10];
	v11 =	vpop (erf)  }
0x70: {  	v8 =	vand.u32 $0xFFFF0000, v8;
	v19 =	vperm.xlane v4, v1;
	v20 =	vld [tilespmem:s7+$0x0];
	[tilespmem:s10+$0x20] =	vst v11;
	v9 =	vmul.f32 v9, v11;
	v11 =	vpop (erf)  }
.Ltmp1:
0x71: {  	v12 =	vand.u32 $0xFFFF0000, v12;
	v22 =	vmul.f32 $2.000000030e-01, v13;
	v24 =	vpop (erf);
	[tilespmem:s10+$0xFFFFFFE0] =	vst v11;
	(pc) =	sbr.rel @p1 .LBB2_5-.Ltmp1, $4  }
0x72: {  	v26 =	vmul.f32 v8, v11;
	v10 =	vadd.f32 v19, v14;
	v19 =	vperm.xlane v5, v1;
	[tilespmem:s10+$0x30] =	vst v9  }
0x73: {  	v25 =	vmax.f32 v13, v22;
	v13 =	vperm.xlane v7, v1;
	[tilespmem:s9+$0xFFFFFFC0] =	vst v24;
	v22 =	vmul.f32 v12, v24  }
0x74: {  	v8 =	vmovc v17;
	v14 =	vmul.f32 $1.442695020e+00, v25;
	v11 =	vadd.f32 v19, v18;
	(erf) = vpow2.f32 v23;
	[tilespmem:s10+$0xFFFFFFF0] =	vst v26;
	v9 =	vmovc v16;
	s10 =	smov.u32 s9  }
0x75: {  	s12 =	sadd.s32 $0x40, s12;
	v12 =	vperm.xlane v15, v2;
	v13 =	vadd.f32 v13, v20;
	[tilespmem:s9+$0xFFFFFFD0] =	vst v22;
	(erf) = vpow2.f32 v21  }
0x76: {  	_ = 	snop  }
0x77: {  	v15 =	vmul.f32 $2.000000030e-01, v13;
	_ =	sdelay $0x1  }
0x78: {  	v13 =	vmax.f32 v13, v15  }
0x79: {  	v13 =	vmul.f32 $1.442695020e+00, v13  }
0x7a: {  	v15 =	vmul.f32 $2.000000030e-01, v10  }
0x7b: {  	(erf) = vpow2.f32 v14;
	v14 =	vmul.f32 $2.000000030e-01, v11  }
0x7c: {  	v6 =	vand.u32 $0xFFFF0000, v6;
	v10 =	vmax.f32 v10, v15  }
0x7d: {  	v11 =	vmax.f32 v11, v14;
	(erf) = vpow2.f32 v13;
	v10 =	vmul.f32 $1.442695020e+00, v10;
	v13 =	vpop (erf)  }
0x7e: {  	v11 =	vmul.f32 $1.442695020e+00, v11;
	v6 =	vmul.f32 v6, v13;
	_ =	sdelay $0x1  }
0x7f: {  	(erf) = vpow2.f32 v11;
	[tilespmem:s10+$0x10] =	vst v6;
	v6 =	vand.u32 $0xFFFF0000, v9;
	v9 =	vpop (erf)  }
0x80: {  	v8 =	vand.u32 $0xFFFF0000, v8;
	(erf) = vpow2.f32 v10;
	v10 =	vpop (erf)  }
0x81: {  	v8 =	vmul.f32 v8, v10  }
0x82: {  	v7 =	vperm.xlane v7, v2;
	[tilespmem:s10+$0x0] =	vst v13;
	v6 =	vmul.f32 v6, v9  }
0x83: {  	[tilespmem:s10+$0x20] =	vst v9  }
0x84: {  	v9 =	vshll.u32 v12, v3;
	v11 =	vpop (erf);
	[tilespmem:s10+$0x30] =	vst v6;
	v6 =	vshll.u32 v7, v3  }
0x85: {  	v9 =	vand.u32 $0xFFFF0000, v9;
	[tilespmem:s10+$0xFFFFFFF0] =	vst v8;
	v6 =	vand.u32 $0xFFFF0000, v6;
	v8 =	vpop (erf)  }
0x86: {  	s9 =	sadd.s32 $0x80, s9;
	[tilespmem:s10+$0xFFFFFFE0] =	vst v10;
	v7 =	vmul.f32 v9, v11;
	v6 =	vmul.f32 v6, v8  }
0x87: {  	v5 =	vperm.xlane v5, v2;
	[tilespmem:s9+$0xFFFFFFC0] =	vst v11  }
0x88: {  	v4 =	vperm.xlane v4, v2;
	[tilespmem:s9+$0xFFFFFFD0] =	vst v7  }
0x89: {  	v5 =	vshll.u32 v5, v3;
	[tilespmem:s9+$0x0] =	vst v8  }
0x8a: {  	v4 =	vshll.u32 v4, v3;
	v5 =	vand.u32 $0xFFFF0000, v5;
	[tilespmem:s9+$0x10] =	vst v6;
	v6 =	vpop (erf)  }
0x8b: {  	s7 =	smul.u32 $0x600, s3;
	v4 =	vand.u32 $0xFFFF0000, v4;
	[tilespmem:s9+$0x20] =	vst v6;
	v5 =	vmul.f32 v5, v6;
	v6 =	vpop (erf)  }
0x8c: {  	[tilespmem:s9+$0xFFFFFFE0] =	vst v6;
	v4 =	vmul.f32 v4, v6  }
0x8d: {  	s7 =	sshra.s32 s7, $0x2;
	[tilespmem:s9+$0x30] =	vst v5  }
0x8e: {  	s12 =	sadd.s32 $0x2A00, s7;
	[tilespmem:s9+$0xFFFFFFF0] =	vst v4  }
0x8f: {  	[spmem:s1] =	stream.indirect.scatter.add.f32 [tilespmem:s17], [sflag:$0x4], $0x20, s12, s18, $0xb8;
	[tilespmem:$0xF400] =	vst v63  }
0x90: {  	s13 =	sadd.s32 $0x180, s6  }
0x91: {  	[tilespmem:s19], [sflag:$0x1] =	stream.indirect.gather [hbm4b:s4+s18], $0x10, s13, s18, $0xb8;
	[tilespmem:$0xF400] =	vst v63  }
0x92: {  	s10 =	sadd.s32 $0x2B80, s6  }
0x93: {  	[tilespmem:s20], [sflag:$0x1] =	stream.indirect.gather [hbm4b:s5+s18], $0x10, s10, s18, $0xb8;
	[tilespmem:$0xF400] =	vst v63  }
0x94: {  	_ =	swait.ge [sflag:s29], $0x800  }
0x95: {  	[sflag:s29] =	ssyncset.done $0x0  }
0x96: {  	[sflag:s29] =	ssyncadd.s32 $0xFFFFF800  }
0x97: {  	_ =	swait.ge [sflag:s29], $0x800  }
0x98: {  	[sflag:s29] =	ssyncset.done $0x0  }
0x99: {  	s9 =	simm.s32 @!p0 $0x5;
	[sflag:s29] =	ssyncadd.s32 $0xFFFFF800  }
0x9a: {  	_ =	swait.ge @!p0 [sflag:s9], $0x1000  }
0x9b: {  	[sflag:s9] =	ssyncset.done @!p0 $0x0  }
0x9c: {  	s11 =	simm.s32 $0x5C20;
	[sflag:s9] =	ssyncadd.s32 @!p0 $0xFFFFF000  }
0x9d: {  	v4 =	vld [tilespmem:s11+$0xFFFFFFE0]  }
0x9e: {  	s12 =	simm.s32 $0x7420  }
0x9f: {  	v5 =	vld [tilespmem:s12+$0xFFFFFFE0];
	_ =	sdelay $0x2  }
0xa0: {  	v6 =	vperm.xlane v4, v1  }
0xa1: {  	v8 =	vld [tilespmem:s11+$0x0]  }
0xa2: {  	v9 =	vld [tilespmem:s11+$0x10];
	v5 =	vadd.f32 v6, v5  }
0xa3: {  	v6 =	vld [tilespmem:s12+$0x0]  }
0xa4: {  	v7 =	vld [tilespmem:s11+$0xFFFFFFF0];
	v10 =	vmul.f32 $2.000000030e-01, v5  }
0xa5: {  	v12 =	vld [tilespmem:s12+$0x10]  }
0xa6: {  	v11 =	vld [tilespmem:s12+$0xFFFFFFF0];
	v5 =	vmax.f32 v5, v10;
	v10 =	vperm.xlane v8, v1;
	_ =	sdelay $0x1  }
0xa7: {  	s13 =	simm.s32 $0x5C60;
	v14 =	vperm.xlane v9, v1;
	v5 =	vmul.f32 $1.442695020e+00, v5;
	v10 =	vadd.f32 v10, v6  }
0xa8: {  	v15 =	vld [tilespmem:s13+$0xFFFFFFE0];
	v13 =	vperm.xlane v7, v1  }
0xa9: {  	s9 =	simm.s32 $0x7460;
	v12 =	vadd.f32 v14, v12;
	(erf) = vpow2.f32 v5;
	v14 =	vmul.f32 $2.000000030e-01, v10  }
0xaa: {  	v4 =	vperm.xlane v4, v2;
	v11 =	vadd.f32 v13, v11;
	v5 =	vperm.xlane v8, v2;
	v8 =	vld [tilespmem:s9+$0xFFFFFFE0]  }
0xab: {  	v16 =	vld [tilespmem:s9+$0xFFFFFFF0];
	v18 =	vperm.xlane v7, v2;
	v7 =	vmax.f32 v10, v14  }
0xac: {  	v13 =	vshll.u32 v4, v3;
	v4 =	vld [tilespmem:s13+$0xFFFFFFF0];
	v17 =	vmul.f32 $2.000000030e-01, v11;
	v14 =	vmul.f32 $1.442695020e+00, v7  }
0xad: {  	v60 =	vmul.f32 $2.000000030e-01, v12;
	v6 =	vshll.u32 v5, v3;
	v5 =	vld [tilespmem:s13+$0x10];
	v10 =	vperm.xlane v15, v1  }
0xae: {  	v9 =	vperm.xlane v9, v2;
	v11 =	vmax.f32 v11, v17;
	v7 =	vld [tilespmem:s13+$0x0];
	(erf) = vpow2.f32 v14  }
0xaf: {  	v20 =	vld [tilespmem:s9+$0x10];
	v12 =	vmax.f32 v12, v60;
	v19 =	vmul.f32 $1.442695020e+00, v11;
	v11 =	vadd.f32 v10, v8  }
0xb0: {  	v61 =	vld [tilespmem:s9+$0x0];
	v9 =	vshll.u32 v9, v3;
	v12 =	vmul.f32 $1.442695020e+00, v12  }
0xb1: {  	v13 =	vand.u32 $0xFFFF0000, v13;
	v10 =	vperm.xlane v4, v1;
	v14 =	vmul.f32 $2.000000030e-01, v11  }
0xb2: {  	v8 =	vshll.u32 v18, v3;
	v63 =	vperm.xlane v5, v1;
	(erf) = vpow2.f32 v12;
	v62 =	vpop (erf)  }
0xb3: {  	s10 =	simm.s32 $0x9440;
	v11 =	vmax.f32 v11, v14;
	v21 =	vperm.xlane v7, v1;
	v22 =	vmul.f32 v13, v62  }
0xb4: {  	v10 =	vadd.f32 v10, v16;
	v12 =	vperm.xlane v15, v2;
	[tilespmem:s10+$0xFFFFFFC0] =	vst v62;
	v14 =	vmul.f32 $1.442695020e+00, v11  }
0xb5: {  	s11 =	simm.s32 $0x9440;
	s12 =	simm.s32 $0x4;
	s13 =	simm.s32 $0x5CA0;
	(erf) = vpow2.f32 v19;
	v11 =	vadd.f32 v63, v20;
	v13 =	vadd.f32 v21, v61;
	[tilespmem:s10+$0xFFFFFFD0] =	vst v22  }
.LBB2_7:
0xb6: {  	v15 =	vld [tilespmem:s13+$0xFFFFFFE0];
	s12 =	sadd.s32 $0x4, s12;
	v7 =	vperm.xlane v7, v2;
	s9 =	sadd.s32 $0x40, s9;
	(erf) = vpow2.f32 v14;
	s10 =	sadd.s32 $0x80, s10  }
0xb7: {  	v17 =	vand.u32 $0xFFFF0000, v6;
	v14 =	vld [tilespmem:s9+$0xFFFFFFF0];
	p0 =	slt.u32 s12, $0x7C;
	v12 =	vshll.u32 v12, v3;
	v16 =	vmul.f32 $2.000000030e-01, v13;
	v18 =	vpop (erf)  }
0xb8: {  	v20 =	vmul.f32 $2.000000030e-01, v10;
	v19 =	vld [tilespmem:s9+$0xFFFFFFE0];
	v6 =	vshll.u32 v7, v3;
	[tilespmem:s11+$0x0] =	vst v18;
	v7 =	vmul.f32 v17, v18  }
0xb9: {  	v17 =	vperm.xlane v4, v2;
	v4 =	vld [tilespmem:s13+$0xFFFFFFF0];
	v13 =	vmax.f32 v13, v16;
	v16 =	vperm.xlane v5, v2  }
0xba: {  	v10 =	vmax.f32 v10, v20;
	v20 =	vmul.f32 $2.000000030e-01, v11;
	v5 =	vld [tilespmem:s13+$0x10];
	v13 =	vmul.f32 $1.442695020e+00, v13;
	[tilespmem:s11+$0x10] =	vst v7  }
0xbb: {  	v21 =	vmul.f32 $1.442695020e+00, v10;
	v18 =	vperm.xlane v15, v1;
	v7 =	vld [tilespmem:s13+$0x0];
	v16 =	vshll.u32 v16, v3  }
0xbc: {  	v17 =	vshll.u32 v17, v3;
	v10 =	vmax.f32 v11, v20;
	(erf) = vpow2.f32 v13  }
0xbd: {  	v9 =	vand.u32 $0xFFFF0000, v9;
	v23 =	vmul.f32 $1.442695020e+00, v10;
	v13 =	vadd.f32 v18, v19;
	v18 =	vld [tilespmem:s9+$0x10];
	v11 =	vpop (erf)  }
0xbe: {  	v8 =	vand.u32 $0xFFFF0000, v8;
	v19 =	vperm.xlane v4, v1;
	v20 =	vld [tilespmem:s9+$0x0];
	[tilespmem:s11+$0x20] =	vst v11;
	v9 =	vmul.f32 v9, v11;
	v11 =	vpop (erf)  }
.Ltmp2:
0xbf: {  	v12 =	vand.u32 $0xFFFF0000, v12;
	v22 =	vmul.f32 $2.000000030e-01, v13;
	v24 =	vpop (erf);
	[tilespmem:s11+$0xFFFFFFE0] =	vst v11;
	(pc) =	sbr.rel @p0 .LBB2_7-.Ltmp2, $4  }
0xc0: {  	v26 =	vmul.f32 v8, v11;
	v10 =	vadd.f32 v19, v14;
	v19 =	vperm.xlane v5, v1;
	[tilespmem:s11+$0x30] =	vst v9  }
0xc1: {  	v25 =	vmax.f32 v13, v22;
	v13 =	vperm.xlane v7, v1;
	[tilespmem:s10+$0xFFFFFFC0] =	vst v24;
	v22 =	vmul.f32 v12, v24  }
0xc2: {  	v8 =	vmovc v17;
	v14 =	vmul.f32 $1.442695020e+00, v25;
	v11 =	vadd.f32 v19, v18;
	(erf) = vpow2.f32 v23;
	[tilespmem:s11+$0xFFFFFFF0] =	vst v26;
	v9 =	vmovc v16;
	s11 =	smov.u32 s10  }
0xc3: {  	s13 =	sadd.s32 $0x40, s13;
	v12 =	vperm.xlane v15, v2;
	v13 =	vadd.f32 v13, v20;
	[tilespmem:s10+$0xFFFFFFD0] =	vst v22;
	(erf) = vpow2.f32 v21  }
0xc4: {  	_ = 	snop  }
0xc5: {  	v15 =	vmul.f32 $2.000000030e-01, v13;
	_ =	sdelay $0x1  }
0xc6: {  	v13 =	vmax.f32 v13, v15  }
0xc7: {  	v13 =	vmul.f32 $1.442695020e+00, v13  }
0xc8: {  	v15 =	vmul.f32 $2.000000030e-01, v10  }
0xc9: {  	(erf) = vpow2.f32 v14;
	v14 =	vmul.f32 $2.000000030e-01, v11  }
0xca: {  	v6 =	vand.u32 $0xFFFF0000, v6;
	v10 =	vmax.f32 v10, v15  }
0xcb: {  	v11 =	vmax.f32 v11, v14;
	(erf) = vpow2.f32 v13;
	v10 =	vmul.f32 $1.442695020e+00, v10;
	v13 =	vpop (erf)  }
0xcc: {  	v11 =	vmul.f32 $1.442695020e+00, v11;
	v6 =	vmul.f32 v6, v13;
	_ =	sdelay $0x1  }
0xcd: {  	(erf) = vpow2.f32 v11;
	[tilespmem:s11+$0x10] =	vst v6;
	v6 =	vand.u32 $0xFFFF0000, v9;
	v9 =	vpop (erf)  }
0xce: {  	v8 =	vand.u32 $0xFFFF0000, v8;
	(erf) = vpow2.f32 v10;
	v10 =	vpop (erf)  }
0xcf: {  	v8 =	vmul.f32 v8, v10  }
0xd0: {  	v7 =	vperm.xlane v7, v2;
	[tilespmem:s11+$0x0] =	vst v13;
	v6 =	vmul.f32 v6, v9  }
0xd1: {  	[tilespmem:s11+$0x20] =	vst v9  }
0xd2: {  	v9 =	vshll.u32 v12, v3;
	v11 =	vpop (erf);
	[tilespmem:s11+$0x30] =	vst v6;
	v6 =	vshll.u32 v7, v3  }
0xd3: {  	v9 =	vand.u32 $0xFFFF0000, v9;
	[tilespmem:s11+$0xFFFFFFF0] =	vst v8;
	v6 =	vand.u32 $0xFFFF0000, v6;
	v8 =	vpop (erf)  }
0xd4: {  	s9 =	sadd.s32 $0x80, s10;
	[tilespmem:s11+$0xFFFFFFE0] =	vst v10;
	v7 =	vmul.f32 v9, v11;
	v6 =	vmul.f32 v6, v8  }
0xd5: {  	v5 =	vperm.xlane v5, v2;
	[tilespmem:s9+$0xFFFFFFC0] =	vst v11  }
0xd6: {  	v4 =	vperm.xlane v4, v2;
	[tilespmem:s9+$0xFFFFFFD0] =	vst v7  }
0xd7: {  	v5 =	vshll.u32 v5, v3;
	[tilespmem:s9+$0x0] =	vst v8  }
0xd8: {  	v4 =	vshll.u32 v4, v3;
	v5 =	vand.u32 $0xFFFF0000, v5;
	[tilespmem:s9+$0x10] =	vst v6;
	v6 =	vpop (erf)  }
0xd9: {  	v4 =	vand.u32 $0xFFFF0000, v4;
	[tilespmem:s9+$0x20] =	vst v6;
	v5 =	vmul.f32 v5, v6;
	v6 =	vpop (erf)  }
0xda: {  	[tilespmem:s9+$0xFFFFFFE0] =	vst v6;
	v4 =	vmul.f32 v4, v6  }
0xdb: {  	[tilespmem:s9+$0x30] =	vst v5  }
0xdc: {  	s7 =	sadd.s32 $0x2A80, s7;
	[tilespmem:s9+$0xFFFFFFF0] =	vst v4  }
0xdd: {  	[spmem:s1] =	stream.indirect.scatter.add.f32 [tilespmem:s30], [sflag:$0x5], $0x20, s7, s18, $0xb8;
	[tilespmem:$0xF400] =	vst v63  }
0xde: {  	s9 =	sadd.s32 $0x200, s6  }
0xdf: {  	[tilespmem:s21], [sflag:$0x2] =	stream.indirect.gather [hbm4b:s4+s18], $0x10, s9, s18, $0xb8;
	[tilespmem:$0xF400] =	vst v63  }
0xe0: {  	s10 =	sadd.s32 $0x2C00, s6  }
0xe1: {  	[tilespmem:s23], [sflag:$0x2] =	stream.indirect.gather [hbm4b:s5+s18], $0x10, s10, s18, $0xb8;
	[tilespmem:$0xF400] =	vst v63  }
0xe2: {  	_ =	swait.ge [sflag:s31], $0x800  }
0xe3: {  	[sflag:s31] =	ssyncset.done $0x0  }
0xe4: {  	[sflag:s31] =	ssyncadd.s32 $0xFFFFF800  }
0xe5: {  	_ =	swait.ge [sflag:s31], $0x800  }
0xe6: {  	[sflag:s31] =	ssyncset.done $0x0  }
0xe7: {  	[sflag:s31] =	ssyncadd.s32 $0xFFFFF800  }
0xe8: {  	_ =	swait.ge [sflag:s0], $0x1000  }
0xe9: {  	[sflag:s0] =	ssyncset.done $0x0  }
0xea: {  	s11 =	simm.s32 $0x6420;
	[sflag:s0] =	ssyncadd.s32 $0xFFFFF000  }
0xeb: {  	v4 =	vld [tilespmem:s11+$0xFFFFFFE0]  }
0xec: {  	s12 =	simm.s32 $0x7C20  }
0xed: {  	v5 =	vld [tilespmem:s12+$0xFFFFFFE0];
	_ =	sdelay $0x2  }
0xee: {  	v6 =	vperm.xlane v4, v1  }
0xef: {  	v8 =	vld [tilespmem:s11+$0x0]  }
0xf0: {  	v9 =	vld [tilespmem:s11+$0x10];
	v5 =	vadd.f32 v6, v5  }
0xf1: {  	v6 =	vld [tilespmem:s12+$0x0]  }
0xf2: {  	v7 =	vld [tilespmem:s11+$0xFFFFFFF0];
	v10 =	vmul.f32 $2.000000030e-01, v5  }
0xf3: {  	v12 =	vld [tilespmem:s12+$0x10]  }
0xf4: {  	v11 =	vld [tilespmem:s12+$0xFFFFFFF0];
	v5 =	vmax.f32 v5, v10;
	v10 =	vperm.xlane v8, v1;
	_ =	sdelay $0x1  }
0xf5: {  	s13 =	simm.s32 $0x6460;
	v14 =	vperm.xlane v9, v1;
	v5 =	vmul.f32 $1.442695020e+00, v5;
	v10 =	vadd.f32 v10, v6  }
0xf6: {  	v15 =	vld [tilespmem:s13+$0xFFFFFFE0];
	v13 =	vperm.xlane v7, v1  }
0xf7: {  	s6 =	simm.s32 $0x7C60;
	v12 =	vadd.f32 v14, v12;
	(erf) = vpow2.f32 v5;
	v14 =	vmul.f32 $2.000000030e-01, v10  }
0xf8: {  	v4 =	vperm.xlane v4, v2;
	v11 =	vadd.f32 v13, v11;
	v5 =	vperm.xlane v8, v2;
	v8 =	vld [tilespmem:s6+$0xFFFFFFE0]  }
0xf9: {  	v16 =	vld [tilespmem:s6+$0xFFFFFFF0];
	v18 =	vperm.xlane v7, v2;
	v7 =	vmax.f32 v10, v14  }
0xfa: {  	v13 =	vshll.u32 v4, v3;
	v4 =	vld [tilespmem:s13+$0xFFFFFFF0];
	v17 =	vmul.f32 $2.000000030e-01, v11;
	v14 =	vmul.f32 $1.442695020e+00, v7  }
0xfb: {  	v60 =	vmul.f32 $2.000000030e-01, v12;
	v6 =	vshll.u32 v5, v3;
	v5 =	vld [tilespmem:s13+$0x10];
	v10 =	vperm.xlane v15, v1  }
0xfc: {  	v9 =	vperm.xlane v9, v2;
	v11 =	vmax.f32 v11, v17;
	v7 =	vld [tilespmem:s13+$0x0];
	(erf) = vpow2.f32 v14  }
0xfd: {  	v20 =	vld [tilespmem:s6+$0x10];
	v12 =	vmax.f32 v12, v60;
	v19 =	vmul.f32 $1.442695020e+00, v11;
	v11 =	vadd.f32 v10, v8  }
0xfe: {  	v61 =	vld [tilespmem:s6+$0x0];
	v9 =	vshll.u32 v9, v3;
	v12 =	vmul.f32 $1.442695020e+00, v12  }
0xff: {  	v13 =	vand.u32 $0xFFFF0000, v13;
	v10 =	vperm.xlane v4, v1;
	v14 =	vmul.f32 $2.000000030e-01, v11  }
0x100: {  	v8 =	vshll.u32 v18, v3;
	v63 =	vperm.xlane v5, v1;
	(erf) = vpow2.f32 v12;
	v62 =	vpop (erf)  }
0x101: {  	s7 =	simm.s32 $0x8440;
	v11 =	vmax.f32 v11, v14;
	v21 =	vperm.xlane v7, v1;
	v22 =	vmul.f32 v13, v62  }
0x102: {  	v10 =	vadd.f32 v10, v16;
	v12 =	vperm.xlane v15, v2;
	[tilespmem:s7+$0xFFFFFFC0] =	vst v62;
	v14 =	vmul.f32 $1.442695020e+00, v11  }
0x103: {  	s9 =	simm.s32 $0x8440;
	s10 =	simm.s32 $0x4;
	s11 =	simm.s32 $0x64A0;
	(erf) = vpow2.f32 v19;
	v11 =	vadd.f32 v63, v20;
	v13 =	vadd.f32 v21, v61;
	[tilespmem:s7+$0xFFFFFFD0] =	vst v22  }
.LBB2_9:
0x104: {  	v15 =	vld [tilespmem:s11+$0xFFFFFFE0];
	s10 =	sadd.s32 $0x4, s10;
	v7 =	vperm.xlane v7, v2;
	s6 =	sadd.s32 $0x40, s6;
	(erf) = vpow2.f32 v14;
	s7 =	sadd.s32 $0x80, s7  }
0x105: {  	v17 =	vand.u32 $0xFFFF0000, v6;
	v14 =	vld [tilespmem:s6+$0xFFFFFFF0];
	p0 =	slt.u32 s10, $0x7C;
	v12 =	vshll.u32 v12, v3;
	v16 =	vmul.f32 $2.000000030e-01, v13;
	v18 =	vpop (erf)  }
0x106: {  	v20 =	vmul.f32 $2.000000030e-01, v10;
	v19 =	vld [tilespmem:s6+$0xFFFFFFE0];
	v6 =	vshll.u32 v7, v3;
	[tilespmem:s9+$0x0] =	vst v18;
	v7 =	vmul.f32 v17, v18  }
0x107: {  	v17 =	vperm.xlane v4, v2;
	v4 =	vld [tilespmem:s11+$0xFFFFFFF0];
	v13 =	vmax.f32 v13, v16;
	v16 =	vperm.xlane v5, v2  }
0x108: {  	v10 =	vmax.f32 v10, v20;
	v20 =	vmul.f32 $2.000000030e-01, v11;
	v5 =	vld [tilespmem:s11+$0x10];
	v13 =	vmul.f32 $1.442695020e+00, v13;
	[tilespmem:s9+$0x10] =	vst v7  }
0x109: {  	v21 =	vmul.f32 $1.442695020e+00, v10;
	v18 =	vperm.xlane v15, v1;
	v7 =	vld [tilespmem:s11+$0x0];
	v16 =	vshll.u32 v16, v3  }
0x10a: {  	v17 =	vshll.u32 v17, v3;
	v10 =	vmax.f32 v11, v20;
	(erf) = vpow2.f32 v13  }
0x10b: {  	v9 =	vand.u32 $0xFFFF0000, v9;
	v23 =	vmul.f32 $1.442695020e+00, v10;
	v13 =	vadd.f32 v18, v19;
	v18 =	vld [tilespmem:s6+$0x10];
	v11 =	vpop (erf)  }
0x10c: {  	v8 =	vand.u32 $0xFFFF0000, v8;
	v19 =	vperm.xlane v4, v1;
	v20 =	vld [tilespmem:s6+$0x0];
	[tilespmem:s9+$0x20] =	vst v11;
	v9 =	vmul.f32 v9, v11;
	v11 =	vpop (erf)  }
.Ltmp3:
0x10d: {  	v12 =	vand.u32 $0xFFFF0000, v12;
	v22 =	vmul.f32 $2.000000030e-01, v13;
	v24 =	vpop (erf);
	[tilespmem:s9+$0xFFFFFFE0] =	vst v11;
	(pc) =	sbr.rel @p0 .LBB2_9-.Ltmp3, $4  }
0x10e: {  	v26 =	vmul.f32 v8, v11;
	v10 =	vadd.f32 v19, v14;
	v19 =	vperm.xlane v5, v1;
	[tilespmem:s9+$0x30] =	vst v9  }
0x10f: {  	v25 =	vmax.f32 v13, v22;
	v13 =	vperm.xlane v7, v1;
	[tilespmem:s7+$0xFFFFFFC0] =	vst v24;
	v22 =	vmul.f32 v12, v24  }
0x110: {  	v8 =	vmovc v17;
	v14 =	vmul.f32 $1.442695020e+00, v25;
	v11 =	vadd.f32 v19, v18;
	(erf) = vpow2.f32 v23;
	[tilespmem:s9+$0xFFFFFFF0] =	vst v26;
	v9 =	vmovc v16;
	s9 =	smov.u32 s7  }
0x111: {  	s11 =	sadd.s32 $0x40, s11;
	v12 =	vperm.xlane v15, v2;
	v13 =	vadd.f32 v13, v20;
	[tilespmem:s7+$0xFFFFFFD0] =	vst v22;
	(erf) = vpow2.f32 v21  }
0x112: {  	_ = 	snop  }
0x113: {  	v15 =	vmul.f32 $2.000000030e-01, v13  }
0x114: {  	v51 =	vmul.f32 $2.000000030e-01, v11  }
0x115: {  	(erf) = vpow2.f32 v14;
	v13 =	vmax.f32 v13, v15  }
0x116: {  	v52 =	vmul.f32 $2.000000030e-01, v10;
	v11 =	vmax.f32 v11, v51;
	v13 =	vmul.f32 $1.442695020e+00, v13  }
0x117: {  	v6 =	vand.u32 $0xFFFF0000, v6;
	v53 =	vpop (erf);
	v11 =	vmul.f32 $1.442695020e+00, v11  }
0x118: {  	v10 =	vmax.f32 v10, v52;
	v6 =	vmul.f32 v6, v53;
	(erf) = vpow2.f32 v13  }
0x119: {  	v10 =	vmul.f32 $1.442695020e+00, v10;
	(erf) = vpow2.f32 v11  }
0x11a: {  	[tilespmem:s9+$0x0] =	vst v53  }
0x11b: {  	v54 =	vand.u32 $0xFFFF0000, v9;
	[tilespmem:s9+$0x10] =	vst v6;
	v55 =	vpop (erf);
	(erf) = vpow2.f32 v10  }
0x11c: {  	v56 =	vpop (erf);
	[tilespmem:s9+$0x20] =	vst v55;
	v6 =	vmul.f32 v54, v55  }
0x11d: {  	v8 =	vand.u32 $0xFFFF0000, v8;
	v57 =	vshll.u32 v12, v3;
	[tilespmem:s9+$0xFFFFFFE0] =	vst v56  }
0x11e: {  	v7 =	vperm.xlane v7, v2;
	s6 =	sadd.s32 $0x80, s7;
	v9 =	vand.u32 $0xFFFF0000, v57;
	v58 =	vpop (erf);
	v8 =	vmul.f32 v8, v56;
	[tilespmem:s9+$0x30] =	vst v6  }
0x11f: {  	[tilespmem:s6+$0xFFFFFFC0] =	vst v58;
	v60 =	vmul.f32 v9, v58  }
0x120: {  	v5 =	vperm.xlane v5, v2;
	v59 =	vshll.u32 v7, v3;
	[tilespmem:s9+$0xFFFFFFF0] =	vst v8  }
0x121: {  	v4 =	vperm.xlane v4, v2;
	v6 =	vand.u32 $0xFFFF0000, v59;
	[tilespmem:s6+$0xFFFFFFD0] =	vst v60;
	v61 =	vpop (erf)  }
0x122: {  	s3 =	sadd.s32 $0x1, s3;
	v5 =	vshll.u32 v5, v3;
	v6 =	vmul.f32 v6, v61;
	[tilespmem:s6+$0x0] =	vst v61;
	v62 =	vpop (erf)  }
0x123: {  	p0 =	sne.s32 s3, $0x1B;
	v4 =	vshll.u32 v4, v3;
	v5 =	vand.u32 $0xFFFF0000, v5;
	[tilespmem:s6+$0x20] =	vst v62  }
.Ltmp4:
0x124: {  	v4 =	vand.u32 $0xFFFF0000, v4;
	v5 =	vmul.f32 v5, v62;
	v63 =	vpop (erf);
	[tilespmem:s6+$0x10] =	vst v6;
	(pc) =	sbr.rel @p0 .LBB2_4-.Ltmp4, $4  }
0x125: {  	[tilespmem:s6+$0xFFFFFFE0] =	vst v63;
	v4 =	vmul.f32 v4, v63  }
0x126: {  	[tilespmem:s6+$0x30] =	vst v5  }
0x127: {  	[tilespmem:s6+$0xFFFFFFF0] =	vst v4  }
0x128: {  	[spmem:s1] =	stream.indirect.scatter.add.f32 [tilespmem:s17], [sflag:$0x4], $0x20, s16, s18, $0xb8;
	[tilespmem:$0xF400] =	vst v63  }
0x129: {  	_ =	swait.ge [sflag:s28], $0x800  }
0x12a: {  	[sflag:s28] =	ssyncset.done $0x0  }
0x12b: {  	[sflag:s28] =	ssyncadd.s32 $0xFFFFF800  }
0x12c: {  	_ =	swait.ge [sflag:s28], $0x800  }
0x12d: {  	[sflag:s28] =	ssyncset.done $0x0  }
0x12e: {  	[sflag:s28] =	ssyncadd.s32 $0xFFFFF800  }
0x12f: {  	_ =	swait.ge [sflag:s29], $0x800  }
0x130: {  	[sflag:s29] =	ssyncset.done $0x0  }
0x131: {  	[sflag:s29] =	ssyncadd.s32 $0xFFFFF800  }
0x132: {  	_ =	swait.ge [sflag:s29], $0x800  }
0x133: {  	[sflag:s29] =	ssyncset.done $0x0  }
0x134: {  	[sflag:s29] =	ssyncadd.s32 $0xFFFFF800  }
0x135: {  	_ =	swait.ge [sflag:s0], $0x1000  }
0x136: {  	[sflag:s0] =	ssyncset.done $0x0  }
0x137: {  	[sflag:s0] =	ssyncadd.s32 $0xFFFFF000  }
0x138: {  	_ =	swait.ge [sflag:s22], $0x1000  }
0x139: {  	[sflag:s22] =	ssyncset.done $0x0  }
0x13a: {  	s3 =	stileid.u32;
	[sflag:s22] =	ssyncadd.s32 $0xFFFFF000  }
0x13b: {  	s3 =	sshll.u32 s3, $0x6;
	[bflag:$0x0] =	sbarrier.arrive $0xFFFF  }
0x13c: {  	s3 =	sor.u32 $0x1C06, s3;
	s6 =	rddreg [dreg:$0x5]  }
0x13d: {  	[hbm:s6], [sflag:s3] =	dma.local [spmem:s25], $0xA00  }
0x13e: {  	_ =	swait.ge [sflag:s15], $0xA00  }
0x13f: {  	s2 =	sadd.s32 $0x1, s2;
	s16 =	rddreg [dreg:$0x6]  }
0x140: {  	p0 =	sne.s32 s2, s16  }
.Ltmp5:
0x141: {  	_ = 	snop;
	(pc) =	sbr.rel @p0 .LBB2_1-.Ltmp5, $3  }
0x142: {  	_ =	sdelay $0x1  }
0x143: {  	[sflag:s15] =	ssyncset.done $0x0  }
0x144: {  	s9 =	simm.s32 $0x2A00;
	[sflag:s15] =	ssyncadd.s32 $0xFFFFF600  }
0x145: {  	_ =	sfence.sel $0x180000  }
0x146: {  	[bflag:$0x0] =	sbarrier.arrive $0xFFFF  }
0x147: {  	_ =	strace $0x9000004A  }
0x148: {  	s0 =	stileid.u32;
	[bflag:$0x2] =	sbarrier.arrive $0xFFFF  }
0x149: {  	p0 =	sne.s32 s0, $0x0;
	s0 =	rddreg [dreg:$0x2]  }
0x14a: {  	s0 =	sadd.s32 @!p0 $0x100000, s0  }
0x14b: {  	[sflag:s0] =	ssyncadd.tile.s32 @!p0 $0x1;
	_ =	shalt  }
.Lfunc_end2:
_tile_overlayer_lowered:
.L_overlay_start_2:
0x14c: {  	(tag) =	ssettag $0x2  }
0x14d: {  	s0 =	rddreg [dreg:$0x0];
	s2 =	stileid.u32  }
0x14e: {  	s1 =	rddreg [dreg:$0x1];
	p0 =	sne.s32 s2, $0x0  }
0x14f: {  	s3 =	rddreg [dreg:$0x2];
	[bflag:$0x3] =	sbarrier.arrive $0xFFFF;
	s2 =	simm.s32 @!p0 $0x1C06  }
0x150: {  	[timem:s3], [sflag:s2] =	dma.local @!p0 [hbm:s0], s1  }
0x151: {  	s0 =	simm.s32 @!p0 $0x6  }
0x152: {  	_ =	swait.ge @!p0 [sflag:s0], s1  }
0x153: {  	s1 =	ssub.s32 @!p0 $0x0, s1;
	[sflag:s0] =	ssyncset.done @!p0 $0x0  }
0x154: {  	[sflag:s0] =	ssyncadd.s32 @!p0 s1  }
0x155: {  	[bflag:$0x3] =	sbarrier.arrive $0xFFFF  }
0x156: {  	_ =	shalt  }

// kernel: kernel.7.cloned.1.call-start
scs
__scs_entry_jumppad:
0x0: {  	(pc) =	sbr.rel $0x88, $3  }
0x1: {  	(tag) =	ssettag $0x0;
	lr =	simm.s32 $0x1  }
0x2: {  	[smem:$0x3F94] =	sst lr;
	_ =	strace $0xD0000000  }
0x3: {  	_ = 	snop  }
0x4: {  	_ = 	snop  }
0x5: {  	_ = 	snop  }
0x6: {  	_ = 	snop  }
0x7: {  	_ = 	snop  }
__scs_overlays_trampoline_lowered:
0x8: {  	[smem:$0x3FA3] =	sst s0  }
0x9: {  	[smem:$0x3FA4] =	sst s1  }
0xa: {  	[smem:$0x3FA5] =	sst s2  }
0xb: {  	[smem:$0x3FA6] =	sst s3  }
0xc: {  	[smem:$0x3FA7] =	sst s4  }
0xd: {  	[smem:$0x3FA8] =	sst s5  }
0xe: {  	[smem:$0x3FA9] =	sst s6  }
0xf: {  	[smem:$0x3FAA] =	sst s7  }
0x10: {  	[smem:$0x3FAB] =	sst s8  }
0x11: {  	[smem:$0x3FAC] =	sst s9;
	s0 =	simm.s32 @!p0 $0x0  }
0x12: {  	s1 =	sld [smem:$0x3F92];
	s0 =	simm.s32 @p0 $0x1  }
0x13: {  	[smem:$0x3FAD] =	sst s0;
	s0 =	simm.s32 @!p1 $0x0  }
0x14: {  	s2 =	sld [smem:$0x3F91];
	s0 =	simm.s32 @p1 $0x1  }
0x15: {  	[smem:$0x3FAE] =	sst s0;
	s0 =	simm.s32 @!p2 $0x0  }
0x16: {  	s3 =	sld [smem:$0x3FDB];
	s0 =	simm.s32 @p2 $0x1  }
0x17: {  	s4 =	simm.s32 $0x1BF5;
	[smem:$0x3FB0] =	sst s0  }
0x18: {  	s0 =	sld [smem:$0x3F93];
	_ =	swait.ge [sflag:s4], $0x0  }
0x19: {  	s7 =	sld [smem:$0x3F94]  }
0x1a: {  	s8 =	sadd.s32 $0xFFFFE003, lr  }
0x1b: {  	s9 =	sadd.s32 $0xFFFFFEF7, lr;
	s5 =	simm.s32 $0xFFFFFFFF;
	p2 =	slt.u32 s8, $0xFFFFF086  }
0x1c: {  	p1 =	slt.u32 s9, $0xF7A;
	s5 =	simm.s32 @!p2 $0x0  }
0x1d: {  	s5 =	simm.s32 @p1 $0x1;
	p0 =	seq.s32 s7, s2  }
0x1e: {  	s7 =	smul.u32 @!p0 $0xF7A, s2;
	p2 =	seq.s32 @!p0 s5, $0x0  }
0x1f: {  	s9 =	smul.u32 $0xF7A, s1;
	s8 =	simm.s32 @!p0 $0x1BF5;
	p2 =	por !p2, p0  }
0x20: {  	[sflag:s8] =	ssyncset.s32 @!p0 $0xFFFFF086;
	s6 =	sadd.s32 @!p0 s3, s7;
	s7 =	simm.s32 @!p0 $0x108  }
0x21: {  	s3 =	sadd.s32 s3, s9;
	s6 =	sadd.s32 @!p0 $0x88, s6;
	s7 =	simm.s32 @p2 $0x1082  }
0x22: {  	[simem:s7], [sflag:s8] =	dma.local @!p0 [hbm:s6], $0xF7A  }
0x23: {  	s9 =	sor.u32 $0xD0000000, s2;
	s6 =	simm.s32 $0x108;
	_ =	swait.ge @!p0 [sflag:s8], $0x0  }
0x24: {  	s3 =	sadd.s32 $0x88, s3;
	s6 =	simm.s32 @!p1 $0x1082;
	[sflag:s4] =	ssyncset.s32 $0xFFFFF086  }
0x25: {  	[simem:s6], [sflag:s4] =	dma.local [hbm:s3], $0xF7A  }
0x26: {  	[smem:$0x3F94] =	sst s1;
	(tag) =	ssettag s2;
	_ =	strace s9  }
0x27: {  	s1 =	sld [smem:$0x3FA4]  }
0x28: {  	s2 =	sld [smem:$0x3FA5]  }
0x29: {  	s4 =	sld [smem:$0x3FA7]  }
0x2a: {  	p0 =	seq.s32 s5, $0x0;
	s5 =	sld [smem:$0x3FA8]  }
0x2b: {  	s6 =	sld [smem:$0x3FA9]  }
0x2c: {  	s7 =	sld [smem:$0x3FAA]  }
0x2d: {  	s3 =	simm.s32 $0x108;
	s8 =	sld [smem:$0x3FAB]  }
0x2e: {  	s3 =	simm.s32 @!p0 $0x1082;
	s9 =	sld [smem:$0x3FAC]  }
0x2f: {  	lr =	sadd.s32 s0, s3;
	s0 =	sld [smem:$0x3FA3]  }
0x30: {  	s3 =	sld [smem:$0x3FA6]  }
0x31: {  	[smem:$0x3FAF] =	sst s10  }
0x32: {  	s10 =	sld [smem:$0x3FAD];
	_ =	sdelay $0x3  }
0x33: {  	p0 =	seq.s32 s10, $0x1;
	s10 =	sld [smem:$0x3FAF];
	_ =	sdelay $0x3  }
0x34: {  	[smem:$0x3FAF] =	sst s10  }
0x35: {  	s10 =	sld [smem:$0x3FAE];
	_ =	sdelay $0x3  }
0x36: {  	p1 =	seq.s32 s10, $0x1;
	s10 =	sld [smem:$0x3FAF];
	_ =	sdelay $0x3  }
0x37: {  	[smem:$0x3FAF] =	sst s10  }
0x38: {  	s10 =	sld [smem:$0x3FB0]  }
0x39: {  	_ = 	snop;
	(pc) =	sbr.ind lr, $3  }
0x3a: {  	_ = 	snop  }
0x3b: {  	_ = 	snop  }
0x3c: {  	p2 =	seq.s32 s10, $0x1;
	s10 =	sld [smem:$0x3FAF]  }
0x3d: {  	_ =	shalt  }
0x3e: {  	_ =	shalt  }
0x3f: {  	_ =	shalt  }
0x40: {  	_ =	shalt  }
0x41: {  	_ =	shalt  }
0x42: {  	_ =	shalt  }
0x43: {  	_ =	shalt  }
0x44: {  	_ =	shalt  }
0x45: {  	_ =	shalt  }
0x46: {  	_ =	shalt  }
0x47: {  	_ =	shalt  }
0x48: {  	_ =	shalt  }
0x49: {  	_ =	shalt  }
0x4a: {  	_ =	shalt  }
0x4b: {  	_ =	shalt  }
0x4c: {  	_ =	shalt  }
0x4d: {  	_ =	shalt  }
0x4e: {  	_ =	shalt  }
0x4f: {  	_ =	shalt  }
0x50: {  	_ =	shalt  }
0x51: {  	_ =	shalt  }
0x52: {  	_ =	shalt  }
0x53: {  	_ =	shalt  }
0x54: {  	_ =	shalt  }
0x55: {  	_ =	shalt  }
0x56: {  	_ =	shalt  }
0x57: {  	_ =	shalt  }
0x58: {  	_ =	shalt  }
0x59: {  	_ =	shalt  }
0x5a: {  	_ =	shalt  }
0x5b: {  	_ =	shalt  }
0x5c: {  	_ =	shalt  }
0x5d: {  	_ =	shalt  }
0x5e: {  	_ =	shalt  }
0x5f: {  	_ =	shalt  }
0x60: {  	_ =	shalt  }
0x61: {  	_ =	shalt  }
0x62: {  	_ =	shalt  }
0x63: {  	_ =	shalt  }
0x64: {  	_ =	shalt  }
0x65: {  	_ =	shalt  }
0x66: {  	_ =	shalt  }
0x67: {  	_ =	shalt  }
0x68: {  	_ =	shalt  }
0x69: {  	_ =	shalt  }
0x6a: {  	_ =	shalt  }
0x6b: {  	_ =	shalt  }
0x6c: {  	_ =	shalt  }
0x6d: {  	_ =	shalt  }
0x6e: {  	_ =	shalt  }
0x6f: {  	_ =	shalt  }
0x70: {  	_ =	shalt  }
0x71: {  	_ =	shalt  }
0x72: {  	_ =	shalt  }
0x73: {  	_ =	shalt  }
0x74: {  	_ =	shalt  }
0x75: {  	_ =	shalt  }
0x76: {  	_ =	shalt  }
0x77: {  	_ =	shalt  }
0x78: {  	_ =	shalt  }
0x79: {  	_ =	shalt  }
0x7a: {  	_ =	shalt  }
0x7b: {  	_ =	shalt  }
0x7c: {  	_ =	shalt  }
0x7d: {  	_ =	shalt  }
0x7e: {  	_ =	shalt  }
0x7f: {  	_ =	shalt  }
0x80: {  	_ =	shalt  }
0x81: {  	_ =	shalt  }
0x82: {  	_ =	shalt  }
0x83: {  	_ =	shalt  }
0x84: {  	_ =	shalt  }
0x85: {  	_ =	shalt  }
0x86: {  	_ =	shalt  }
0x87: {  	_ =	shalt  }
.Lfunc_end0:
.L_simem_size_0:
called_computation_lowered:
.L_overlay_start_0:
0x88: {  	s2 =	sld [smem:$0x3FD9]  }
0x89: {  	s3 =	sld [smem:$0x3FFE];
	_ =	sdelay $0x1  }
0x8a: {  	s1 =	srdreg.scid  }
0x8b: {  	s0 =	sand.u32 $0x1, s1  }
0x8c: {  	s16 =	sshll.u32 s0, $0xA;
	s2 =	sadd.s32 s3, s2  }
0x8d: {  	s2 =	sadd.s32 s2, s16  }
0x8e: {  	[smem:$0x3FBB] =	sst s2  }
0x8f: {  	_ = 	snop  }
0x90: {  	(tm) =	ssettm $0x1  }
0x91: {  	s17 =	sld [smem:$0x3FFB];
	_ =	sdelay $0x3  }
0x92: {  	_ =	strace s17  }
0x93: {  	s2 =	sld [smem:$0x3FFC];
	_ =	sdelay $0x3  }
0x94: {  	_ =	strace s2  }
0x95: {  	s2 =	sld [smem:$0x3FFD];
	_ =	sdelay $0x3  }
0x96: {  	_ =	strace s2  }
0x97: {  	_ =	strace $0x8FFFFFFF  }
0x98: {  	s18 =	sld [smem:$0x3FDB];
	_ =	sdelay $0x1  }
0x99: {  	s19 =	simm.s32 $_scs_section_size  }
0x9a: {  	s4 =	simm.s32 $_size__tile_overlayer_lowered;
	s5 =	simm.s32 $_tile_overlayer_lowered  }
0x9b: {  	s22 =	simm.s32 $0x1BFF;
	s21 =	sshll.u32 s5, $0x1;
	s2 =	sadd.s32 s19, s18  }
0x9c: {  	s6 =	simm.s32 $0x0;
	s20 =	sshll.u32 s4, $0x1;
	s4 =	sadd.s32 s21, s2  }
0x9d: {  	[timem:s6], [sflag:s22] =	dma.local [hbm:s4], s20  }
0x9e: {  	_ =	swait.ge [sflag:s22], s20  }
0x9f: {  	s3 =	ssub.s32 $0x0, s20;
	[sflag:s22] =	ssyncset.done $0x0  }
0xa0: {  	[sflag:s22] =	ssyncadd.s32 s3;
	_ =	sdelay $0x1  }
0xa1: {  	s23 =	simm.s32 $0x1B8B  }
0xa2: {  	_ =	swait.ge [sflag:s23], $0x1  }
0xa3: {  	[sflag:s23] =	ssyncset.done $0x0  }
0xa4: {  	s25 =	simm.s32 $0x1B8E;
	s24 =	sld [smem:$0x3FFE];
	[sflag:s23] =	ssyncadd.s32 $0xFFFFFFFF  }
0xa5: {  	s26 =	simm.s32 $execute0_lowered;
	[smem:$0x3FD2] =	sst s25  }
0xa6: {  	s4 =	sshll.u32 s26, $0x1;
	_ =	strace $0x80000046;
	[dreg:$0x1] =	wrdreg $0xFFFFFFFF  }
0xa7: {  	s28 =	simm.s32 $_size_execute0_lowered;
	s2 =	sadd.s32 s2, s4;
	[dreg:$0x0] =	wrdreg $0x0  }
0xa8: {  	s4 =	sshll.u32 s28, $0x1;
	[dreg:$0x2] =	wrdreg s2  }
0xa9: {  	[dreg:$0x3] =	wrdreg s4  }
0xaa: {  	[dreg:$0x4] =	wrdreg $0xC0  }
0xab: {  	_ =	task [dreg:s6], $0x5FFFF  }
0xac: {  	[dreg:$0x1] =	wrdreg $0xFFFFFFFF  }
0xad: {  	[dreg:$0x0] =	wrdreg $0x60  }
0xae: {  	[dreg:$0x2] =	wrdreg s24  }
0xaf: {  	[dreg:$0x3] =	wrdreg $0x104000  }
0xb0: {  	[dreg:$0x4] =	wrdreg $0x9  }
0xb1: {  	_ =	task.clear_ibuf [dreg:s6], $0x5FFFF;
	_ =	strace $0x90000046  }
0xb2: {  	s29 =	simm.s32 $0x9;
	_ =	strace $0x80000048  }
0xb3: {  	_ =	swait.ge [sflag:s29], $0x1  }
0xb4: {  	[sflag:s29] =	ssyncadd.s32 $0xFFFFFFFF  }
0xb5: {  	_ =	strace $0x90000048  }
0xb6: {  	_ =	sfence  }
0xb7: {  	s30 =	sld [smem:$0x0];
	_ =	sdelay $0x2  }
0xb8: {  	s31 =	sshll.u32 s1, $0xD;
	s1 =	sshrl.u32 s1, $0x2  }
0xb9: {  	s3 =	sand.u32 $0x4000, s31;
	s1 =	sadd.s32 s1, s30  }
0xba: {  	s0 =	sor.u32 s3, s0;
	s1 =	sshll.u32 s1, $0x11  }
0xbb: {  	s0 =	sor.u32 s1, s0  }
0xbc: {  	s0 =	sadd.s32 $0x8F2B, s0  }
0xbd: {  	[sflag:s0] =	ssyncadd.remote.s32 $0x1  }
0xbe: {  	_ =	sfence.sel $0xFFFF  }
0xbf: {  	[dreg:$0x0] =	wrdreg $0xFFFFFFFF;
	(pc) =	sbr.abs _section_cstart, $3  }
0xc0: {  	[dreg:$0x1] =	wrdreg $0xFFFFFFFF  }
0xc1: {  	_ =	task.clear_ibuf [dreg:s6], $0x2FFFF;
	_ =	strace $0x9FFFFFFF  }
0xc2: {  	(tm) =	ssettm $0x7FFFFFFF  }
0xc3: {  	_ =	shalt  }
tec
execute0_lowered:
.L_overlay_start_1:
0x0: {  	(tag) =	ssettag $0x1  }
0x1: {  	s0 =	rddreg [dreg:$0x0]  }
0x2: {  	s1 =	rddreg [dreg:$0x1];
	s3 =	simm.s32 $0x0;
	s2 =	srdreg.scid  }
0x3: {  	s9 =	stileid.u32;
	s15 =	simm.s32 $0x6;
	s17 =	simm.s32 $0xB400  }
0x4: {  	s28 =	simm.s32 $0x1;
	s29 =	simm.s32 $0x2;
	[smem:$0x7FF] =	sst s3  }
0x5: {  	s2 =	sand.u32 $0x1, s2;
	s7 =	smul.u32 $0xC800, s9;
	s4 =	sadd.s32 $0x2000, s0  }
0x6: {  	s5 =	sadd.s32 $0x11000, s0;
	s18 =	smul.u32 $0xC8000, s2;
	s6 =	sshll.u32 s2, $0x4  }
0x7: {  	s2 =	ssub.s32 $0x2, s2;
	s6 =	sor.u32 s9, s6;
	s9 =	smul.u32 $0x32000, s9  }
0x8: {  	s8 =	sshrl.u32 s2, $0x1;
	s6 =	smul.u32 $0x540, s6;
	s3 =	sadd.s32 s7, s18  }
0x9: {  	_ =	strace $0x80000047;
	s2 =	ssub.s32 s2, s8;
	s3 =	sshrl.u32 s3, $0x3  }
0xa: {  	s21 =	sshrl.u32 s9, $0x2;
	s2 =	smax.u32 s2, $0x1;
	s6 =	sadd.s32 s6, s0  }
0xb: {  	s0 =	sadd.s32 s3, s0;
	s3 =	sadd.s32 s21, s1;
	[dreg:$0x7] =	wrdreg s2  }
0xc: {  	s30 =	simm.s32 $0xDC00;
	s19 =	sadd.s32 $0x20800, s6;
	[dreg:$0x6] =	wrdreg s3  }
0xd: {  	s31 =	simm.s32 $0x3;
	s20 =	sadd.s32 $0x16000, s6;
	[dreg:$0x3] =	wrdreg s19  }
0xe: {  	s22 =	sadd.s32 s7, s1;
	s0 =	sadd.s32 $0x2B000, s0;
	[dreg:$0x4] =	wrdreg s20  }
0xf: {  	s8 =	simm.s32 $0x2A00;
	s23 =	sadd.s32 $0x2800, s3;
	[dreg:$0x5] =	wrdreg s0  }
0x10: {  	s18 =	simm.s32 $0x80;
	s24 =	sadd.s32 $0x5000, s3;
	[dreg:$0x8] =	wrdreg s23  }
0x11: {  	s21 =	simm.s32 $0x6C00;
	s25 =	sadd.s32 $0x7800, s3;
	[dreg:$0x9] =	wrdreg s24  }
0x12: {  	s2 =	simm.s32 $0x0;
	s26 =	sadd.s32 $0xA000, s3;
	[dreg:$0xa] =	wrdreg s25  }
0x13: {  	v1 =	vlaneseq.u32;
	[dreg:$0xb] =	wrdreg s26;
	s19 =	simm.s32 $0x5400;
	s20 =	simm.s32 $0x9C00  }
0x14: {  	v0 =	vimm.f32 $0.0e+00;
	v1 =	vshrl.u32 v1, $0x3;
	s23 =	simm.s32 $0xA400;
	s24 =	simm.s32 $0x8400;
	s0 =	sshrl.u32 s22, $0x3  }
0x15: {  	v2 =	vor.u32 $0x2, v1;
	v3 =	vor.u32 $0x4, v1;
	v4 =	vor.u32 $0x6, v1;
	s26 =	simm.s32 $0xAC00;
	[dreg:$0xc] =	wrdreg s0;
	s0 =	simm.s32 $0x4  }
.LBB2_1:
0x16: {  	s3 =	simm.s32 $0x0;
	s6 =	rddreg [dreg:$0x3]  }
0x17: {  	[tilespmem:s3], [sflag:$0x6] =	stream.linear.gather [hbm4b:s6+s3], $0x2A00, $0x38;
	[tilespmem:$0x1CC00] =	vst v63  }
0x18: {  	_ =	swait.ge [sflag:s15], $0x2A00  }
0x19: {  	[sflag:s15] =	ssyncset.done $0x0  }
0x1a: {  	s25 =	rddreg [dreg:$0x4];
	[sflag:s15] =	ssyncadd.s32 $0xFFFFD600  }
0x1b: {  	[tilespmem:s8], [sflag:$0x6] =	stream.linear.gather [hbm4b:s25+s3], $0x2A00, $0x38;
	[tilespmem:$0x1CC00] =	vst v63  }
0x1c: {  	_ =	swait.ge [sflag:s15], $0x2A00  }
0x1d: {  	[sflag:s15] =	ssyncset.done $0x0  }
0x1e: {  	s6 =	simm.s32 $0x140;
	s3 =	simm.s32 $0x0;
	[sflag:s15] =	ssyncadd.s32 $0xFFFFD600  }
.LBB2_2:
0x1f: {  	p0 =	sne.s32 s6, $0x9EC0;
	[tilespmem:s3+$0xB440] =	vst v0;
	s7 =	smov.u32 s6;
	s6 =	sadd.s32 $0x140, s6  }
.Ltmp0:
0x20: {  	[tilespmem:s3+$0xB430] =	vst v0;
	(pc) =	sbr.rel @p0 .LBB2_2-.Ltmp0, $4  }
0x21: {  	[tilespmem:s3+$0xB420] =	vst v0  }
0x22: {  	[tilespmem:s3+$0xB400] =	vst v0  }
0x23: {  	[tilespmem:s3+$0xB410] =	vst v0  }
0x24: {  	s3 =	sshra.s32 s7, $0x2  }
0x25: {  	[tilespmem:s3+$0xB440] =	vst v0  }
0x26: {  	[tilespmem:s3+$0xB430] =	vst v0  }
0x27: {  	[tilespmem:s3+$0xB420] =	vst v0  }
0x28: {  	[tilespmem:s3+$0xB400] =	vst v0  }
0x29: {  	[tilespmem:s3+$0xB410] =	vst v0;
	s13 =	rddreg [dreg:$0x6]  }
0x2a: {  	[spmem:s13] =	stream.linear.scatter [tilespmem:s17], [sflag:$0x6], $0x2800, $0x38;
	[tilespmem:$0x1CC00] =	vst v63  }
0x2b: {  	_ =	swait.ge [sflag:s15], $0x2800  }
0x2c: {  	[sflag:s15] =	ssyncset.done $0x0  }
0x2d: {  	s14 =	rddreg [dreg:$0x8];
	[sflag:s15] =	ssyncadd.s32 $0xFFFFD800  }
0x2e: {  	[spmem:s14] =	stream.linear.scatter [tilespmem:s17], [sflag:$0x6], $0x2800, $0x38;
	[tilespmem:$0x1CC00] =	vst v63  }
0x2f: {  	_ =	swait.ge [sflag:s15], $0x2800  }
0x30: {  	[sflag:s15] =	ssyncset.done $0x0  }
0x31: {  	s16 =	rddreg [dreg:$0x9];
	[sflag:s15] =	ssyncadd.s32 $0xFFFFD800  }
0x32: {  	[spmem:s16] =	stream.linear.scatter [tilespmem:s17], [sflag:$0x6], $0x2800, $0x38;
	[tilespmem:$0x1CC00] =	vst v63  }
0x33: {  	_ =	swait.ge [sflag:s15], $0x2800  }
0x34: {  	[sflag:s15] =	ssyncset.done $0x0  }
0x35: {  	s22 =	rddreg [dreg:$0xa];
	[sflag:s15] =	ssyncadd.s32 $0xFFFFD800  }
0x36: {  	[spmem:s22] =	stream.linear.scatter [tilespmem:s17], [sflag:$0x6], $0x2800, $0x38;
	[tilespmem:$0x1CC00] =	vst v63  }
0x37: {  	_ =	swait.ge [sflag:s15], $0x2800  }
0x38: {  	[sflag:s15] =	ssyncset.done $0x0  }
0x39: {  	s25 =	rddreg [dreg:$0xb];
	[sflag:s15] =	ssyncadd.s32 $0xFFFFD800  }
0x3a: {  	[spmem:s25] =	stream.linear.scatter [tilespmem:s17], [sflag:$0x6], $0x2800, $0x38;
	[tilespmem:$0x1CC00] =	vst v63  }
0x3b: {  	_ =	swait.ge [sflag:s15], $0x2800  }
0x3c: {  	[sflag:s15] =	ssyncset.done $0x0  }
0x3d: {  	[sflag:s15] =	ssyncadd.s32 $0xFFFFD800  }
0x3e: {  	s3 =	simm.s32 $0x0;
	[bflag:$0x0] =	sbarrier.arrive $0xFFFF  }
0x3f: {  	[tilespmem:s19], [sflag:$0x1] =	stream.indirect.gather [hbm4b:s4+s18], $0x30, s3, s18, $0xb8;
	[tilespmem:$0x1CC00] =	vst v63  }
0x40: {  	_ = 	snop  }
0x41: {  	[tilespmem:s20], [sflag:$0x1] =	stream.indirect.gather [hbm4b:s5+s18], $0x10, s8, s18, $0xb8;
	[tilespmem:$0x1CC00] =	vst v63  }
0x42: {  	_ = 	snop  }
0x43: {  	[tilespmem:s21], [sflag:$0x2] =	stream.indirect.gather [hbm4b:s4+s18], $0x30, s18, s18, $0xb8;
	[tilespmem:$0x1CC00] =	vst v63  }
0x44: {  	s6 =	simm.s32 $0x2A80  }
0x45: {  	[tilespmem:s23], [sflag:$0x2] =	stream.indirect.gather [hbm4b:s5+s18], $0x10, s6, s18, $0xb8;
	[tilespmem:$0x1CC00] =	vst v63  }
.LBB2_4:
0x46: {  	s6 =	smul.u32 $0x180, s3;
	_ =	sdelay $0x1  }
0x47: {  	s7 =	sadd.s32 $0x100, s6  }
0x48: {  	[tilespmem:s24], [sflag:$0x3] =	stream.indirect.gather [hbm4b:s4+s18], $0x30, s7, s18, $0xb8;
	[tilespmem:$0x1CC00] =	vst v63  }
0x49: {  	s16 =	sadd.s32 $0x2B00, s6  }
0x4a: {  	[tilespmem:s26], [sflag:$0x3] =	stream.indirect.gather [hbm4b:s5+s18], $0x10, s16, s18, $0xb8;
	[tilespmem:$0x1CC00] =	vst v63  }
0x4b: {  	_ =	swait.ge [sflag:s28], $0x1800  }
0x4c: {  	[sflag:s28] =	ssyncset.done $0x0  }
0x4d: {  	[sflag:s28] =	ssyncadd.s32 $0xFFFFE800  }
0x4e: {  	_ =	swait.ge [sflag:s28], $0x800  }
0x4f: {  	p0 =	seq.s32 s3, $0x0;
	[sflag:s28] =	ssyncset.done $0x0  }
0x50: {  	s7 =	simm.s32 @!p0 $0x4;
	[sflag:s28] =	ssyncadd.s32 $0xFFFFF800  }
0x51: {  	_ =	swait.ge @!p0 [sflag:s7], $0x2800  }
0x52: {  	[sflag:s7] =	ssyncset.done @!p0 $0x0  }
0x53: {  	s25 =	simm.s32 $0x9C20;
	[sflag:s7] =	ssyncadd.s32 @!p0 $0xFFFFD800  }
0x54: {  	s13 =	simm.s32 $0x5460;
	v5 =	vld [tilespmem:s25+$0xFFFFFFE0]  }
0x55: {  	v6 =	vld [tilespmem:s13+$0x0]  }
0x56: {  	v7 =	vld [tilespmem:s25+$0x0]  }
0x57: {  	v8 =	vld [tilespmem:s13+$0xFFFFFFA0]  }
0x58: {  	v9 =	vld [tilespmem:s25+$0x10]  }
0x59: {  	v10 =	vld [tilespmem:s13+$0x30]  }
0x5a: {  	v11 =	vld [tilespmem:s13+$0xFFFFFFD0]  }
0x5b: {  	v12 =	vld [tilespmem:s25+$0xFFFFFFF0];
	_ =	sdelay $0x1  }
0x5c: {  	v5 =	vadd.f32 v5, v8  }
0x5d: {  	v6 =	vadd.f32 v7, v6  }
0x5e: {  	v9 =	vadd.f32 v9, v10;
	v8 =	vmul.f32 $2.000000030e-01, v5  }
0x5f: {  	s7 =	simm.s32 $0x5520;
	v7 =	vadd.f32 v12, v11;
	v10 =	vmul.f32 $2.000000030e-01, v6  }
0x60: {  	s8 =	simm.s32 $0x9C60;
	v13 =	vld [tilespmem:s7+$0x30];
	v5 =	vmax.f32 v5, v8;
	v8 =	vmul.f32 $2.000000030e-01, v9  }
0x61: {  	v11 =	vmul.f32 $2.000000030e-01, v7;
	v6 =	vmax.f32 v6, v10;
	v10 =	vld [tilespmem:s8+$0x0];
	v5 =	vmul.f32 $1.442695020e+00, v5  }
0x62: {  	v8 =	vmax.f32 v9, v8;
	v9 =	vld [tilespmem:s7+$0x0]  }
0x63: {  	v7 =	vmax.f32 v7, v11;
	v11 =	vld [tilespmem:s7+$0xFFFFFFA0];
	(erf) = vpow2.f32 v5;
	v8 =	vmul.f32 $1.442695020e+00, v8  }
0x64: {  	v5 =	vld [tilespmem:s8+$0xFFFFFFE0]  }
0x65: {  	v12 =	vld [tilespmem:s8+$0x10];
	v6 =	vmul.f32 $1.442695020e+00, v6;
	(erf) = vpow2.f32 v8  }
0x66: {  	v14 =	vld [tilespmem:s8+$0xFFFFFFF0]  }
0x67: {  	v7 =	vmul.f32 $1.442695020e+00, v7;
	(erf) = vpow2.f32 v6;
	v6 =	vld [tilespmem:s7+$0xFFFFFFD0];
	v9 =	vadd.f32 v10, v9;
	_ =	sdelay $0x1  }
0x68: {  	(erf) = vpow2.f32 v7;
	v5 =	vadd.f32 v5, v11;
	v16 =	vmul.f32 $2.000000030e-01, v9  }
0x69: {  	v11 =	vadd.f32 v12, v13  }
0x6a: {  	v10 =	vmul.f32 $2.000000030e-01, v5;
	v9 =	vmax.f32 v9, v16  }
0x6b: {  	v6 =	vadd.f32 v14, v6;
	v14 =	vmul.f32 $2.000000030e-01, v11;
	v8 =	vpop (erf);
	v9 =	vmul.f32 $1.442695020e+00, v9  }
0x6c: {  	v5 =	vmax.f32 v5, v10;
	v7 =	vperm.xlane v8, v3;
	v21 =	vperm.xlane v8, v1  }
0x6d: {  	v13 =	vperm.xlane v8, v2;
	v5 =	vmul.f32 $1.442695020e+00, v5;
	v15 =	vpop (erf)  }
0x6e: {  	s12 =	simm.s32 $0xB4A0;
	v20 =	vmul.f32 $2.000000030e-01, v6;
	v11 =	vmax.f32 v11, v14;
	v12 =	vperm.xlane v15, v2  }
0x6f: {  	v17 =	vpop (erf);
	[tilespmem:s12+$0x50] =	vst v15;
	(erf) = vpow2.f32 v5;
	v5 =	vmul.f32 $1.442695020e+00, v11  }
0x70: {  	s9 =	simm.s32 $0x9CA0;
	v18 =	vperm.xlane v17, v2;
	v10 =	vperm.xlane v17, v4;
	v22 =	vld [tilespmem:s13+$0x40]  }
0x71: {  	v27 =	vld [tilespmem:s9+$0x0];
	v19 =	vpop (erf);
	[tilespmem:s12+$0x0] =	vst v17;
	v14 =	vperm.xlane v17, v3;
	v17 =	vperm.xlane v17, v1  }
0x72: {  	[tilespmem:s12+$0xFFFFFFB0] =	vst v19;
	v35 =	vperm.xlane v19, v3;
	v11 =	vld [tilespmem:s13+$0x10];
	v24 =	vperm.xlane v19, v2  }
0x73: {  	s8 =	simm.s32 $0x55E0;
	(erf) = vpow2.f32 v5;
	v5 =	vmax.f32 v6, v20;
	v6 =	vperm.xlane v15, v1;
	v23 =	vld [tilespmem:s13+$0xFFFFFFE0]  }
0x74: {  	[tilespmem:s12+$0xFFFFFF60] =	vst v8;
	(erf) = vpow2.f32 v9;
	v9 =	vld [tilespmem:s8+$0x0];
	v5 =	vmul.f32 $1.442695020e+00, v5  }
0x75: {  	v20 =	vld [tilespmem:s13+$0xFFFFFFB0];
	v16 =	vperm.xlane v19, v4;
	v19 =	vperm.xlane v19, v1;
	v26 =	vshll.u32 v22, $0x10  }
0x76: {  	v25 =	vld [tilespmem:s9+$0xFFFFFFE0];
	(erf) = vpow2.f32 v5;
	v22 =	vand.u32 $0xFFFF0000, v22;
	v6 =	vmul.f32 v26, v6  }
0x77: {  	v30 =	vld [tilespmem:s9+$0xFFFFFFF0];
	v12 =	vmul.f32 v22, v12;
	v28 =	vshll.u32 v11, $0x10;
	v11 =	vand.u32 $0xFFFF0000, v11  }
0x78: {  	v26 =	vld [tilespmem:s8+$0xFFFFFFD0];
	v5 =	vshll.u32 v23, $0x10;
	v23 =	vand.u32 $0xFFFF0000, v23;
	v18 =	vmul.f32 v11, v18  }
0x79: {  	v22 =	vld [tilespmem:s8+$0xFFFFFFA0];
	v36 =	vadd.f32 v27, v9;
	v9 =	vmul.f32 v28, v17;
	v27 =	vperm.xlane v15, v3  }
0x7a: {  	v32 =	vld [tilespmem:s9+$0x10];
	[tilespmem:s12+$0x60] =	vst v6;
	v29 =	vmul.f32 v5, v19;
	v19 =	vmul.f32 v23, v24;
	v24 =	vand.u32 $0xFFFF0000, v20  }
0x7b: {  	v28 =	vld [tilespmem:s8+$0x30];
	[tilespmem:s12+$0x70] =	vst v12;
	v23 =	vperm.xlane v15, v4;
	v37 =	vmul.f32 v24, v13;
	v6 =	vpop (erf)  }
0x7c: {  	v31 =	vld [tilespmem:s13+$0x50];
	[tilespmem:s12+$0x20] =	vst v18;
	v38 =	vmul.f32 $2.000000030e-01, v36;
	v5 =	vperm.xlane v6, v3  }
0x7d: {  	[tilespmem:s12+$0x10] =	vst v9;
	v12 =	vperm.xlane v6, v1;
	v15 =	vperm.xlane v6, v2  }
0x7e: {  	[tilespmem:s12+$0xFFFFFFD0] =	vst v19;
	v11 =	vpop (erf);
	v22 =	vadd.f32 v25, v22;
	v25 =	vadd.f32 v30, v26;
	v26 =	vshll.u32 v20, $0x10  }
0x7f: {  	[tilespmem:s12+$0xFFFFFFC0] =	vst v29;
	v20 =	vld [tilespmem:s13+$0x20];
	v17 =	vpop (erf);
	v19 =	vperm.xlane v11, v2;
	v26 =	vmul.f32 v26, v21  }
0x80: {  	s10 =	simm.s32 $0xB5E0;
	v34 =	vld [tilespmem:s13+$0xFFFFFFF0];
	v32 =	vadd.f32 v32, v28;
	v18 =	vperm.xlane v17, v2;
	v9 =	vperm.xlane v17, v4  }
0x81: {  	[tilespmem:s10+$0xFFFFFF60] =	vst v6;
	v30 =	vmul.f32 $2.000000030e-01, v22;
	v33 =	vmul.f32 $2.000000030e-01, v25;
	v21 =	vpop (erf);
	v24 =	vshll.u32 v31, $0x10  }
0x82: {  	[tilespmem:s10+$0x50] =	vst v11;
	v29 =	vand.u32 $0xFFFF0000, v31;
	v13 =	vperm.xlane v21, v3;
	v31 =	vmul.f32 v24, v27  }
0x83: {  	[tilespmem:s12+$0xFFFFFF80] =	vst v37;
	v28 =	vld [tilespmem:s7+$0x40];
	v24 =	vmax.f32 v22, v30;
	v39 =	vmul.f32 v29, v23;
	v22 =	vperm.xlane v21, v2  }
0x84: {  	[tilespmem:s10+$0xFFFFFFB0] =	vst v21;
	v25 =	vmax.f32 v25, v33;
	v30 =	vperm.xlane v11, v1;
	v23 =	vmul.f32 $2.000000030e-01, v32  }
0x85: {  	[tilespmem:s10+$0x0] =	vst v17;
	v29 =	vmul.f32 $1.442695020e+00, v24;
	v24 =	vld [tilespmem:s7+$0xFFFFFFE0];
	v40 =	vshll.u32 v34, $0x10;
	v27 =	vshll.u32 v20, $0x10  }
0x86: {  	s14 =	simm.s32 $0x8;
	[tilespmem:s12+$0xFFFFFF70] =	vst v26;
	v26 =	vld [tilespmem:s7+$0x10];
	v34 =	vand.u32 $0xFFFF0000, v34;
	v33 =	vmax.f32 v32, v23;
	v23 =	vperm.xlane v21, v4  }
0x87: {  	s11 =	simm.s32 $0xB720;
	s25 =	simm.s32 $0x56A0;
	s9 =	simm.s32 $0x9CE0;
	v32 =	vmax.f32 v36, v38;
	v35 =	vmul.f32 v40, v35;
	[tilespmem:s12+$0x90] =	vst v39;
	(erf) = vpow2.f32 v29;
	v29 =	vld [tilespmem:s13+$0xFFFFFFC0]  }
.LBB2_5:
0x88: {  	v36 =	vld [tilespmem:s9+$0xFFFFFFE0];
	s14 =	sadd.s32 $0x4, s14;
	v33 =	vmul.f32 $1.442695020e+00, v33;
	v37 =	vshll.u32 v28, $0x10;
	v34 =	vmul.f32 v34, v16;
	[tilespmem:s12+$0x80] =	vst v31;
	v16 =	vmovc v23;
	s13 =	smov.u32 s8;
	s8 =	smov.u32 s25  }
0x89: {  	v21 =	vperm.xlane v21, v1;
	v31 =	vperm.xlane v17, v3;
	v20 =	vand.u32 $0xFFFF0000, v20;
	p1 =	slt.u32 s14, $0x7C;
	v23 =	vld [tilespmem:s7+$0xFFFFFFB0];
	[tilespmem:s12+$0xFFFFFFE0] =	vst v35  }
0x8a: {  	v32 =	vmul.f32 $1.442695020e+00, v32;
	v17 =	vperm.xlane v17, v1;
	v35 =	vld [tilespmem:s25+$0x0];
	v38 =	vshll.u32 v24, $0x10;
	[tilespmem:s12+$0xFFFFFFF0] =	vst v34  }
0x8b: {  	v30 =	vmul.f32 v37, v30;
	v34 =	vld [tilespmem:s9+$0x0];
	(erf) = vpow2.f32 v33;
	v33 =	vshll.u32 v26, $0x10  }
0x8c: {  	v28 =	vand.u32 $0xFFFF0000, v28;
	(erf) = vpow2.f32 v32;
	v32 =	vshll.u32 v29, $0x10  }
0x8d: {  	v25 =	vmul.f32 $1.442695020e+00, v25;
	v19 =	vmul.f32 v28, v19;
	v24 =	vand.u32 $0xFFFF0000, v24;
	v37 =	vld [tilespmem:s25+$0xFFFFFFD0];
	[tilespmem:s10+$0x60] =	vst v30  }
0x8e: {  	v21 =	vmul.f32 v38, v21;
	v38 =	vperm.xlane v8, v4;
	v8 =	vmovc v6;
	v28 =	vld [tilespmem:s9+$0x10];
	v30 =	vand.u32 $0xFFFF0000, v23  }
0x8f: {  	(erf) = vpow2.f32 v25;
	v25 =	vand.u32 $0xFFFF0000, v26;
	[tilespmem:s10+$0x70] =	vst v19;
	v19 =	vmul.f32 v27, v14;
	v14 =	vmovc v31  }
0x90: {  	v22 =	vmul.f32 v24, v22;
	v24 =	vperm.xlane v11, v4;
	v27 =	vand.u32 $0xFFFF0000, v29;
	v26 =	vld [tilespmem:s25+$0xFFFFFFA0];
	v6 =	vpop (erf)  }
0x91: {  	v31 =	vmul.f32 v32, v7;
	v7 =	vmov v5;
	v29 =	vld [tilespmem:s9+$0xFFFFFFF0];
	[tilespmem:s12+$0x30] =	vst v19;
	v5 =	vperm.xlane v6, v3  }
0x92: {  	v18 =	vmul.f32 v25, v18;
	v32 =	vperm.xlane v6, v1;
	[tilespmem:s10+$0xFFFFFFD0] =	vst v22;
	v22 =	vld [tilespmem:s7+$0x50]  }
0x93: {  	v35 =	vadd.f32 v34, v35;
	v25 =	vperm.xlane v11, v3;
	v27 =	vmul.f32 v27, v38;
	[tilespmem:s12+$0xFFFFFF90] =	vst v31  }
0x94: {  	v23 =	vshll.u32 v23, $0x10;
	v38 =	vperm.xlane v6, v2;
	v31 =	vmul.f32 v33, v17;
	v34 =	vld [tilespmem:s25+$0x30];
	v11 =	vpop (erf);
	[tilespmem:s10+$0x20] =	vst v18  }
0x95: {  	v26 =	vadd.f32 v36, v26;
	v19 =	vperm.xlane v11, v2;
	v17 =	vpop (erf);
	[tilespmem:s12+$0xFFFFFFA0] =	vst v27;
	v27 =	vmul.f32 v20, v10  }
0x96: {  	v29 =	vadd.f32 v29, v37;
	v18 =	vperm.xlane v17, v2;
	v33 =	vperm.xlane v17, v4;
	[tilespmem:s10+$0x10] =	vst v31  }
0x97: {  	v23 =	vmul.f32 v23, v12;
	v12 =	vmovc v32;
	v10 =	vmovc v9;
	v31 =	vmul.f32 $2.000000030e-01, v26;
	[tilespmem:s10+$0xFFFFFFC0] =	vst v21;
	v20 =	vld [tilespmem:s7+$0x20];
	v36 =	vand.u32 $0xFFFF0000, v22  }
0x98: {  	v32 =	vmul.f32 v30, v15;
	v22 =	vshll.u32 v22, $0x10;
	v9 =	vmul.f32 $2.000000030e-01, v29;
	v21 =	vpop (erf);
	v37 =	vld [tilespmem:s7+$0xFFFFFFF0];
	[tilespmem:s12+$0x40] =	vst v27;
	s12 =	smov.u32 s10;
	s10 =	smov.u32 s11  }
0x99: {  	v26 =	vmax.f32 v26, v31;
	v39 =	vperm.xlane v21, v3;
	[tilespmem:s11+$0x50] =	vst v11;
	v31 =	vmul.f32 v22, v25  }
0x9a: {  	v40 =	vmul.f32 $2.000000030e-01, v35;
	v15 =	vmovc v38;
	v36 =	vmul.f32 v36, v24;
	v34 =	vadd.f32 v28, v34;
	[tilespmem:s11+$0x0] =	vst v17  }
.Ltmp1:
0x9b: {  	v30 =	vperm.xlane v11, v1;
	v22 =	vperm.xlane v21, v2;
	v25 =	vmax.f32 v29, v9;
	[tilespmem:s11+$0xFFFFFFB0] =	vst v21;
	v28 =	vld [tilespmem:s13+$0x40];
	(pc) =	sbr.rel @p1 .LBB2_5-.Ltmp1, $4  }
0x9c: {  	v29 =	vmul.f32 $2.000000030e-01, v34;
	[tilespmem:s12+$0xFFFFFF70] =	vst v23;
	v9 =	vmov v33  }
0x9d: {  	v38 =	vmul.f32 $1.442695020e+00, v26;
	s11 =	sadd.s32 $0x140, s11;
	v27 =	vshll.u32 v20, $0x10;
	[tilespmem:s10+$0xFFFFFF60] =	vst v6;
	v24 =	vld [tilespmem:s13+$0xFFFFFFE0];
	v41 =	vshll.u32 v37, $0x10  }
0x9e: {  	v23 =	vperm.xlane v21, v4;
	v33 =	vmax.f32 v34, v29;
	v34 =	vand.u32 $0xFFFF0000, v37;
	v26 =	vld [tilespmem:s13+$0x10];
	[tilespmem:s12+$0xFFFFFF80] =	vst v32  }
0x9f: {  	s9 =	sadd.s32 $0x40, s9;
	s25 =	sadd.s32 $0xC0, s25;
	v32 =	vmax.f32 v35, v40;
	v35 =	vmul.f32 v41, v13;
	v13 =	vmovc v39;
	(erf) = vpow2.f32 v38;
	v29 =	vld [tilespmem:s7+$0xFFFFFFC0];
	[tilespmem:s12+$0x90] =	vst v36;
	s7 =	smov.u32 s13  }
0xa0: {  	v33 =	vmul.f32 $1.442695020e+00, v33  }
0xa1: {  	v36 =	vshll.u32 v28, $0x10;
	v16 =	vmul.f32 v34, v16;
	[tilespmem:s12+$0x80] =	vst v31;
	v31 =	vmul.f32 $1.442695020e+00, v32  }
0xa2: {  	v28 =	vand.u32 $0xFFFF0000, v28;
	v14 =	vmul.f32 v27, v14;
	v8 =	vperm.xlane v8, v4;
	[tilespmem:s12+$0xFFFFFFE0] =	vst v35  }
0xa3: {  	v30 =	vmul.f32 v36, v30;
	[tilespmem:s12+$0xFFFFFFF0] =	vst v16;
	v16 =	vmul.f32 v28, v19  }
0xa4: {  	(erf) = vpow2.f32 v33;
	v19 =	vmul.f32 $1.442695020e+00, v25;
	v25 =	vand.u32 $0xFFFF0000, v24;
	[tilespmem:s12+$0x30] =	vst v14  }
0xa5: {  	(erf) = vpow2.f32 v31;
	v27 =	vshll.u32 v29, $0x10;
	[tilespmem:s10+$0x70] =	vst v16;
	v16 =	vmul.f32 v25, v22  }
0xa6: {  	[tilespmem:s10+$0x60] =	vst v30;
	(erf) = vpow2.f32 v19;
	v19 =	vand.u32 $0xFFFF0000, v26;
	v7 =	vmul.f32 v27, v7  }
0xa7: {  	v14 =	vperm.xlane v17, v1;
	v22 =	vand.u32 $0xFFFF0000, v29;
	[tilespmem:s10+$0xFFFFFFD0] =	vst v16;
	v16 =	vmul.f32 v19, v18  }
0xa8: {  	v18 =	vperm.xlane v21, v1;
	v19 =	vshll.u32 v26, $0x10;
	[tilespmem:s12+$0xFFFFFF90] =	vst v7;
	v7 =	vmul.f32 v22, v8  }
0xa9: {  	v21 =	vshll.u32 v24, $0x10;
	v14 =	vmul.f32 v19, v14;
	[tilespmem:s10+$0x20] =	vst v16  }
0xaa: {  	v8 =	vld [tilespmem:s7+$0xFFFFFFB0];
	v18 =	vmul.f32 v21, v18;
	[tilespmem:s12+$0xFFFFFFA0] =	vst v7  }
0xab: {  	v16 =	vand.u32 $0xFFFF0000, v20;
	[tilespmem:s10+$0x10] =	vst v14  }
0xac: {  	v7 =	vmul.f32 v16, v10;
	v10 =	vpop (erf);
	v14 =	vld [tilespmem:s7+$0x50];
	[tilespmem:s10+$0xFFFFFFC0] =	vst v18  }
0xad: {  	[tilespmem:s11+$0xFFFFFF60] =	vst v10  }
0xae: {  	v16 =	vpop (erf);
	[tilespmem:s12+$0x40] =	vst v7;
	v19 =	vld [tilespmem:s7+$0xFFFFFFF0]  }
0xaf: {  	v7 =	vshll.u32 v8, $0x10;
	v18 =	vpop (erf);
	[tilespmem:s11+$0x50] =	vst v16  }
0xb0: {  	v20 =	vperm.xlane v11, v4;
	v8 =	vand.u32 $0xFFFF0000, v8;
	v7 =	vmul.f32 v7, v12;
	v12 =	vpop (erf);
	[tilespmem:s11+$0x0] =	vst v18;
	v21 =	vld [tilespmem:s8+$0x40]  }
0xb1: {  	v11 =	vperm.xlane v11, v3;
	v8 =	vmul.f32 v8, v15;
	[tilespmem:s11+$0xFFFFFFB0] =	vst v12;
	v22 =	vand.u32 $0xFFFF0000, v14  }
0xb2: {  	v14 =	vshll.u32 v14, $0x10;
	[tilespmem:s10+$0xFFFFFF70] =	vst v7;
	v7 =	vld [tilespmem:s7+$0x20];
	v15 =	vmul.f32 v22, v20  }
0xb3: {  	v11 =	vmul.f32 v14, v11;
	v14 =	vld [tilespmem:s8+$0xFFFFFFE0];
	[tilespmem:s10+$0xFFFFFF80] =	vst v8;
	v20 =	vshll.u32 v19, $0x10  }
0xb4: {  	v8 =	vperm.xlane v16, v1;
	v22 =	vld [tilespmem:s8+$0x10];
	v19 =	vand.u32 $0xFFFF0000, v19;
	v13 =	vmul.f32 v20, v13;
	[tilespmem:s10+$0x90] =	vst v15  }
0xb5: {  	v15 =	vperm.xlane v16, v2;
	v19 =	vmul.f32 v19, v23;
	[tilespmem:s10+$0x80] =	vst v11;
	v20 =	vshll.u32 v21, $0x10  }
0xb6: {  	v11 =	vperm.xlane v17, v3;
	[tilespmem:s10+$0xFFFFFFE0] =	vst v13;
	v8 =	vmul.f32 v20, v8;
	v13 =	vand.u32 $0xFFFF0000, v21  }
0xb7: {  	v17 =	vperm.xlane v12, v2;
	v21 =	vld [tilespmem:s8+$0xFFFFFFB0];
	[tilespmem:s10+$0xFFFFFFF0] =	vst v19;
	v20 =	vshll.u32 v7, $0x10;
	v13 =	vmul.f32 v13, v15  }
0xb8: {  	v15 =	vperm.xlane v18, v2;
	v19 =	vand.u32 $0xFFFF0000, v14;
	[tilespmem:s11+$0x60] =	vst v8;
	v8 =	vmul.f32 v20, v11  }
0xb9: {  	v23 =	vand.u32 $0xFFFF0000, v22;
	v11 =	vld [tilespmem:s7+$0xFFFFFFC0];
	v20 =	vperm.xlane v12, v1;
	[tilespmem:s11+$0x70] =	vst v13;
	v13 =	vmul.f32 v19, v17  }
0xba: {  	v14 =	vshll.u32 v14, $0x10;
	v17 =	vperm.xlane v18, v1;
	[tilespmem:s10+$0x30] =	vst v8;
	v8 =	vmul.f32 v23, v15  }
0xbb: {  	v19 =	vshll.u32 v22, $0x10;
	v15 =	vperm.xlane v10, v1;
	v14 =	vmul.f32 v14, v20;
	[tilespmem:s11+$0xFFFFFFD0] =	vst v13  }
0xbc: {  	v20 =	vld [tilespmem:s8+$0x50];
	v13 =	vperm.xlane v10, v2;
	v22 =	vshll.u32 v21, $0x10;
	v17 =	vmul.f32 v19, v17;
	[tilespmem:s11+$0x20] =	vst v8  }
0xbd: {  	v8 =	vand.u32 $0xFFFF0000, v21;
	v15 =	vmul.f32 v22, v15;
	[tilespmem:s11+$0xFFFFFFC0] =	vst v14  }
0xbe: {  	v6 =	vperm.xlane v6, v4;
	v14 =	vshll.u32 v11, $0x10;
	[tilespmem:s11+$0x10] =	vst v17;
	v8 =	vmul.f32 v8, v13;
	v13 =	vld [tilespmem:s8+$0xFFFFFFF0]  }
0xbf: {  	v11 =	vand.u32 $0xFFFF0000, v11;
	v5 =	vmul.f32 v14, v5;
	[tilespmem:s11+$0xFFFFFF70] =	vst v15  }
0xc0: {  	v7 =	vand.u32 $0xFFFF0000, v7;
	v14 =	vperm.xlane v16, v4;
	v6 =	vmul.f32 v11, v6;
	v11 =	vld [tilespmem:s8+$0x20];
	[tilespmem:s11+$0xFFFFFF80] =	vst v8  }
0xc1: {  	v8 =	vperm.xlane v16, v3;
	[tilespmem:s10+$0xFFFFFF90] =	vst v5;
	v5 =	vmul.f32 v7, v9;
	v7 =	vand.u32 $0xFFFF0000, v20;
	v9 =	vld [tilespmem:s8+$0xFFFFFFC0]  }
0xc2: {  	v15 =	vperm.xlane v12, v3;
	[tilespmem:s10+$0xFFFFFFA0] =	vst v6;
	v6 =	vshll.u32 v20, $0x10;
	v7 =	vmul.f32 v7, v14  }
0xc3: {  	v12 =	vperm.xlane v12, v4;
	[tilespmem:s10+$0x40] =	vst v5;
	v5 =	vmul.f32 v6, v8;
	v6 =	vshll.u32 v13, $0x10  }
0xc4: {  	v8 =	vperm.xlane v18, v3;
	v13 =	vand.u32 $0xFFFF0000, v13;
	v6 =	vmul.f32 v6, v15;
	[tilespmem:s11+$0x90] =	vst v7  }
0xc5: {  	v7 =	vperm.xlane v10, v3;
	v14 =	vshll.u32 v11, $0x10;
	v12 =	vmul.f32 v13, v12;
	[tilespmem:s11+$0x80] =	vst v5  }
0xc6: {  	v8 =	vmul.f32 v14, v8;
	[tilespmem:s11+$0xFFFFFFE0] =	vst v6;
	v5 =	vshll.u32 v9, $0x10;
	v6 =	vperm.xlane v10, v4  }
0xc7: {  	v10 =	vperm.xlane v18, v4;
	[tilespmem:s11+$0xFFFFFFF0] =	vst v12;
	v9 =	vand.u32 $0xFFFF0000, v9;
	v5 =	vmul.f32 v5, v7  }
0xc8: {  	s10 =	smul.u32 $0x600, s3;
	v7 =	vand.u32 $0xFFFF0000, v11;
	[tilespmem:s11+$0x30] =	vst v8;
	v6 =	vmul.f32 v9, v6  }
0xc9: {  	[tilespmem:s11+$0xFFFFFF90] =	vst v5;
	v5 =	vmul.f32 v7, v10  }
0xca: {  	s7 =	sshra.s32 s10, $0x2;
	[tilespmem:s11+$0xFFFFFFA0] =	vst v6  }
0xcb: {  	s12 =	sadd.s32 $0x2A00, s7;
	[tilespmem:s11+$0x40] =	vst v5  }
0xcc: {  	[spmem:s1] =	stream.indirect.scatter.add.f32 [tilespmem:s17], [sflag:$0x4], $0x50, s12, s18, $0xb8;
	[tilespmem:$0x1CC00] =	vst v63  }
0xcd: {  	s13 =	sadd.s32 $0x180, s6  }
0xce: {  	[tilespmem:s19], [sflag:$0x1] =	stream.indirect.gather [hbm4b:s4+s18], $0x30, s13, s18, $0xb8;
	[tilespmem:$0x1CC00] =	vst v63  }
0xcf: {  	s14 =	sadd.s32 $0x2B80, s6  }
0xd0: {  	[tilespmem:s20], [sflag:$0x1] =	stream.indirect.gather [hbm4b:s5+s18], $0x10, s14, s18, $0xb8;
	[tilespmem:$0x1CC00] =	vst v63  }
0xd1: {  	_ =	swait.ge [sflag:s29], $0x1800  }
0xd2: {  	[sflag:s29] =	ssyncset.done $0x0  }
0xd3: {  	[sflag:s29] =	ssyncadd.s32 $0xFFFFE800  }
0xd4: {  	_ =	swait.ge [sflag:s29], $0x800  }
0xd5: {  	[sflag:s29] =	ssyncset.done $0x0  }
0xd6: {  	s8 =	simm.s32 @!p0 $0x5;
	[sflag:s29] =	ssyncadd.s32 $0xFFFFF800  }
0xd7: {  	_ =	swait.ge @!p0 [sflag:s8], $0x2800  }
0xd8: {  	[sflag:s8] =	ssyncset.done @!p0 $0x0  }
0xd9: {  	s22 =	simm.s32 $0xA420;
	[sflag:s8] =	ssyncadd.s32 @!p0 $0xFFFFD800  }
0xda: {  	s14 =	simm.s32 $0x6C60;
	v5 =	vld [tilespmem:s22+$0xFFFFFFE0]  }
0xdb: {  	v6 =	vld [tilespmem:s14+$0x0]  }
0xdc: {  	v7 =	vld [tilespmem:s22+$0x0]  }
0xdd: {  	v8 =	vld [tilespmem:s14+$0xFFFFFFA0]  }
0xde: {  	v9 =	vld [tilespmem:s22+$0x10]  }
0xdf: {  	v10 =	vld [tilespmem:s14+$0x30]  }
0xe0: {  	v11 =	vld [tilespmem:s14+$0xFFFFFFD0]  }
0xe1: {  	v12 =	vld [tilespmem:s22+$0xFFFFFFF0];
	_ =	sdelay $0x1  }
0xe2: {  	v5 =	vadd.f32 v5, v8  }
0xe3: {  	v6 =	vadd.f32 v7, v6  }
0xe4: {  	v9 =	vadd.f32 v9, v10;
	v8 =	vmul.f32 $2.000000030e-01, v5  }
0xe5: {  	s8 =	simm.s32 $0x6D20;
	v7 =	vadd.f32 v12, v11;
	v10 =	vmul.f32 $2.000000030e-01, v6  }
0xe6: {  	s9 =	simm.s32 $0xA460;
	v13 =	vld [tilespmem:s8+$0x30];
	v5 =	vmax.f32 v5, v8;
	v8 =	vmul.f32 $2.000000030e-01, v9  }
0xe7: {  	v11 =	vmul.f32 $2.000000030e-01, v7;
	v6 =	vmax.f32 v6, v10;
	v10 =	vld [tilespmem:s9+$0x0];
	v5 =	vmul.f32 $1.442695020e+00, v5  }
0xe8: {  	v8 =	vmax.f32 v9, v8;
	v9 =	vld [tilespmem:s8+$0x0]  }
0xe9: {  	v7 =	vmax.f32 v7, v11;
	v11 =	vld [tilespmem:s8+$0xFFFFFFA0];
	(erf) = vpow2.f32 v5;
	v8 =	vmul.f32 $1.442695020e+00, v8  }
0xea: {  	v5 =	vld [tilespmem:s9+$0xFFFFFFE0]  }
0xeb: {  	v12 =	vld [tilespmem:s9+$0x10];
	v6 =	vmul.f32 $1.442695020e+00, v6;
	(erf) = vpow2.f32 v8  }
0xec: {  	v14 =	vld [tilespmem:s9+$0xFFFFFFF0]  }
0xed: {  	v7 =	vmul.f32 $1.442695020e+00, v7;
	(erf) = vpow2.f32 v6;
	v6 =	vld [tilespmem:s8+$0xFFFFFFD0];
	v9 =	vadd.f32 v10, v9;
	_ =	sdelay $0x1  }
0xee: {  	(erf) = vpow2.f32 v7;
	v5 =	vadd.f32 v5, v11;
	v16 =	vmul.f32 $2.000000030e-01, v9  }
0xef: {  	v11 =	vadd.f32 v12, v13  }
0xf0: {  	v10 =	vmul.f32 $2.000000030e-01, v5;
	v9 =	vmax.f32 v9, v16  }
0xf1: {  	v6 =	vadd.f32 v14, v6;
	v14 =	vmul.f32 $2.000000030e-01, v11;
	v8 =	vpop (erf);
	v9 =	vmul.f32 $1.442695020e+00, v9  }
0xf2: {  	v5 =	vmax.f32 v5, v10;
	v7 =	vperm.xlane v8, v3;
	v21 =	vperm.xlane v8, v1  }
0xf3: {  	v13 =	vperm.xlane v8, v2;
	v5 =	vmul.f32 $1.442695020e+00, v5;
	v15 =	vpop (erf)  }
0xf4: {  	s13 =	simm.s32 $0xDCA0;
	v20 =	vmul.f32 $2.000000030e-01, v6;
	v11 =	vmax.f32 v11, v14;
	v12 =	vperm.xlane v15, v2  }
0xf5: {  	v17 =	vpop (erf);
	[tilespmem:s13+$0x50] =	vst v15;
	(erf) = vpow2.f32 v5;
	v5 =	vmul.f32 $1.442695020e+00, v11  }
0xf6: {  	s25 =	simm.s32 $0xA4A0;
	v18 =	vperm.xlane v17, v2;
	v10 =	vperm.xlane v17, v4;
	v22 =	vld [tilespmem:s14+$0x40]  }
0xf7: {  	v27 =	vld [tilespmem:s25+$0x0];
	v19 =	vpop (erf);
	[tilespmem:s13+$0x0] =	vst v17;
	v14 =	vperm.xlane v17, v3;
	v17 =	vperm.xlane v17, v1  }
0xf8: {  	[tilespmem:s13+$0xFFFFFFB0] =	vst v19;
	v59 =	vperm.xlane v19, v3;
	v11 =	vld [tilespmem:s14+$0x10];
	v24 =	vperm.xlane v19, v2  }
0xf9: {  	s10 =	simm.s32 $0x6DE0;
	(erf) = vpow2.f32 v5;
	v5 =	vmax.f32 v6, v20;
	v6 =	vperm.xlane v15, v1;
	v23 =	vld [tilespmem:s14+$0xFFFFFFE0]  }
0xfa: {  	[tilespmem:s13+$0xFFFFFF60] =	vst v8;
	(erf) = vpow2.f32 v9;
	v9 =	vld [tilespmem:s10+$0x0];
	v5 =	vmul.f32 $1.442695020e+00, v5  }
0xfb: {  	v20 =	vld [tilespmem:s14+$0xFFFFFFB0];
	v16 =	vperm.xlane v19, v4;
	v19 =	vperm.xlane v19, v1;
	v26 =	vshll.u32 v22, $0x10  }
0xfc: {  	v25 =	vld [tilespmem:s25+$0xFFFFFFE0];
	(erf) = vpow2.f32 v5;
	v22 =	vand.u32 $0xFFFF0000, v22;
	v6 =	vmul.f32 v26, v6  }
0xfd: {  	v30 =	vld [tilespmem:s25+$0xFFFFFFF0];
	v12 =	vmul.f32 v22, v12;
	v28 =	vshll.u32 v11, $0x10;
	v11 =	vand.u32 $0xFFFF0000, v11  }
0xfe: {  	v26 =	vld [tilespmem:s10+$0xFFFFFFD0];
	v5 =	vshll.u32 v23, $0x10;
	v23 =	vand.u32 $0xFFFF0000, v23;
	v18 =	vmul.f32 v11, v18  }
0xff: {  	v22 =	vld [tilespmem:s10+$0xFFFFFFA0];
	v61 =	vadd.f32 v27, v9;
	v9 =	vmul.f32 v28, v17;
	v27 =	vperm.xlane v15, v3  }
0x100: {  	v60 =	vld [tilespmem:s25+$0x10];
	[tilespmem:s13+$0x60] =	vst v6;
	v29 =	vmul.f32 v5, v19;
	v19 =	vmul.f32 v23, v24;
	v24 =	vand.u32 $0xFFFF0000, v20  }
0x101: {  	v28 =	vld [tilespmem:s10+$0x30];
	[tilespmem:s13+$0x70] =	vst v12;
	v23 =	vperm.xlane v15, v4;
	v37 =	vmul.f32 v24, v13;
	v6 =	vpop (erf)  }
0x102: {  	v31 =	vld [tilespmem:s14+$0x50];
	[tilespmem:s13+$0x20] =	vst v18;
	v38 =	vmul.f32 $2.000000030e-01, v61;
	v5 =	vperm.xlane v6, v3  }
0x103: {  	[tilespmem:s13+$0x10] =	vst v9;
	v12 =	vperm.xlane v6, v1;
	v15 =	vperm.xlane v6, v2  }
0x104: {  	[tilespmem:s13+$0xFFFFFFD0] =	vst v19;
	v11 =	vpop (erf);
	v22 =	vadd.f32 v25, v22;
	v25 =	vadd.f32 v30, v26;
	v26 =	vshll.u32 v20, $0x10  }
0x105: {  	[tilespmem:s13+$0xFFFFFFC0] =	vst v29;
	v20 =	vld [tilespmem:s14+$0x20];
	v17 =	vpop (erf);
	v19 =	vperm.xlane v11, v2;
	v26 =	vmul.f32 v26, v21  }
0x106: {  	s11 =	simm.s32 $0xDDE0;
	v63 =	vld [tilespmem:s14+$0xFFFFFFF0];
	v32 =	vadd.f32 v60, v28;
	v18 =	vperm.xlane v17, v2;
	v9 =	vperm.xlane v17, v4  }
0x107: {  	[tilespmem:s11+$0xFFFFFF60] =	vst v6;
	v30 =	vmul.f32 $2.000000030e-01, v22;
	v62 =	vmul.f32 $2.000000030e-01, v25;
	v21 =	vpop (erf);
	v24 =	vshll.u32 v31, $0x10  }
0x108: {  	[tilespmem:s11+$0x50] =	vst v11;
	v29 =	vand.u32 $0xFFFF0000, v31;
	v13 =	vperm.xlane v21, v3;
	v31 =	vmul.f32 v24, v27  }
0x109: {  	[tilespmem:s13+$0xFFFFFF80] =	vst v37;
	v28 =	vld [tilespmem:s8+$0x40];
	v24 =	vmax.f32 v22, v30;
	v39 =	vmul.f32 v29, v23;
	v22 =	vperm.xlane v21, v2  }
0x10a: {  	[tilespmem:s11+$0xFFFFFFB0] =	vst v21;
	v25 =	vmax.f32 v25, v62;
	v30 =	vperm.xlane v11, v1;
	v23 =	vmul.f32 $2.000000030e-01, v32  }
0x10b: {  	[tilespmem:s11+$0x0] =	vst v17;
	v29 =	vmul.f32 $1.442695020e+00, v24;
	v24 =	vld [tilespmem:s8+$0xFFFFFFE0];
	v40 =	vshll.u32 v63, $0x10;
	v27 =	vshll.u32 v20, $0x10  }
0x10c: {  	s12 =	simm.s32 $0xDF20;
	[tilespmem:s13+$0xFFFFFF70] =	vst v26;
	v26 =	vld [tilespmem:s8+$0x10];
	v34 =	vand.u32 $0xFFFF0000, v63;
	v33 =	vmax.f32 v32, v23;
	v23 =	vperm.xlane v21, v4  }
0x10d: {  	s25 =	simm.s32 $0x8;
	s22 =	simm.s32 $0xA4E0;
	s9 =	simm.s32 $0x6EA0;
	v32 =	vmax.f32 v61, v38;
	v35 =	vmul.f32 v40, v59;
	[tilespmem:s13+$0x90] =	vst v39;
	(erf) = vpow2.f32 v29;
	v29 =	vld [tilespmem:s14+$0xFFFFFFC0]  }
.LBB2_7:
0x10e: {  	v36 =	vld [tilespmem:s22+$0xFFFFFFE0];
	s25 =	sadd.s32 $0x4, s25;
	v33 =	vmul.f32 $1.442695020e+00, v33;
	v37 =	vshll.u32 v28, $0x10;
	v34 =	vmul.f32 v34, v16;
	[tilespmem:s13+$0x80] =	vst v31;
	v16 =	vmovc v23;
	s14 =	smov.u32 s10;
	s10 =	smov.u32 s9  }
0x10f: {  	v21 =	vperm.xlane v21, v1;
	v31 =	vperm.xlane v17, v3;
	v20 =	vand.u32 $0xFFFF0000, v20;
	p0 =	slt.u32 s25, $0x7C;
	v23 =	vld [tilespmem:s8+$0xFFFFFFB0];
	[tilespmem:s13+$0xFFFFFFE0] =	vst v35  }
0x110: {  	v32 =	vmul.f32 $1.442695020e+00, v32;
	v17 =	vperm.xlane v17, v1;
	v35 =	vld [tilespmem:s9+$0x0];
	v38 =	vshll.u32 v24, $0x10;
	[tilespmem:s13+$0xFFFFFFF0] =	vst v34  }
0x111: {  	v30 =	vmul.f32 v37, v30;
	v34 =	vld [tilespmem:s22+$0x0];
	(erf) = vpow2.f32 v33;
	v33 =	vshll.u32 v26, $0x10  }
0x112: {  	v28 =	vand.u32 $0xFFFF0000, v28;
	(erf) = vpow2.f32 v32;
	v32 =	vshll.u32 v29, $0x10  }
0x113: {  	v25 =	vmul.f32 $1.442695020e+00, v25;
	v19 =	vmul.f32 v28, v19;
	v24 =	vand.u32 $0xFFFF0000, v24;
	v37 =	vld [tilespmem:s9+$0xFFFFFFD0];
	[tilespmem:s11+$0x60] =	vst v30  }
0x114: {  	v21 =	vmul.f32 v38, v21;
	v38 =	vperm.xlane v8, v4;
	v8 =	vmovc v6;
	v28 =	vld [tilespmem:s22+$0x10];
	v30 =	vand.u32 $0xFFFF0000, v23  }
0x115: {  	(erf) = vpow2.f32 v25;
	v25 =	vand.u32 $0xFFFF0000, v26;
	[tilespmem:s11+$0x70] =	vst v19;
	v19 =	vmul.f32 v27, v14;
	v14 =	vmovc v31  }
0x116: {  	v22 =	vmul.f32 v24, v22;
	v24 =	vperm.xlane v11, v4;
	v27 =	vand.u32 $0xFFFF0000, v29;
	v26 =	vld [tilespmem:s9+$0xFFFFFFA0];
	v6 =	vpop (erf)  }
0x117: {  	v31 =	vmul.f32 v32, v7;
	v7 =	vmov v5;
	v29 =	vld [tilespmem:s22+$0xFFFFFFF0];
	[tilespmem:s13+$0x30] =	vst v19;
	v5 =	vperm.xlane v6, v3  }
0x118: {  	v18 =	vmul.f32 v25, v18;
	v32 =	vperm.xlane v6, v1;
	[tilespmem:s11+$0xFFFFFFD0] =	vst v22;
	v22 =	vld [tilespmem:s8+$0x50]  }
0x119: {  	v35 =	vadd.f32 v34, v35;
	v25 =	vperm.xlane v11, v3;
	v27 =	vmul.f32 v27, v38;
	[tilespmem:s13+$0xFFFFFF90] =	vst v31  }
0x11a: {  	v23 =	vshll.u32 v23, $0x10;
	v38 =	vperm.xlane v6, v2;
	v31 =	vmul.f32 v33, v17;
	v34 =	vld [tilespmem:s9+$0x30];
	v11 =	vpop (erf);
	[tilespmem:s11+$0x20] =	vst v18  }
0x11b: {  	v26 =	vadd.f32 v36, v26;
	v19 =	vperm.xlane v11, v2;
	v17 =	vpop (erf);
	[tilespmem:s13+$0xFFFFFFA0] =	vst v27;
	v27 =	vmul.f32 v20, v10  }
0x11c: {  	v29 =	vadd.f32 v29, v37;
	v18 =	vperm.xlane v17, v2;
	v33 =	vperm.xlane v17, v4;
	[tilespmem:s11+$0x10] =	vst v31  }
0x11d: {  	v23 =	vmul.f32 v23, v12;
	v12 =	vmovc v32;
	v10 =	vmovc v9;
	v31 =	vmul.f32 $2.000000030e-01, v26;
	[tilespmem:s11+$0xFFFFFFC0] =	vst v21;
	v20 =	vld [tilespmem:s8+$0x20];
	v36 =	vand.u32 $0xFFFF0000, v22  }
0x11e: {  	v32 =	vmul.f32 v30, v15;
	v22 =	vshll.u32 v22, $0x10;
	v9 =	vmul.f32 $2.000000030e-01, v29;
	v21 =	vpop (erf);
	v37 =	vld [tilespmem:s8+$0xFFFFFFF0];
	[tilespmem:s13+$0x40] =	vst v27;
	s13 =	smov.u32 s11;
	s11 =	smov.u32 s12  }
0x11f: {  	v26 =	vmax.f32 v26, v31;
	v39 =	vperm.xlane v21, v3;
	[tilespmem:s12+$0x50] =	vst v11;
	v31 =	vmul.f32 v22, v25  }
0x120: {  	v40 =	vmul.f32 $2.000000030e-01, v35;
	v15 =	vmovc v38;
	v36 =	vmul.f32 v36, v24;
	v34 =	vadd.f32 v28, v34;
	[tilespmem:s12+$0x0] =	vst v17  }
.Ltmp2:
0x121: {  	v30 =	vperm.xlane v11, v1;
	v22 =	vperm.xlane v21, v2;
	v25 =	vmax.f32 v29, v9;
	[tilespmem:s12+$0xFFFFFFB0] =	vst v21;
	v28 =	vld [tilespmem:s14+$0x40];
	(pc) =	sbr.rel @p0 .LBB2_7-.Ltmp2, $4  }
0x122: {  	v29 =	vmul.f32 $2.000000030e-01, v34;
	[tilespmem:s13+$0xFFFFFF70] =	vst v23;
	v9 =	vmov v33  }
0x123: {  	v38 =	vmul.f32 $1.442695020e+00, v26;
	s12 =	sadd.s32 $0x140, s12;
	v27 =	vshll.u32 v20, $0x10;
	[tilespmem:s11+$0xFFFFFF60] =	vst v6;
	v24 =	vld [tilespmem:s14+$0xFFFFFFE0];
	v41 =	vshll.u32 v37, $0x10  }
0x124: {  	v23 =	vperm.xlane v21, v4;
	v33 =	vmax.f32 v34, v29;
	v34 =	vand.u32 $0xFFFF0000, v37;
	v26 =	vld [tilespmem:s14+$0x10];
	[tilespmem:s13+$0xFFFFFF80] =	vst v32  }
0x125: {  	s22 =	sadd.s32 $0x40, s22;
	s9 =	sadd.s32 $0xC0, s9;
	v32 =	vmax.f32 v35, v40;
	v35 =	vmul.f32 v41, v13;
	v13 =	vmovc v39;
	(erf) = vpow2.f32 v38;
	v29 =	vld [tilespmem:s8+$0xFFFFFFC0];
	[tilespmem:s13+$0x90] =	vst v36;
	s8 =	smov.u32 s14  }
0x126: {  	v33 =	vmul.f32 $1.442695020e+00, v33  }
0x127: {  	v36 =	vshll.u32 v28, $0x10;
	v16 =	vmul.f32 v34, v16;
	[tilespmem:s13+$0x80] =	vst v31;
	v31 =	vmul.f32 $1.442695020e+00, v32  }
0x128: {  	v28 =	vand.u32 $0xFFFF0000, v28;
	v14 =	vmul.f32 v27, v14;
	v8 =	vperm.xlane v8, v4;
	[tilespmem:s13+$0xFFFFFFE0] =	vst v35  }
0x129: {  	v30 =	vmul.f32 v36, v30;
	[tilespmem:s13+$0xFFFFFFF0] =	vst v16;
	v16 =	vmul.f32 v28, v19  }
0x12a: {  	(erf) = vpow2.f32 v33;
	v19 =	vmul.f32 $1.442695020e+00, v25;
	v25 =	vand.u32 $0xFFFF0000, v24;
	[tilespmem:s13+$0x30] =	vst v14  }
0x12b: {  	(erf) = vpow2.f32 v31;
	v27 =	vshll.u32 v29, $0x10;
	[tilespmem:s11+$0x70] =	vst v16;
	v16 =	vmul.f32 v25, v22  }
0x12c: {  	[tilespmem:s11+$0x60] =	vst v30;
	(erf) = vpow2.f32 v19;
	v19 =	vand.u32 $0xFFFF0000, v26;
	v7 =	vmul.f32 v27, v7  }
0x12d: {  	v14 =	vperm.xlane v17, v1;
	v22 =	vand.u32 $0xFFFF0000, v29;
	[tilespmem:s11+$0xFFFFFFD0] =	vst v16;
	v16 =	vmul.f32 v19, v18  }
0x12e: {  	v18 =	vperm.xlane v21, v1;
	v19 =	vshll.u32 v26, $0x10;
	[tilespmem:s13+$0xFFFFFF90] =	vst v7;
	v7 =	vmul.f32 v22, v8  }
0x12f: {  	v21 =	vshll.u32 v24, $0x10;
	v14 =	vmul.f32 v19, v14;
	[tilespmem:s11+$0x20] =	vst v16  }
0x130: {  	v8 =	vld [tilespmem:s8+$0xFFFFFFB0];
	v18 =	vmul.f32 v21, v18;
	[tilespmem:s13+$0xFFFFFFA0] =	vst v7  }
0x131: {  	v16 =	vand.u32 $0xFFFF0000, v20;
	[tilespmem:s11+$0x10] =	vst v14  }
0x132: {  	v7 =	vmul.f32 v16, v10;
	v10 =	vpop (erf);
	v14 =	vld [tilespmem:s8+$0x50];
	[tilespmem:s11+$0xFFFFFFC0] =	vst v18  }
0x133: {  	[tilespmem:s12+$0xFFFFFF60] =	vst v10  }
0x134: {  	v16 =	vpop (erf);
	[tilespmem:s13+$0x40] =	vst v7;
	v19 =	vld [tilespmem:s8+$0xFFFFFFF0]  }
0x135: {  	v7 =	vshll.u32 v8, $0x10;
	v18 =	vpop (erf);
	[tilespmem:s12+$0x50] =	vst v16  }
0x136: {  	v20 =	vperm.xlane v11, v4;
	v8 =	vand.u32 $0xFFFF0000, v8;
	v7 =	vmul.f32 v7, v12;
	v12 =	vpop (erf);
	[tilespmem:s12+$0x0] =	vst v18;
	v21 =	vld [tilespmem:s10+$0x40]  }
0x137: {  	v11 =	vperm.xlane v11, v3;
	v8 =	vmul.f32 v8, v15;
	[tilespmem:s12+$0xFFFFFFB0] =	vst v12;
	v22 =	vand.u32 $0xFFFF0000, v14  }
0x138: {  	v14 =	vshll.u32 v14, $0x10;
	[tilespmem:s11+$0xFFFFFF70] =	vst v7;
	v7 =	vld [tilespmem:s8+$0x20];
	v15 =	vmul.f32 v22, v20  }
0x139: {  	v11 =	vmul.f32 v14, v11;
	v14 =	vld [tilespmem:s10+$0xFFFFFFE0];
	[tilespmem:s11+$0xFFFFFF80] =	vst v8;
	v20 =	vshll.u32 v19, $0x10  }
0x13a: {  	v8 =	vperm.xlane v16, v1;
	v22 =	vld [tilespmem:s10+$0x10];
	v19 =	vand.u32 $0xFFFF0000, v19;
	v13 =	vmul.f32 v20, v13;
	[tilespmem:s11+$0x90] =	vst v15  }
0x13b: {  	v15 =	vperm.xlane v16, v2;
	v19 =	vmul.f32 v19, v23;
	[tilespmem:s11+$0x80] =	vst v11;
	v20 =	vshll.u32 v21, $0x10  }
0x13c: {  	v11 =	vperm.xlane v17, v3;
	[tilespmem:s11+$0xFFFFFFE0] =	vst v13;
	v8 =	vmul.f32 v20, v8;
	v13 =	vand.u32 $0xFFFF0000, v21  }
0x13d: {  	v17 =	vperm.xlane v12, v2;
	v21 =	vld [tilespmem:s10+$0xFFFFFFB0];
	[tilespmem:s11+$0xFFFFFFF0] =	vst v19;
	v20 =	vshll.u32 v7, $0x10;
	v13 =	vmul.f32 v13, v15  }
0x13e: {  	v15 =	vperm.xlane v18, v2;
	v19 =	vand.u32 $0xFFFF0000, v14;
	[tilespmem:s12+$0x60] =	vst v8;
	v8 =	vmul.f32 v20, v11  }
0x13f: {  	v23 =	vand.u32 $0xFFFF0000, v22;
	v11 =	vld [tilespmem:s8+$0xFFFFFFC0];
	v20 =	vperm.xlane v12, v1;
	[tilespmem:s12+$0x70] =	vst v13;
	v13 =	vmul.f32 v19, v17  }
0x140: {  	v14 =	vshll.u32 v14, $0x10;
	v17 =	vperm.xlane v18, v1;
	[tilespmem:s11+$0x30] =	vst v8;
	v8 =	vmul.f32 v23, v15  }
0x141: {  	v19 =	vshll.u32 v22, $0x10;
	v15 =	vperm.xlane v10, v1;
	v14 =	vmul.f32 v14, v20;
	[tilespmem:s12+$0xFFFFFFD0] =	vst v13  }
0x142: {  	v20 =	vld [tilespmem:s10+$0x50];
	v13 =	vperm.xlane v10, v2;
	v22 =	vshll.u32 v21, $0x10;
	v17 =	vmul.f32 v19, v17;
	[tilespmem:s12+$0x20] =	vst v8  }
0x143: {  	v8 =	vand.u32 $0xFFFF0000, v21;
	v15 =	vmul.f32 v22, v15;
	[tilespmem:s12+$0xFFFFFFC0] =	vst v14  }
0x144: {  	v6 =	vperm.xlane v6, v4;
	v14 =	vshll.u32 v11, $0x10;
	[tilespmem:s12+$0x10] =	vst v17;
	v8 =	vmul.f32 v8, v13;
	v13 =	vld [tilespmem:s10+$0xFFFFFFF0]  }
0x145: {  	v11 =	vand.u32 $0xFFFF0000, v11;
	v5 =	vmul.f32 v14, v5;
	[tilespmem:s12+$0xFFFFFF70] =	vst v15  }
0x146: {  	v7 =	vand.u32 $0xFFFF0000, v7;
	v14 =	vperm.xlane v16, v4;
	v6 =	vmul.f32 v11, v6;
	v11 =	vld [tilespmem:s10+$0x20];
	[tilespmem:s12+$0xFFFFFF80] =	vst v8  }
0x147: {  	v8 =	vperm.xlane v16, v3;
	[tilespmem:s11+$0xFFFFFF90] =	vst v5;
	v5 =	vmul.f32 v7, v9;
	v7 =	vand.u32 $0xFFFF0000, v20;
	v9 =	vld [tilespmem:s10+$0xFFFFFFC0]  }
0x148: {  	v15 =	vperm.xlane v12, v3;
	[tilespmem:s11+$0xFFFFFFA0] =	vst v6;
	v6 =	vshll.u32 v20, $0x10;
	v7 =	vmul.f32 v7, v14  }
0x149: {  	v12 =	vperm.xlane v12, v4;
	[tilespmem:s11+$0x40] =	vst v5;
	v5 =	vmul.f32 v6, v8;
	v6 =	vshll.u32 v13, $0x10  }
0x14a: {  	v8 =	vperm.xlane v18, v3;
	v13 =	vand.u32 $0xFFFF0000, v13;
	v6 =	vmul.f32 v6, v15;
	[tilespmem:s12+$0x90] =	vst v7  }
0x14b: {  	v7 =	vperm.xlane v10, v3;
	v14 =	vshll.u32 v11, $0x10;
	v12 =	vmul.f32 v13, v12;
	[tilespmem:s12+$0x80] =	vst v5  }
0x14c: {  	v8 =	vmul.f32 v14, v8;
	[tilespmem:s12+$0xFFFFFFE0] =	vst v6;
	v5 =	vshll.u32 v9, $0x10;
	v6 =	vperm.xlane v10, v4  }
0x14d: {  	v10 =	vperm.xlane v18, v4;
	[tilespmem:s12+$0xFFFFFFF0] =	vst v12;
	v9 =	vand.u32 $0xFFFF0000, v9;
	v5 =	vmul.f32 v5, v7  }
0x14e: {  	v7 =	vand.u32 $0xFFFF0000, v11;
	[tilespmem:s12+$0x30] =	vst v8;
	v6 =	vmul.f32 v9, v6  }
0x14f: {  	[tilespmem:s12+$0xFFFFFF90] =	vst v5;
	v5 =	vmul.f32 v7, v10  }
0x150: {  	[tilespmem:s12+$0xFFFFFFA0] =	vst v6  }
0x151: {  	s7 =	sadd.s32 $0x2A80, s7;
	[tilespmem:s12+$0x40] =	vst v5  }
0x152: {  	[spmem:s1] =	stream.indirect.scatter.add.f32 [tilespmem:s30], [sflag:$0x5], $0x50, s7, s18, $0xb8;
	[tilespmem:$0x1CC00] =	vst v63  }
0x153: {  	s12 =	sadd.s32 $0x200, s6  }
0x154: {  	[tilespmem:s21], [sflag:$0x2] =	stream.indirect.gather [hbm4b:s4+s18], $0x30, s12, s18, $0xb8;
	[tilespmem:$0x1CC00] =	vst v63  }
0x155: {  	s13 =	sadd.s32 $0x2C00, s6  }
0x156: {  	[tilespmem:s23], [sflag:$0x2] =	stream.indirect.gather [hbm4b:s5+s18], $0x10, s13, s18, $0xb8;
	[tilespmem:$0x1CC00] =	vst v63  }
0x157: {  	_ =	swait.ge [sflag:s31], $0x1800  }
0x158: {  	[sflag:s31] =	ssyncset.done $0x0  }
0x159: {  	[sflag:s31] =	ssyncadd.s32 $0xFFFFE800  }
0x15a: {  	_ =	swait.ge [sflag:s31], $0x800  }
0x15b: {  	[sflag:s31] =	ssyncset.done $0x0  }
0x15c: {  	[sflag:s31] =	ssyncadd.s32 $0xFFFFF800  }
0x15d: {  	_ =	swait.ge [sflag:s0], $0x2800  }
0x15e: {  	[sflag:s0] =	ssyncset.done $0x0  }
0x15f: {  	s14 =	simm.s32 $0xAC20;
	[sflag:s0] =	ssyncadd.s32 $0xFFFFD800  }
0x160: {  	s12 =	simm.s32 $0x8460;
	v5 =	vld [tilespmem:s14+$0xFFFFFFE0]  }
0x161: {  	v6 =	vld [tilespmem:s12+$0x0]  }
0x162: {  	v7 =	vld [tilespmem:s14+$0x0]  }
0x163: {  	v8 =	vld [tilespmem:s12+$0xFFFFFFA0]  }
0x164: {  	v9 =	vld [tilespmem:s14+$0x10]  }
0x165: {  	v10 =	vld [tilespmem:s12+$0x30]  }
0x166: {  	v11 =	vld [tilespmem:s12+$0xFFFFFFD0]  }
0x167: {  	v12 =	vld [tilespmem:s14+$0xFFFFFFF0];
	_ =	sdelay $0x1  }
0x168: {  	v5 =	vadd.f32 v5, v8  }
0x169: {  	v6 =	vadd.f32 v7, v6  }
0x16a: {  	v9 =	vadd.f32 v9, v10;
	v8 =	vmul.f32 $2.000000030e-01, v5  }
0x16b: {  	s6 =	simm.s32 $0x8520;
	v7 =	vadd.f32 v12, v11;
	v10 =	vmul.f32 $2.000000030e-01, v6  }
0x16c: {  	s22 =	simm.s32 $0xAC60;
	v13 =	vld [tilespmem:s6+$0x30];
	v5 =	vmax.f32 v5, v8;
	v8 =	vmul.f32 $2.000000030e-01, v9  }
0x16d: {  	v11 =	vmul.f32 $2.000000030e-01, v7;
	v6 =	vmax.f32 v6, v10;
	v10 =	vld [tilespmem:s22+$0x0];
	v5 =	vmul.f32 $1.442695020e+00, v5  }
0x16e: {  	v8 =	vmax.f32 v9, v8;
	v9 =	vld [tilespmem:s6+$0x0]  }
0x16f: {  	v7 =	vmax.f32 v7, v11;
	v11 =	vld [tilespmem:s6+$0xFFFFFFA0];
	(erf) = vpow2.f32 v5;
	v8 =	vmul.f32 $1.442695020e+00, v8  }
0x170: {  	v5 =	vld [tilespmem:s22+$0xFFFFFFE0]  }
0x171: {  	v12 =	vld [tilespmem:s22+$0x10];
	v6 =	vmul.f32 $1.442695020e+00, v6;
	(erf) = vpow2.f32 v8  }
0x172: {  	v14 =	vld [tilespmem:s22+$0xFFFFFFF0]  }
0x173: {  	v7 =	vmul.f32 $1.442695020e+00, v7;
	(erf) = vpow2.f32 v6;
	v6 =	vld [tilespmem:s6+$0xFFFFFFD0];
	v9 =	vadd.f32 v10, v9;
	_ =	sdelay $0x1  }
0x174: {  	(erf) = vpow2.f32 v7;
	v5 =	vadd.f32 v5, v11;
	v16 =	vmul.f32 $2.000000030e-01, v9  }
0x175: {  	v11 =	vadd.f32 v12, v13  }
0x176: {  	v10 =	vmul.f32 $2.000000030e-01, v5;
	v9 =	vmax.f32 v9, v16  }
0x177: {  	v6 =	vadd.f32 v14, v6;
	v14 =	vmul.f32 $2.000000030e-01, v11;
	v8 =	vpop (erf);
	v9 =	vmul.f32 $1.442695020e+00, v9  }
0x178: {  	v5 =	vmax.f32 v5, v10;
	v7 =	vperm.xlane v8, v3;
	v21 =	vperm.xlane v8, v1  }
0x179: {  	v13 =	vperm.xlane v8, v2;
	v5 =	vmul.f32 $1.442695020e+00, v5;
	v15 =	vpop (erf)  }
0x17a: {  	s11 =	simm.s32 $0xB4A0;
	v20 =	vmul.f32 $2.000000030e-01, v6;
	v11 =	vmax.f32 v11, v14;
	v12 =	vperm.xlane v15, v2  }
0x17b: {  	v17 =	vpop (erf);
	[tilespmem:s11+$0x50] =	vst v15;
	(erf) = vpow2.f32 v5;
	v5 =	vmul.f32 $1.442695020e+00, v11  }
0x17c: {  	s25 =	simm.s32 $0xACA0;
	v18 =	vperm.xlane v17, v2;
	v10 =	vperm.xlane v17, v4;
	v22 =	vld [tilespmem:s12+$0x40]  }
0x17d: {  	v27 =	vld [tilespmem:s25+$0x0];
	v19 =	vpop (erf);
	[tilespmem:s11+$0x0] =	vst v17;
	v14 =	vperm.xlane v17, v3;
	v17 =	vperm.xlane v17, v1  }
0x17e: {  	[tilespmem:s11+$0xFFFFFFB0] =	vst v19;
	v59 =	vperm.xlane v19, v3;
	v11 =	vld [tilespmem:s12+$0x10];
	v24 =	vperm.xlane v19, v2  }
0x17f: {  	s7 =	simm.s32 $0x85E0;
	(erf) = vpow2.f32 v5;
	v5 =	vmax.f32 v6, v20;
	v6 =	vperm.xlane v15, v1;
	v23 =	vld [tilespmem:s12+$0xFFFFFFE0]  }
0x180: {  	[tilespmem:s11+$0xFFFFFF60] =	vst v8;
	(erf) = vpow2.f32 v9;
	v9 =	vld [tilespmem:s7+$0x0];
	v5 =	vmul.f32 $1.442695020e+00, v5  }
0x181: {  	v20 =	vld [tilespmem:s12+$0xFFFFFFB0];
	v16 =	vperm.xlane v19, v4;
	v19 =	vperm.xlane v19, v1;
	v26 =	vshll.u32 v22, $0x10  }
0x182: {  	v25 =	vld [tilespmem:s25+$0xFFFFFFE0];
	(erf) = vpow2.f32 v5;
	v22 =	vand.u32 $0xFFFF0000, v22;
	v6 =	vmul.f32 v26, v6  }
0x183: {  	v30 =	vld [tilespmem:s25+$0xFFFFFFF0];
	v12 =	vmul.f32 v22, v12;
	v28 =	vshll.u32 v11, $0x10;
	v11 =	vand.u32 $0xFFFF0000, v11  }
0x184: {  	v26 =	vld [tilespmem:s7+$0xFFFFFFD0];
	v5 =	vshll.u32 v23, $0x10;
	v23 =	vand.u32 $0xFFFF0000, v23;
	v18 =	vmul.f32 v11, v18  }
0x185: {  	v22 =	vld [tilespmem:s7+$0xFFFFFFA0];
	v61 =	vadd.f32 v27, v9;
	v9 =	vmul.f32 v28, v17;
	v27 =	vperm.xlane v15, v3  }
0x186: {  	v60 =	vld [tilespmem:s25+$0x10];
	[tilespmem:s11+$0x60] =	vst v6;
	v29 =	vmul.f32 v5, v19;
	v19 =	vmul.f32 v23, v24;
	v24 =	vand.u32 $0xFFFF0000, v20  }
0x187: {  	v28 =	vld [tilespmem:s7+$0x30];
	[tilespmem:s11+$0x70] =	vst v12;
	v23 =	vperm.xlane v15, v4;
	v37 =	vmul.f32 v24, v13;
	v6 =	vpop (erf)  }
0x188: {  	v31 =	vld [tilespmem:s12+$0x50];
	[tilespmem:s11+$0x20] =	vst v18;
	v38 =	vmul.f32 $2.000000030e-01, v61;
	v5 =	vperm.xlane v6, v3  }
0x189: {  	[tilespmem:s11+$0x10] =	vst v9;
	v12 =	vperm.xlane v6, v1;
	v15 =	vperm.xlane v6, v2  }
0x18a: {  	[tilespmem:s11+$0xFFFFFFD0] =	vst v19;
	v11 =	vpop (erf);
	v22 =	vadd.f32 v25, v22;
	v25 =	vadd.f32 v30, v26;
	v26 =	vshll.u32 v20, $0x10  }
0x18b: {  	[tilespmem:s11+$0xFFFFFFC0] =	vst v29;
	v20 =	vld [tilespmem:s12+$0x20];
	v17 =	vpop (erf);
	v19 =	vperm.xlane v11, v2;
	v26 =	vmul.f32 v26, v21  }
0x18c: {  	s8 =	simm.s32 $0xB5E0;
	v63 =	vld [tilespmem:s12+$0xFFFFFFF0];
	v32 =	vadd.f32 v60, v28;
	v18 =	vperm.xlane v17, v2;
	v9 =	vperm.xlane v17, v4  }
0x18d: {  	[tilespmem:s8+$0xFFFFFF60] =	vst v6;
	v30 =	vmul.f32 $2.000000030e-01, v22;
	v62 =	vmul.f32 $2.000000030e-01, v25;
	v21 =	vpop (erf);
	v24 =	vshll.u32 v31, $0x10  }
0x18e: {  	[tilespmem:s8+$0x50] =	vst v11;
	v29 =	vand.u32 $0xFFFF0000, v31;
	v13 =	vperm.xlane v21, v3;
	v31 =	vmul.f32 v24, v27  }
0x18f: {  	[tilespmem:s11+$0xFFFFFF80] =	vst v37;
	v28 =	vld [tilespmem:s6+$0x40];
	v24 =	vmax.f32 v22, v30;
	v39 =	vmul.f32 v29, v23;
	v22 =	vperm.xlane v21, v2  }
0x190: {  	[tilespmem:s8+$0xFFFFFFB0] =	vst v21;
	v25 =	vmax.f32 v25, v62;
	v30 =	vperm.xlane v11, v1;
	v23 =	vmul.f32 $2.000000030e-01, v32  }
0x191: {  	[tilespmem:s8+$0x0] =	vst v17;
	v29 =	vmul.f32 $1.442695020e+00, v24;
	v24 =	vld [tilespmem:s6+$0xFFFFFFE0];
	v40 =	vshll.u32 v63, $0x10;
	v27 =	vshll.u32 v20, $0x10  }
0x192: {  	s9 =	simm.s32 $0x86A0;
	[tilespmem:s11+$0xFFFFFF70] =	vst v26;
	v26 =	vld [tilespmem:s6+$0x10];
	v34 =	vand.u32 $0xFFFF0000, v63;
	v33 =	vmax.f32 v32, v23;
	v23 =	vperm.xlane v21, v4  }
0x193: {  	s10 =	simm.s32 $0xB720;
	s13 =	simm.s32 $0x8;
	s14 =	simm.s32 $0xACE0;
	v32 =	vmax.f32 v61, v38;
	v35 =	vmul.f32 v40, v59;
	[tilespmem:s11+$0x90] =	vst v39;
	(erf) = vpow2.f32 v29;
	v29 =	vld [tilespmem:s12+$0xFFFFFFC0]  }
.LBB2_9:
0x194: {  	v36 =	vld [tilespmem:s14+$0xFFFFFFE0];
	s13 =	sadd.s32 $0x4, s13;
	v33 =	vmul.f32 $1.442695020e+00, v33;
	v37 =	vshll.u32 v28, $0x10;
	v34 =	vmul.f32 v34, v16;
	[tilespmem:s11+$0x80] =	vst v31;
	v16 =	vmovc v23;
	s12 =	smov.u32 s7;
	s7 =	smov.u32 s9  }
0x195: {  	v21 =	vperm.xlane v21, v1;
	v31 =	vperm.xlane v17, v3;
	v20 =	vand.u32 $0xFFFF0000, v20;
	p0 =	slt.u32 s13, $0x7C;
	v23 =	vld [tilespmem:s6+$0xFFFFFFB0];
	[tilespmem:s11+$0xFFFFFFE0] =	vst v35  }
0x196: {  	v32 =	vmul.f32 $1.442695020e+00, v32;
	v17 =	vperm.xlane v17, v1;
	v35 =	vld [tilespmem:s9+$0x0];
	v38 =	vshll.u32 v24, $0x10;
	[tilespmem:s11+$0xFFFFFFF0] =	vst v34  }
0x197: {  	v30 =	vmul.f32 v37, v30;
	v34 =	vld [tilespmem:s14+$0x0];
	(erf) = vpow2.f32 v33;
	v33 =	vshll.u32 v26, $0x10  }
0x198: {  	v28 =	vand.u32 $0xFFFF0000, v28;
	(erf) = vpow2.f32 v32;
	v32 =	vshll.u32 v29, $0x10  }
0x199: {  	v25 =	vmul.f32 $1.442695020e+00, v25;
	v19 =	vmul.f32 v28, v19;
	v24 =	vand.u32 $0xFFFF0000, v24;
	v37 =	vld [tilespmem:s9+$0xFFFFFFD0];
	[tilespmem:s8+$0x60] =	vst v30  }
0x19a: {  	v21 =	vmul.f32 v38, v21;
	v38 =	vperm.xlane v8, v4;
	v8 =	vmovc v6;
	v28 =	vld [tilespmem:s14+$0x10];
	v30 =	vand.u32 $0xFFFF0000, v23  }
0x19b: {  	(erf) = vpow2.f32 v25;
	v25 =	vand.u32 $0xFFFF0000, v26;
	[tilespmem:s8+$0x70] =	vst v19;
	v19 =	vmul.f32 v27, v14;
	v14 =	vmovc v31  }
0x19c: {  	v22 =	vmul.f32 v24, v22;
	v24 =	vperm.xlane v11, v4;
	v27 =	vand.u32 $0xFFFF0000, v29;
	v26 =	vld [tilespmem:s9+$0xFFFFFFA0];
	v6 =	vpop (erf)  }
0x19d: {  	v31 =	vmul.f32 v32, v7;
	v7 =	vmov v5;
	v29 =	vld [tilespmem:s14+$0xFFFFFFF0];
	[tilespmem:s11+$0x30] =	vst v19;
	v5 =	vperm.xlane v6, v3  }
0x19e: {  	v18 =	vmul.f32 v25, v18;
	v32 =	vperm.xlane v6, v1;
	[tilespmem:s8+$0xFFFFFFD0] =	vst v22;
	v22 =	vld [tilespmem:s6+$0x50]  }
0x19f: {  	v35 =	vadd.f32 v34, v35;
	v25 =	vperm.xlane v11, v3;
	v27 =	vmul.f32 v27, v38;
	[tilespmem:s11+$0xFFFFFF90] =	vst v31  }
0x1a0: {  	v23 =	vshll.u32 v23, $0x10;
	v38 =	vperm.xlane v6, v2;
	v31 =	vmul.f32 v33, v17;
	v34 =	vld [tilespmem:s9+$0x30];
	v11 =	vpop (erf);
	[tilespmem:s8+$0x20] =	vst v18  }
0x1a1: {  	v26 =	vadd.f32 v36, v26;
	v19 =	vperm.xlane v11, v2;
	v17 =	vpop (erf);
	[tilespmem:s11+$0xFFFFFFA0] =	vst v27;
	v27 =	vmul.f32 v20, v10  }
0x1a2: {  	v29 =	vadd.f32 v29, v37;
	v18 =	vperm.xlane v17, v2;
	v33 =	vperm.xlane v17, v4;
	[tilespmem:s8+$0x10] =	vst v31  }
0x1a3: {  	v23 =	vmul.f32 v23, v12;
	v12 =	vmovc v32;
	v10 =	vmovc v9;
	v31 =	vmul.f32 $2.000000030e-01, v26;
	[tilespmem:s8+$0xFFFFFFC0] =	vst v21;
	v20 =	vld [tilespmem:s6+$0x20];
	v36 =	vand.u32 $0xFFFF0000, v22  }
0x1a4: {  	v32 =	vmul.f32 v30, v15;
	v22 =	vshll.u32 v22, $0x10;
	v9 =	vmul.f32 $2.000000030e-01, v29;
	v21 =	vpop (erf);
	v37 =	vld [tilespmem:s6+$0xFFFFFFF0];
	[tilespmem:s11+$0x40] =	vst v27;
	s11 =	smov.u32 s8;
	s8 =	smov.u32 s10  }
0x1a5: {  	v26 =	vmax.f32 v26, v31;
	v39 =	vperm.xlane v21, v3;
	[tilespmem:s10+$0x50] =	vst v11;
	v31 =	vmul.f32 v22, v25  }
0x1a6: {  	v40 =	vmul.f32 $2.000000030e-01, v35;
	v15 =	vmovc v38;
	v36 =	vmul.f32 v36, v24;
	v34 =	vadd.f32 v28, v34;
	[tilespmem:s10+$0x0] =	vst v17  }
.Ltmp3:
0x1a7: {  	v30 =	vperm.xlane v11, v1;
	v22 =	vperm.xlane v21, v2;
	v25 =	vmax.f32 v29, v9;
	[tilespmem:s10+$0xFFFFFFB0] =	vst v21;
	v28 =	vld [tilespmem:s12+$0x40];
	(pc) =	sbr.rel @p0 .LBB2_9-.Ltmp3, $4  }
0x1a8: {  	v29 =	vmul.f32 $2.000000030e-01, v34;
	[tilespmem:s11+$0xFFFFFF70] =	vst v23;
	v9 =	vmov v33  }
0x1a9: {  	v38 =	vmul.f32 $1.442695020e+00, v26;
	s10 =	sadd.s32 $0x140, s10;
	v27 =	vshll.u32 v20, $0x10;
	[tilespmem:s8+$0xFFFFFF60] =	vst v6;
	v24 =	vld [tilespmem:s12+$0xFFFFFFE0];
	v41 =	vshll.u32 v37, $0x10  }
0x1aa: {  	v23 =	vperm.xlane v21, v4;
	v33 =	vmax.f32 v34, v29;
	v34 =	vand.u32 $0xFFFF0000, v37;
	v26 =	vld [tilespmem:s12+$0x10];
	[tilespmem:s11+$0xFFFFFF80] =	vst v32  }
0x1ab: {  	s14 =	sadd.s32 $0x40, s14;
	s9 =	sadd.s32 $0xC0, s9;
	v32 =	vmax.f32 v35, v40;
	v35 =	vmul.f32 v41, v13;
	v13 =	vmovc v39;
	(erf) = vpow2.f32 v38;
	v29 =	vld [tilespmem:s6+$0xFFFFFFC0];
	[tilespmem:s11+$0x90] =	vst v36;
	s6 =	smov.u32 s12  }
0x1ac: {  	v33 =	vmul.f32 $1.442695020e+00, v33;
	v16 =	vmul.f32 v34, v16;
	[tilespmem:s11+$0x80] =	vst v31  }
0x1ad: {  	v36 =	vshll.u32 v28, $0x10;
	v43 =	vmul.f32 $1.442695020e+00, v32;
	v14 =	vmul.f32 v27, v14;
	[tilespmem:s11+$0xFFFFFFE0] =	vst v35  }
0x1ae: {  	v44 =	vand.u32 $0xFFFF0000, v28;
	v46 =	vmul.f32 $1.442695020e+00, v25;
	v30 =	vmul.f32 v36, v30;
	[tilespmem:s11+$0xFFFFFFF0] =	vst v16  }
0x1af: {  	v8 =	vperm.xlane v8, v4;
	v45 =	vmul.f32 v44, v19;
	v47 =	vand.u32 $0xFFFF0000, v24;
	[tilespmem:s11+$0x30] =	vst v14  }
0x1b0: {  	v51 =	vperm.xlane v17, v1;
	[tilespmem:s8+$0x60] =	vst v30;
	v49 =	vmul.f32 v47, v22;
	v50 =	vand.u32 $0xFFFF0000, v26  }
0x1b1: {  	v56 =	vld [tilespmem:s6+$0xFFFFFFB0];
	(erf) = vpow2.f32 v33;
	[tilespmem:s8+$0x70] =	vst v45;
	v55 =	vshll.u32 v26, $0x10;
	v53 =	vmul.f32 v50, v18  }
0x1b2: {  	v54 =	vperm.xlane v21, v1;
	v48 =	vshll.u32 v29, $0x10;
	v14 =	vmul.f32 v55, v51;
	[tilespmem:s8+$0xFFFFFFD0] =	vst v49  }
0x1b3: {  	v57 =	vshll.u32 v24, $0x10;
	(erf) = vpow2.f32 v43;
	v7 =	vmul.f32 v48, v7;
	[tilespmem:s8+$0x20] =	vst v53  }
0x1b4: {  	(erf) = vpow2.f32 v46;
	v52 =	vand.u32 $0xFFFF0000, v29;
	v18 =	vmul.f32 v57, v54;
	v59 =	vld [tilespmem:s6+$0x50];
	[tilespmem:s8+$0x10] =	vst v14  }
0x1b5: {  	[tilespmem:s11+$0xFFFFFF90] =	vst v7;
	v7 =	vmul.f32 v52, v8  }
0x1b6: {  	v58 =	vand.u32 $0xFFFF0000, v20;
	[tilespmem:s8+$0xFFFFFFC0] =	vst v18;
	v8 =	vand.u32 $0xFFFF0000, v56  }
0x1b7: {  	v8 =	vmul.f32 v8, v15;
	[tilespmem:s11+$0xFFFFFFA0] =	vst v7;
	v7 =	vmul.f32 v58, v10;
	v10 =	vpop (erf)  }
0x1b8: {  	v63 =	vperm.xlane v11, v4;
	[tilespmem:s10+$0xFFFFFF60] =	vst v10  }
0x1b9: {  	v61 =	vld [tilespmem:s6+$0xFFFFFFF0];
	v26 =	vand.u32 $0xFFFF0000, v59;
	[tilespmem:s8+$0xFFFFFF80] =	vst v8  }
0x1ba: {  	v27 =	vmul.f32 v26, v63;
	v60 =	vpop (erf);
	[tilespmem:s11+$0x40] =	vst v7  }
0x1bb: {  	v25 =	vperm.xlane v11, v3;
	v38 =	vld [tilespmem:s7+$0xFFFFFFB0];
	[tilespmem:s10+$0x50] =	vst v60  }
0x1bc: {  	v14 =	vshll.u32 v59, $0x10;
	v18 =	vpop (erf);
	[tilespmem:s8+$0x90] =	vst v27;
	v24 =	vld [tilespmem:s7+$0x40]  }
0x1bd: {  	v11 =	vmul.f32 v14, v25;
	v7 =	vshll.u32 v56, $0x10;
	v62 =	vpop (erf);
	[tilespmem:s10+$0x0] =	vst v18  }
0x1be: {  	v7 =	vmul.f32 v7, v12;
	v29 =	vshll.u32 v61, $0x10;
	[tilespmem:s10+$0xFFFFFFB0] =	vst v62;
	v31 =	vld [tilespmem:s7+$0x10]  }
0x1bf: {  	v48 =	vperm.xlane v10, v1;
	v19 =	vand.u32 $0xFFFF0000, v61;
	[tilespmem:s8+$0x80] =	vst v11;
	v13 =	vmul.f32 v29, v13;
	v28 =	vld [tilespmem:s7+$0xFFFFFFE0]  }
0x1c0: {  	v30 =	vperm.xlane v60, v1;
	v19 =	vmul.f32 v19, v23;
	[tilespmem:s8+$0xFFFFFF70] =	vst v7;
	v52 =	vshll.u32 v38, $0x10  }
0x1c1: {  	v32 =	vperm.xlane v60, v2;
	[tilespmem:s8+$0xFFFFFFE0] =	vst v13;
	v15 =	vmul.f32 v52, v48;
	v33 =	vshll.u32 v24, $0x10  }
0x1c2: {  	v39 =	vperm.xlane v18, v2;
	v7 =	vld [tilespmem:s6+$0x20];
	[tilespmem:s8+$0xFFFFFFF0] =	vst v19;
	v35 =	vand.u32 $0xFFFF0000, v24;
	v8 =	vmul.f32 v33, v30  }
0x1c3: {  	v36 =	vperm.xlane v62, v2;
	v13 =	vmul.f32 v35, v32;
	v44 =	vand.u32 $0xFFFF0000, v31;
	[tilespmem:s10+$0xFFFFFF70] =	vst v15  }
0x1c4: {  	v43 =	vperm.xlane v62, v1;
	v42 =	vld [tilespmem:s6+$0xFFFFFFC0];
	v40 =	vand.u32 $0xFFFF0000, v28;
	v47 =	vmul.f32 v44, v39;
	[tilespmem:s10+$0x60] =	vst v8  }
0x1c5: {  	v46 =	vperm.xlane v18, v1;
	v14 =	vshll.u32 v28, $0x10;
	[tilespmem:s10+$0x70] =	vst v13;
	v45 =	vmul.f32 v40, v36  }
0x1c6: {  	v34 =	vperm.xlane v17, v3;
	v49 =	vshll.u32 v31, $0x10;
	v14 =	vmul.f32 v14, v43;
	[tilespmem:s10+$0x20] =	vst v47  }
0x1c7: {  	v50 =	vperm.xlane v10, v2;
	v37 =	vshll.u32 v7, $0x10;
	v17 =	vmul.f32 v49, v46;
	v51 =	vld [tilespmem:s7+$0x50];
	[tilespmem:s10+$0xFFFFFFD0] =	vst v45  }
0x1c8: {  	v53 =	vand.u32 $0xFFFF0000, v38;
	v41 =	vmul.f32 v37, v34;
	[tilespmem:s10+$0xFFFFFFC0] =	vst v14  }
0x1c9: {  	v6 =	vperm.xlane v6, v4;
	v54 =	vshll.u32 v42, $0x10;
	v8 =	vmul.f32 v53, v50;
	[tilespmem:s10+$0x10] =	vst v17;
	v55 =	vld [tilespmem:s7+$0xFFFFFFF0]  }
0x1ca: {  	v11 =	vand.u32 $0xFFFF0000, v42;
	v5 =	vmul.f32 v54, v5;
	[tilespmem:s8+$0x30] =	vst v41;
	v57 =	vld [tilespmem:s7+$0x20]  }
0x1cb: {  	v56 =	vperm.xlane v60, v4;
	v7 =	vand.u32 $0xFFFF0000, v7;
	v6 =	vmul.f32 v11, v6;
	[tilespmem:s10+$0xFFFFFF80] =	vst v8  }
0x1cc: {  	v58 =	vperm.xlane v60, v3;
	[tilespmem:s8+$0xFFFFFF90] =	vst v5;
	v5 =	vmul.f32 v7, v9;
	v59 =	vld [tilespmem:s7+$0xFFFFFFC0];
	v7 =	vand.u32 $0xFFFF0000, v51  }
0x1cd: {  	v60 =	vperm.xlane v62, v3;
	[tilespmem:s8+$0xFFFFFFA0] =	vst v6;
	v6 =	vshll.u32 v51, $0x10;
	v7 =	vmul.f32 v7, v56  }
0x1ce: {  	v61 =	vperm.xlane v18, v3;
	[tilespmem:s8+$0x40] =	vst v5;
	v5 =	vmul.f32 v6, v58;
	v6 =	vshll.u32 v55, $0x10  }
0x1cf: {  	v12 =	vperm.xlane v62, v4;
	v62 =	vshll.u32 v57, $0x10;
	v6 =	vmul.f32 v6, v60;
	[tilespmem:s10+$0x90] =	vst v7  }
0x1d0: {  	v13 =	vand.u32 $0xFFFF0000, v55;
	v8 =	vmul.f32 v62, v61;
	v7 =	vperm.xlane v10, v3;
	[tilespmem:s10+$0x80] =	vst v5  }
0x1d1: {  	s3 =	sadd.s32 $0x1, s3;
	v12 =	vmul.f32 v13, v12;
	v5 =	vshll.u32 v59, $0x10;
	[tilespmem:s10+$0xFFFFFFE0] =	vst v6;
	v6 =	vperm.xlane v10, v4  }
0x1d2: {  	p0 =	sne.s32 s3, $0x1B;
	v63 =	vperm.xlane v18, v4;
	v9 =	vand.u32 $0xFFFF0000, v59;
	[tilespmem:s10+$0x30] =	vst v8;
	v5 =	vmul.f32 v5, v7  }
.Ltmp4:
0x1d3: {  	[tilespmem:s10+$0xFFFFFFF0] =	vst v12;
	v7 =	vand.u32 $0xFFFF0000, v57;
	v6 =	vmul.f32 v9, v6;
	(pc) =	sbr.rel @p0 .LBB2_4-.Ltmp4, $4  }
0x1d4: {  	[tilespmem:s10+$0xFFFFFF90] =	vst v5;
	v5 =	vmul.f32 v7, v63  }
0x1d5: {  	[tilespmem:s10+$0xFFFFFFA0] =	vst v6  }
0x1d6: {  	[tilespmem:s10+$0x40] =	vst v5  }
0x1d7: {  	[spmem:s1] =	stream.indirect.scatter.add.f32 [tilespmem:s17], [sflag:$0x4], $0x50, s16, s18, $0xb8;
	[tilespmem:$0x1CC00] =	vst v63  }
0x1d8: {  	_ =	swait.ge [sflag:s28], $0x1800  }
0x1d9: {  	[sflag:s28] =	ssyncset.done $0x0  }
0x1da: {  	[sflag:s28] =	ssyncadd.s32 $0xFFFFE800  }
0x1db: {  	_ =	swait.ge [sflag:s28], $0x800  }
0x1dc: {  	[sflag:s28] =	ssyncset.done $0x0  }
0x1dd: {  	[sflag:s28] =	ssyncadd.s32 $0xFFFFF800  }
0x1de: {  	_ =	swait.ge [sflag:s29], $0x1800  }
0x1df: {  	[sflag:s29] =	ssyncset.done $0x0  }
0x1e0: {  	[sflag:s29] =	ssyncadd.s32 $0xFFFFE800  }
0x1e1: {  	_ =	swait.ge [sflag:s29], $0x800  }
0x1e2: {  	[sflag:s29] =	ssyncset.done $0x0  }
0x1e3: {  	[sflag:s29] =	ssyncadd.s32 $0xFFFFF800  }
0x1e4: {  	_ =	swait.ge [sflag:s0], $0x2800  }
0x1e5: {  	[sflag:s0] =	ssyncset.done $0x0  }
0x1e6: {  	s3 =	simm.s32 $0x5;
	[sflag:s0] =	ssyncadd.s32 $0xFFFFD800  }
0x1e7: {  	_ =	swait.ge [sflag:s3], $0x2800  }
0x1e8: {  	[sflag:s3] =	ssyncset.done $0x0  }
0x1e9: {  	[sflag:s3] =	ssyncadd.s32 $0xFFFFD800  }
0x1ea: {  	s22 =	stileid.u32;
	[bflag:$0x0] =	sbarrier.arrive $0xFFFF  }
0x1eb: {  	s3 =	sshll.u32 s22, $0x6;
	s6 =	rddreg [dreg:$0x5]  }
0x1ec: {  	s3 =	sor.u32 $0x1C06, s3;
	s7 =	rddreg [dreg:$0xc]  }
0x1ed: {  	[hbm:s6], [sflag:s3] =	dma.local [spmem:s7], $0x1900  }
0x1ee: {  	_ =	swait.ge [sflag:s15], $0x1900  }
0x1ef: {  	s2 =	sadd.s32 $0x1, s2;
	s25 =	rddreg [dreg:$0x7]  }
0x1f0: {  	p0 =	sne.s32 s2, s25  }
.Ltmp5:
0x1f1: {  	_ = 	snop;
	(pc) =	sbr.rel @p0 .LBB2_1-.Ltmp5, $3  }
0x1f2: {  	_ =	sdelay $0x1  }
0x1f3: {  	[sflag:s15] =	ssyncset.done $0x0  }
0x1f4: {  	s8 =	simm.s32 $0x2A00;
	[sflag:s15] =	ssyncadd.s32 $0xFFFFE700  }
0x1f5: {  	_ =	sfence.sel $0x180000  }
0x1f6: {  	[bflag:$0x0] =	sbarrier.arrive $0xFFFF  }
0x1f7: {  	_ =	strace $0x90000047  }
0x1f8: {  	s0 =	stileid.u32;
	[bflag:$0x2] =	sbarrier.arrive $0xFFFF  }
0x1f9: {  	p0 =	sne.s32 s0, $0x0;
	s0 =	rddreg [dreg:$0x2]  }
0x1fa: {  	s0 =	sadd.s32 @!p0 $0x100000, s0  }
0x1fb: {  	[sflag:s0] =	ssyncadd.tile.s32 @!p0 $0x1;
	_ =	shalt  }
.Lfunc_end2:
_tile_overlayer_lowered:
.L_overlay_start_2:
0x1fc: {  	(tag) =	ssettag $0x2  }
0x1fd: {  	s0 =	rddreg [dreg:$0x0];
	s2 =	stileid.u32  }
0x1fe: {  	s1 =	rddreg [dreg:$0x1];
	p0 =	sne.s32 s2, $0x0  }
0x1ff: {  	s3 =	rddreg [dreg:$0x2];
	[bflag:$0x3] =	sbarrier.arrive $0xFFFF;
	s2 =	simm.s32 @!p0 $0x1C06  }
0x200: {  	[timem:s3], [sflag:s2] =	dma.local @!p0 [hbm:s0], s1  }
0x201: {  	s0 =	simm.s32 @!p0 $0x6  }
0x202: {  	_ =	swait.ge @!p0 [sflag:s0], s1  }
0x203: {  	s1 =	ssub.s32 @!p0 $0x0, s1;
	[sflag:s0] =	ssyncset.done @!p0 $0x0  }
0x204: {  	[sflag:s0] =	ssyncadd.s32 @!p0 s1  }
0x205: {  	[bflag:$0x3] =	sbarrier.arrive $0xFFFF  }
0x206: {  	_ =	shalt  }

</sc_bundles>
